<compile_context>
chip_gen: v7x
topology: tpu7x:2x2x1
jax: 0.10.2.dev20260603
libtpu: 0.0.44.dev20260713+nightly
codegen_flags: <defaults>
</compile_context>

<pallas_src>
import jax
import jax.numpy as jnp
from jax import lax
from jax.experimental import pallas as pl
from jax.experimental.pallas import tpu as pltpu
from jax.experimental.pallas import tpu_sc as plsc

D = 768
H = 12
DH = 64
E = 64
F = 3072
TB = 128
NG = 104
NTOK = 4096

SC_NC = 2
SC_NS = 16
SC_NW = SC_NC * SC_NS
SC_ROWS = NTOK // SC_NW

_F32 = jnp.float32


def _qkv_kernel(x_ref, wq_ref, wk_ref, wv_ref, g_ref, b_ref,
                q_ref, k_ref, v_ref, wqb, wkb, wvb):
    @pl.when(pl.program_id(0) == 0)
    def _cast():
        wqb[...] = wq_ref[...].astype(jnp.bfloat16)
        wkb[...] = wk_ref[...].astype(jnp.bfloat16)
        wvb[...] = wv_ref[...].astype(jnp.bfloat16)

    x = x_ref[...]
    mu = jnp.mean(x, axis=1, keepdims=True)
    d = x - mu
    var = jnp.mean(d * d, axis=1, keepdims=True)
    h = d * lax.rsqrt(var + 1e-5) * g_ref[...] + b_ref[...]
    hb = h.astype(jnp.bfloat16)
    q_ref[...] = lax.dot_general(wqb[...], hb, (((0,), (1,)), ((), ())),
                                 preferred_element_type=_F32).astype(jnp.bfloat16)
    k_ref[...] = lax.dot_general(wkb[...], hb, (((0,), (1,)), ((), ())),
                                 preferred_element_type=_F32).astype(jnp.bfloat16)
    v_ref[...] = lax.dot_general(wvb[...], hb, (((0,), (1,)), ((), ())),
                                 preferred_element_type=_F32).astype(jnp.bfloat16)


def _qkv(x2d, Wq, Wk, Wv, g, b):
    n_blk = NTOK // 256
    spec_rows = pl.BlockSpec((256, D), lambda i: (i, 0))
    spec_cols = pl.BlockSpec((D, 256), lambda i: (0, i))
    spec_w = pl.BlockSpec((D, D), lambda i: (0, 0))
    spec_vec = pl.BlockSpec((1, D), lambda i: (0, 0))
    return pl.pallas_call(
        _qkv_kernel,
        grid=(n_blk,),
        in_specs=[spec_rows, spec_w, spec_w, spec_w, spec_vec, spec_vec],
        out_specs=[spec_cols, spec_cols, spec_cols],
        out_shape=[jax.ShapeDtypeStruct((D, NTOK), jnp.bfloat16)] * 3,
        scratch_shapes=[pltpu.VMEM((D, D), jnp.bfloat16)] * 3,
    )(x2d, Wq, Wk, Wv, g.reshape(1, D), b.reshape(1, D))


def _attn_kernel(q_ref, k_ref, v_ref, o_ref):
    s = lax.dot_general(q_ref[...] * jnp.bfloat16(1.0 / 8.0), k_ref[...],
                        (((0,), (0,)), ((), ())),
                        preferred_element_type=_F32).astype(jnp.bfloat16)
    m = jnp.max(s, axis=1, keepdims=True)
    p = jnp.exp(s - m)
    l = jnp.sum(p, axis=1, keepdims=True, dtype=_F32)
    o = lax.dot_general(v_ref[...], p, (((1,), (1,)), ((), ())),
                        preferred_element_type=_F32)
    o_ref[...] = (o * jnp.transpose(1.0 / l)).astype(jnp.bfloat16)


def _attention(q, k, v):
    QB = 2048
    nqb = 2048 // QB
    return pl.pallas_call(
        _attn_kernel,
        grid=(2, H, nqb),
        in_specs=[
            pl.BlockSpec((DH, QB), lambda bb, hh, qq: (hh, bb * nqb + qq)),
            pl.BlockSpec((DH, 2048), lambda bb, hh, qq: (hh, bb)),
            pl.BlockSpec((DH, 2048), lambda bb, hh, qq: (hh, bb)),
        ],
        out_specs=pl.BlockSpec((DH, QB), lambda bb, hh, qq: (hh, bb * nqb + qq)),
        out_shape=jax.ShapeDtypeStruct((D, NTOK), jnp.bfloat16),
    )(q, k, v)


def _post_kernel(a_ref, x_ref, wo_ref, rw_ref, g_ref, b_ref,
                 x2_ref, mi_ref, lg_ref, wob):
    @pl.when(pl.program_id(0) == 0)
    def _cast():
        wob[...] = wo_ref[...].astype(jnp.bfloat16)

    i = pl.program_id(0)
    ablk = a_ref[:, pl.ds(i * 256, 256)]
    x2 = x_ref[...] + lax.dot_general(ablk,
                                      wob[...],
                                      (((0,), (0,)), ((), ())),
                                      preferred_element_type=_F32)
    x2_ref[...] = x2
    mu = jnp.mean(x2, axis=1, keepdims=True)
    d = x2 - mu
    var = jnp.mean(d * d, axis=1, keepdims=True)
    mi = d * lax.rsqrt(var + 1e-5) * g_ref[...] + b_ref[...]
    mi_ref[...] = mi
    lg_ref[...] = jnp.dot(mi, rw_ref[...], preferred_element_type=_F32)


def _post_attn(attn, x2d, Wo, router_w, g, b):
    n_blk = NTOK // 256
    spec_rows = pl.BlockSpec((256, D), lambda i: (i, 0))
    return pl.pallas_call(
        _post_kernel,
        grid=(n_blk,),
        in_specs=[
            pl.BlockSpec((D, NTOK), lambda i: (0, 0)),
            spec_rows,
            pl.BlockSpec((D, D), lambda i: (0, 0)),
            pl.BlockSpec((D, E), lambda i: (0, 0)),
            pl.BlockSpec((1, D), lambda i: (0, 0)),
            pl.BlockSpec((1, D), lambda i: (0, 0)),
        ],
        out_specs=[spec_rows, spec_rows, pl.BlockSpec((256, E), lambda i: (i, 0))],
        out_shape=[
            jax.ShapeDtypeStruct((NTOK, D), _F32),
            jax.ShapeDtypeStruct((NTOK, D), _F32),
            jax.ShapeDtypeStruct((NTOK, E), _F32),
        ],
        scratch_shapes=[pltpu.VMEM((D, D), jnp.bfloat16)],
    )(attn, x2d, Wo, router_w, g.reshape(1, D), b.reshape(1, D))


def _route_kernel(lg_ref, pos_ref, e_ref, rs_ref, lo_ref, hi_ref):
    nblk = NTOK // TB
    lane = lax.broadcasted_iota(jnp.int32, (TB, E), 1).astype(_F32)
    ii = lax.broadcasted_iota(jnp.int32, (TB, TB), 0)
    jj = lax.broadcasted_iota(jnp.int32, (TB, TB), 1)
    tril = (jj < ii).astype(_F32)
    carry = jnp.zeros((1, E), _F32)
    ranks = []
    onehots = []
    for bi in range(nblk):
        lg = lg_ref[pl.ds(bi * TB, TB), :]
        m = jnp.max(lg, axis=1, keepdims=True)
        cand = jnp.where(lg >= m, lane, 1e9)
        eid = jnp.min(cand, axis=1, keepdims=True)
        oh = (lane == eid).astype(_F32)
        excl = jnp.dot(tril, oh, preferred_element_type=_F32) + carry
        ranks.append(jnp.sum(excl * oh, axis=1, keepdims=True))
        onehots.append(oh)
        carry = carry + jnp.sum(oh, axis=0, keepdims=True)
    counts = carry
    ei = lax.broadcasted_iota(jnp.int32, (E, E), 0)
    ej = lax.broadcasted_iota(jnp.int32, (E, E), 1)
    upper = (ei < ej).astype(_F32)
    offs = jnp.dot(counts, upper, preferred_element_type=_F32)
    for bi in range(nblk):
        off_tok = jnp.sum(onehots[bi] * offs, axis=1, keepdims=True)
        pos_ref[pl.ds(bi * TB, TB), :] = (ranks[bi] + off_tok).astype(jnp.int32)
    astart = jnp.floor(offs * 0.125) * 8.0
    span = (offs - astart) + counts
    nb = jnp.floor((span + (TB - 1)) * (1.0 / TB))
    boff = jnp.dot(nb, upper, preferred_element_type=_F32)
    g_col = lax.broadcasted_iota(jnp.int32, (NG, 1), 0).astype(_F32)
    ind = jnp.logical_and(g_col >= boff, g_col < boff + nb).astype(_F32)
    erow = lax.broadcasted_iota(jnp.int32, (1, E), 1).astype(_F32)
    cnt_g = jnp.sum(ind * counts, axis=1, keepdims=True)
    offs_g = jnp.sum(ind * offs, axis=1, keepdims=True)
    astart_g = jnp.sum(ind * astart, axis=1, keepdims=True)
    boff_g = jnp.sum(ind * boff, axis=1, keepdims=True)
    e_g = jnp.sum(ind * erow, axis=1, keepdims=True)
    k_g = g_col - boff_g
    win = astart_g + TB * k_g
    rstart = jnp.minimum(win, float(NTOK - TB))
    lo = jnp.maximum(offs_g, win) - rstart
    hi = jnp.minimum(offs_g + cnt_g, win + TB) - rstart
    hi = jnp.maximum(hi, lo)
    e_ref[...] = e_g.astype(jnp.int32)
    rs_ref[...] = rstart.astype(jnp.int32)
    lo_ref[...] = lo.astype(jnp.int32)
    hi_ref[...] = hi.astype(jnp.int32)


def _route(logits):
    return pl.pallas_call(
        _route_kernel,
        out_shape=[
            jax.ShapeDtypeStruct((NTOK, 1), jnp.int32),
            jax.ShapeDtypeStruct((NG, 1), jnp.int32),
            jax.ShapeDtypeStruct((NG, 1), jnp.int32),
            jax.ShapeDtypeStruct((NG, 1), jnp.int32),
            jax.ShapeDtypeStruct((NG, 1), jnp.int32),
        ],
    )(logits)


def _sc_scatter_rows(src, pos):
    mesh = plsc.VectorSubcoreMesh(core_axis_name="c", subcore_axis_name="s")

    def body(src_hbm, pos_hbm, out_hbm, idx_v, rows_v, sem):
        wid = lax.axis_index("s") * SC_NC + lax.axis_index("c")
        base = wid * SC_ROWS
        pltpu.sync_copy(pos_hbm.at[pl.ds(base, SC_ROWS)], idx_v)
        pltpu.sync_copy(src_hbm.at[pl.ds(base, SC_ROWS)], rows_v)
        pltpu.async_copy(rows_v, out_hbm.at[idx_v], sem).wait()

    return pl.kernel(
        body,
        out_type=jax.ShapeDtypeStruct((NTOK, D), _F32),
        mesh=mesh,
        scratch_types=[
            pltpu.VMEM((SC_ROWS,), jnp.int32),
            pltpu.VMEM((SC_ROWS, D), _F32),
            pltpu.SemaphoreType.DMA,
        ],
    )(src, pos)


def _sc_gather_rows(table, pos):
    mesh = plsc.VectorSubcoreMesh(core_axis_name="c", subcore_axis_name="s")

    def body(tab_hbm, pos_hbm, out_hbm, idx_v, rows_v, sem):
        wid = lax.axis_index("s") * SC_NC + lax.axis_index("c")
        base = wid * SC_ROWS
        pltpu.sync_copy(pos_hbm.at[pl.ds(base, SC_ROWS)], idx_v)
        pltpu.async_copy(tab_hbm.at[idx_v], rows_v, sem).wait()
        pltpu.sync_copy(rows_v, out_hbm.at[pl.ds(base, SC_ROWS)])

    return pl.kernel(
        body,
        out_type=jax.ShapeDtypeStruct((NTOK, D), _F32),
        mesh=mesh,
        scratch_types=[
            pltpu.VMEM((SC_ROWS,), jnp.int32),
            pltpu.VMEM((SC_ROWS, D), _F32),
            pltpu.SemaphoreType.DMA,
        ],
    )(table, pos)


def _ffn_kernel(e_ref, rs_ref, lo_ref, hi_ref,
                ts_ref, w1_ref, b1_ref, w2_ref, b2_ref, out_ref):
    g = pl.program_id(0)

    @pl.when(g == 0)
    def _init():
        out_ref[...] = jnp.zeros((NTOK, D), _F32)

    @pl.when(hi_ref[g] > lo_ref[g])
    def _body():
        rs = pl.multiple_of(rs_ref[g], 8)
        xblk = ts_ref[pl.ds(rs, TB), :].astype(jnp.bfloat16)
        h = jnp.dot(xblk, w1_ref[0].astype(jnp.bfloat16),
                    preferred_element_type=_F32) + b1_ref[0]
        h = jax.nn.gelu(h).astype(jnp.bfloat16)
        y = jnp.dot(h, w2_ref[0].astype(jnp.bfloat16),
                    preferred_element_type=_F32) + b2_ref[0]
        rows = lax.broadcasted_iota(jnp.int32, (TB, 1), 0)
        mask = jnp.logical_and(rows >= lo_ref[g], rows < hi_ref[g])
        y = jnp.where(mask, y, 0.0)
        out_ref[pl.ds(rs, TB), :] = out_ref[pl.ds(rs, TB), :] + y


def _grouped_ffn(ts, We1, be1, We2, be2, e_arr, rs_arr, lo_arr, hi_arr):
    grid_spec = pltpu.PrefetchScalarGridSpec(
        num_scalar_prefetch=4,
        grid=(NG,),
        in_specs=[
            pl.BlockSpec((NTOK, D), lambda g, e, r, lo, hi: (0, 0)),
            pl.BlockSpec((1, D, F), lambda g, e, r, lo, hi: (e[g], 0, 0)),
            pl.BlockSpec((1, 1, F), lambda g, e, r, lo, hi: (e[g], 0, 0)),
            pl.BlockSpec((1, F, D), lambda g, e, r, lo, hi: (e[g], 0, 0)),
            pl.BlockSpec((1, 1, D), lambda g, e, r, lo, hi: (e[g], 0, 0)),
        ],
        out_specs=pl.BlockSpec((NTOK, D), lambda g, e, r, lo, hi: (0, 0)),
    )
    return pl.pallas_call(
        _ffn_kernel,
        grid_spec=grid_spec,
        out_shape=jax.ShapeDtypeStruct((NTOK, D), _F32),
        compiler_params=pltpu.CompilerParams(vmem_limit_bytes=100 * 2**20),
    )(e_arr, rs_arr, lo_arr, hi_arr, ts,
      We1, be1.reshape(E, 1, F), We2, be2.reshape(E, 1, D))


def _final_kernel(x2_ref, gth_ref, lg_ref, out_ref):
    lg = lg_ref[...]
    m = jnp.max(lg, axis=1, keepdims=True)
    w = 1.0 / jnp.sum(jnp.exp(lg - m), axis=1, keepdims=True)
    out_ref[...] = x2_ref[...] + w * gth_ref[...]


def _finalize(x2, gathered, logits):
    n_blk = NTOK // 256
    spec_rows = pl.BlockSpec((256, D), lambda i: (i, 0))
    return pl.pallas_call(
        _final_kernel,
        grid=(n_blk,),
        in_specs=[spec_rows, spec_rows, pl.BlockSpec((256, E), lambda i: (i, 0))],
        out_specs=spec_rows,
        out_shape=jax.ShapeDtypeStruct((NTOK, D), _F32),
    )(x2, gathered, logits)


def kernel(x, Wq, Wk, Wv, Wo, ln1_g, ln1_b, ln2_g, ln2_b,
           router_w, We1, be1, We2, be2):
    x2d = x.reshape(NTOK, D)
    q, k, v = _qkv(x2d, Wq, Wk, Wv, ln1_g, ln1_b)
    attn = _attention(q, k, v)
    x2, moe_in, logits = _post_attn(attn, x2d, Wo, router_w, ln2_g, ln2_b)
    pos, e_t, rs_t, lo_t, hi_t = _route(logits)
    pos1d = pos.reshape(NTOK)
    ts = _sc_scatter_rows(moe_in, pos1d)
    ffn = _grouped_ffn(ts, We1, be1, We2, be2,
                       e_t.reshape(NG), rs_t.reshape(NG),
                       lo_t.reshape(NG), hi_t.reshape(NG))
    gathered = _sc_gather_rows(ffn, pos1d)
    out = _finalize(x2, gathered, logits)
    return out.reshape(2, 2048, D)

# --- scband reference (transcript-rebuilt; emitter-appended) ---
"""Pipeline reference for scband-pipelined-mo-eblock-12249246728962 (READ-ONLY COPY).

The authoritative reference and input builder live on the scoring server;
editing this copy changes nothing except your own understanding.
"""

import jax, jax.numpy as jnp
import numpy as np

D = 768; H = 12; DH = 64; E = 64; K = 1; F = 3072

def _ln(x, g, b):
    m = jnp.mean(x, axis=-1, keepdims=True)
    v = jnp.var(x, axis=-1, keepdims=True)
    return (x - m) / jnp.sqrt(v + 1e-5) * g + b

def _attn(h, Wq, Wk, Wv, Wo):
    B, S, _ = h.shape
    q = (h @ Wq).reshape(B, S, H, DH).transpose(0, 2, 1, 3)
    k = (h @ Wk).reshape(B, S, H, DH).transpose(0, 2, 1, 3)
    v = (h @ Wv).reshape(B, S, H, DH).transpose(0, 2, 1, 3)
    s = jnp.einsum('bhqd,bhkd->bhqk', q, k) / np.sqrt(DH).astype(np.float32)
    p = jax.nn.softmax(s, axis=-1)
    o = jnp.einsum('bhqk,bhkd->bhqd', p, v)
    o = o.transpose(0, 2, 1, 3).reshape(B, S, D)
    return o @ Wo

def _moe_chunk(c, router_w, We1, be1, We2, be2):
    B, S, _ = c.shape
    t = c.reshape(-1, D)
    probs = jax.nn.softmax(t @ router_w, axis=-1)
    w, idx = jax.lax.top_k(probs, K)
    eid = idx[:, 0]
    def body(acc, inp):
        e, W1, b1, W2, b2 = inp
        y = jax.nn.gelu(t @ W1 + b1) @ W2 + b2
        mask = (eid == e)[:, None].astype(t.dtype)
        return acc + y * mask, None
    init = jnp.zeros_like(t)
    out, _ = jax.lax.scan(body, init, (jnp.arange(E), We1, be1, We2, be2))
    out = out * w[:, 0:1]
    return out.reshape(B, S, D)

def setup_inputs(seed: int = 0):
    key = jax.random.key(seed)
    ks = jax.random.split(key, 12)
    sc = 0.02
    return {
        'x': jax.random.normal(ks[0], (2, 2048, D), jnp.float32),
        'Wq': jax.random.normal(ks[1], (D, D), jnp.float32) * sc,
        'Wk': jax.random.normal(ks[2], (D, D), jnp.float32) * sc,
        'Wv': jax.random.normal(ks[3], (D, D), jnp.float32) * sc,
        'Wo': jax.random.normal(ks[4], (D, D), jnp.float32) * sc,
        'ln1_g': jnp.ones((D,), jnp.float32),
        'ln1_b': jnp.zeros((D,), jnp.float32),
        'ln2_g': jnp.ones((D,), jnp.float32),
        'ln2_b': jnp.zeros((D,), jnp.float32),
        'router_w': jax.random.normal(ks[5], (D, E), jnp.float32) * sc,
        'We1': jax.random.normal(ks[6], (E, D, F), jnp.float32) * sc,
        'be1': jnp.zeros((E, F), jnp.float32),
        'We2': jax.random.normal(ks[7], (E, F, D), jnp.float32) * sc,
        'be2': jnp.zeros((E, D), jnp.float32),
    }

def reference(x, Wq, Wk, Wv, Wo, ln1_g, ln1_b, ln2_g, ln2_b, router_w, We1, be1, We2, be2):
    # Standard: attention + residual
    h = _ln(x, ln1_g, ln1_b)
    x = x + _attn(h, Wq, Wk, Wv, Wo)
    moe_in = _ln(x, ln2_g, ln2_b)
    # Pipeline: chunk(2, dim=0); pipelining is a scheduling detail, math is per-chunk MoE
    c1, c2 = jnp.split(moe_in, 2, axis=0)
    r1, r2 = jnp.split(x, 2, axis=0)
    o1 = _moe_chunk(c1, router_w, We1, be1, We2, be2) + r1
    o2 = _moe_chunk(c2, router_w, We1, be1, We2, be2) + r2
    return jnp.concatenate([o1, o2], axis=0)

if __name__ == "__main__":
    import jax
    _d = setup_inputs()
    print(jax.jit(kernel)(*tuple(_d.values())))

</pallas_src>

<mosaic_0001>
#map = affine_map<(d0, d1) -> (0, 0)>
#map1 = affine_map<(d0, d1) -> (0)>
module attributes {stable_mosaic.version = 14 : i64} {
  func.func @body(%arg0: i32, %arg1: i32, %arg2: memref<4096x768xf32, #tpu.memory_space<hbm>>, %arg3: memref<4096xi32, #tpu.memory_space<hbm>>, %arg4: memref<4096x768xf32, #tpu.memory_space<hbm>>, %arg5: memref<128xi32, #tpu.memory_space<vmem>>, %arg6: memref<128x768xf32, #tpu.memory_space<vmem>>, %arg7: memref<!tpu.dma_semaphore, #tpu.memory_space<semaphore_mem>>) attributes {dimension_semantics = [#tpu.dimension_semantics<core_parallel>, #tpu.dimension_semantics<subcore_parallel>], iteration_bounds = array<i64: 2, 16>, scalar_prefetch = 0 : i64, scratch_operands = 3 : i64, tpu.core_type = #tpu.core_type<sc_vector_subcore>, window_params = [{transform_indices = #map}, {transform_indices = #map1}, {transform_indices = #map}]} {
    %mul3A = arith.constant 2 : i32
    %mul3A_0 = arith.muli %arg1, %mul3A : i32
    %add3A = arith.addi %mul3A_0, %arg0 : i32
    %mul3A_1 = arith.constant 128 : i32
    %mul3A_2 = arith.muli %add3A, %mul3A_1 : i32
    "tpu.region"() ({
      %run_scoped3A = tpu.sem_alloc : memref<!tpu.dma_semaphore, #tpu.memory_space<semaphore_mem>>
      %dma_start3A_7 = tpu.memref_slice %arg3[%mul3A_2] : memref<4096xi32, #tpu.memory_space<hbm>> -> memref<128xi32, #tpu.memory_space<hbm>>
      %dma_start3A_8 = tpu.memref_slice %arg3[%mul3A_2] : memref<4096xi32, #tpu.memory_space<hbm>> -> memref<128xi32, #tpu.memory_space<hbm>>
      tpu.enqueue_dma source(%dma_start3A_8 : memref<128xi32, #tpu.memory_space<hbm>>) target(%arg5 : memref<128xi32, #tpu.memory_space<vmem>>) target_semaphore(%run_scoped3A : memref<!tpu.dma_semaphore, #tpu.memory_space<semaphore_mem>>)
      %dma_wait3A_9 = tpu.memref_slice %arg3[%mul3A_2] : memref<4096xi32, #tpu.memory_space<hbm>> -> memref<128xi32, #tpu.memory_space<hbm>>
      %dma_wait3A_10 = tpu.memref_slice %arg3[%mul3A_2] : memref<4096xi32, #tpu.memory_space<hbm>> -> memref<128xi32, #tpu.memory_space<hbm>>
      tpu.wait_dma2 semaphore(%run_scoped3A : memref<!tpu.dma_semaphore, #tpu.memory_space<semaphore_mem>>) src(%dma_wait3A_10 : memref<128xi32, #tpu.memory_space<hbm>>) dst(%arg5 : memref<128xi32, #tpu.memory_space<vmem>>)
      tpu.yield
    }) : () -> ()
    %dma_start3A = arith.constant 0 : i32
    %dma_start3A_3 = arith.constant 0 : i32
    %dma_start3A_4 = tpu.memref_slice %arg2[%dma_start3A, %dma_start3A_3] : memref<4096x768xf32, #tpu.memory_space<hbm>> -> memref<4096x768xf32, #tpu.memory_space<hbm>>
    tpu.enqueue_indirect_dma source(%dma_start3A_4 : memref<4096x768xf32, #tpu.memory_space<hbm>>) target(%arg6 : memref<128x768xf32, #tpu.memory_space<vmem>>) offsets(%arg5 : memref<128xi32, #tpu.memory_space<vmem>>) semaphore(%arg7 : memref<!tpu.dma_semaphore, #tpu.memory_space<semaphore_mem>>)
    %dma_wait3A = arith.constant 0 : i32
    %dma_wait3A_5 = arith.constant 0 : i32
    %dma_wait3A_6 = tpu.memref_slice %arg2[%dma_wait3A, %dma_wait3A_5] : memref<4096x768xf32, #tpu.memory_space<hbm>> -> memref<4096x768xf32, #tpu.memory_space<hbm>>
    tpu.wait_indirect_dma semaphore(%arg7 : memref<!tpu.dma_semaphore, #tpu.memory_space<semaphore_mem>>) src(%dma_wait3A_6 : memref<4096x768xf32, #tpu.memory_space<hbm>>) dst(%arg6 : memref<128x768xf32, #tpu.memory_space<vmem>>)
    "tpu.region"() ({
      %run_scoped3A = tpu.sem_alloc : memref<!tpu.dma_semaphore, #tpu.memory_space<semaphore_mem>>
      %dma_start3A_7 = arith.constant 0 : i32
      %dma_start3A_8 = tpu.memref_slice %arg4[%mul3A_2, %dma_start3A_7] : memref<4096x768xf32, #tpu.memory_space<hbm>> -> memref<128x768xf32, #tpu.memory_space<hbm>>
      %dma_start3A_9 = arith.constant 0 : i32
      %dma_start3A_10 = tpu.memref_slice %arg4[%mul3A_2, %dma_start3A_9] : memref<4096x768xf32, #tpu.memory_space<hbm>> -> memref<128x768xf32, #tpu.memory_space<hbm>>
      tpu.enqueue_dma source(%arg6 : memref<128x768xf32, #tpu.memory_space<vmem>>) target(%dma_start3A_10 : memref<128x768xf32, #tpu.memory_space<hbm>>) target_semaphore(%run_scoped3A : memref<!tpu.dma_semaphore, #tpu.memory_space<semaphore_mem>>)
      %dma_wait3A_11 = arith.constant 0 : i32
      %dma_wait3A_12 = tpu.memref_slice %arg4[%mul3A_2, %dma_wait3A_11] : memref<4096x768xf32, #tpu.memory_space<hbm>> -> memref<128x768xf32, #tpu.memory_space<hbm>>
      %dma_wait3A_13 = arith.constant 0 : i32
      %dma_wait3A_14 = tpu.memref_slice %arg4[%mul3A_2, %dma_wait3A_13] : memref<4096x768xf32, #tpu.memory_space<hbm>> -> memref<128x768xf32, #tpu.memory_space<hbm>>
      tpu.wait_dma2 semaphore(%run_scoped3A : memref<!tpu.dma_semaphore, #tpu.memory_space<semaphore_mem>>) src(%arg6 : memref<128x768xf32, #tpu.memory_space<vmem>>) dst(%dma_wait3A_14 : memref<128x768xf32, #tpu.memory_space<hbm>>)
      tpu.yield
    }) : () -> ()
    return
  }
}

#map = affine_map<(d0, d1) -> (0, 0)>
#map1 = affine_map<(d0, d1) -> (0)>
module attributes {stable_mosaic.version = 14 : i64} {
  func.func @body(%arg0: i32, %arg1: i32, %arg2: memref<4096x768xf32, #tpu.memory_space<hbm>>, %arg3: memref<4096xi32, #tpu.memory_space<hbm>>, %arg4: memref<4096x768xf32, #tpu.memory_space<hbm>>, %arg5: memref<128xi32, #tpu.memory_space<vmem>>, %arg6: memref<128x768xf32, #tpu.memory_space<vmem>>, %arg7: memref<!tpu.dma_semaphore, #tpu.memory_space<semaphore_mem>>) attributes {dimension_semantics = [#tpu.dimension_semantics<core_parallel>, #tpu.dimension_semantics<subcore_parallel>], iteration_bounds = array<i64: 2, 16>, scalar_prefetch = 0 : i64, scratch_operands = 3 : i64, tpu.core_type = #tpu.core_type<sc_vector_subcore>, window_params = [{transform_indices = #map}, {transform_indices = #map1}, {transform_indices = #map}]} {
    %mul3A = arith.constant 2 : i32
    %mul3A_0 = arith.muli %arg1, %mul3A : i32
    %add3A = arith.addi %mul3A_0, %arg0 : i32
    %mul3A_1 = arith.constant 128 : i32
    %mul3A_2 = arith.muli %add3A, %mul3A_1 : i32
    "tpu.region"() ({
      %run_scoped3A = tpu.sem_alloc : memref<!tpu.dma_semaphore, #tpu.memory_space<semaphore_mem>>
      %dma_start3A_7 = tpu.memref_slice %arg3[%mul3A_2] : memref<4096xi32, #tpu.memory_space<hbm>> -> memref<128xi32, #tpu.memory_space<hbm>>
      %dma_start3A_8 = tpu.memref_slice %arg3[%mul3A_2] : memref<4096xi32, #tpu.memory_space<hbm>> -> memref<128xi32, #tpu.memory_space<hbm>>
      tpu.enqueue_dma source(%dma_start3A_8 : memref<128xi32, #tpu.memory_space<hbm>>) target(%arg5 : memref<128xi32, #tpu.memory_space<vmem>>) target_semaphore(%run_scoped3A : memref<!tpu.dma_semaphore, #tpu.memory_space<semaphore_mem>>)
      %dma_wait3A_9 = tpu.memref_slice %arg3[%mul3A_2] : memref<4096xi32, #tpu.memory_space<hbm>> -> memref<128xi32, #tpu.memory_space<hbm>>
      %dma_wait3A_10 = tpu.memref_slice %arg3[%mul3A_2] : memref<4096xi32, #tpu.memory_space<hbm>> -> memref<128xi32, #tpu.memory_space<hbm>>
      tpu.wait_dma2 semaphore(%run_scoped3A : memref<!tpu.dma_semaphore, #tpu.memory_space<semaphore_mem>>) src(%dma_wait3A_10 : memref<128xi32, #tpu.memory_space<hbm>>) dst(%arg5 : memref<128xi32, #tpu.memory_space<vmem>>)
      tpu.yield
    }) : () -> ()
    "tpu.region"() ({
      %run_scoped3A = tpu.sem_alloc : memref<!tpu.dma_semaphore, #tpu.memory_space<semaphore_mem>>
      %dma_start3A_7 = arith.constant 0 : i32
      %dma_start3A_8 = tpu.memref_slice %arg2[%mul3A_2, %dma_start3A_7] : memref<4096x768xf32, #tpu.memory_space<hbm>> -> memref<128x768xf32, #tpu.memory_space<hbm>>
      %dma_start3A_9 = arith.constant 0 : i32
      %dma_start3A_10 = tpu.memref_slice %arg2[%mul3A_2, %dma_start3A_9] : memref<4096x768xf32, #tpu.memory_space<hbm>> -> memref<128x768xf32, #tpu.memory_space<hbm>>
      tpu.enqueue_dma source(%dma_start3A_10 : memref<128x768xf32, #tpu.memory_space<hbm>>) target(%arg6 : memref<128x768xf32, #tpu.memory_space<vmem>>) target_semaphore(%run_scoped3A : memref<!tpu.dma_semaphore, #tpu.memory_space<semaphore_mem>>)
      %dma_wait3A_11 = arith.constant 0 : i32
      %dma_wait3A_12 = tpu.memref_slice %arg2[%mul3A_2, %dma_wait3A_11] : memref<4096x768xf32, #tpu.memory_space<hbm>> -> memref<128x768xf32, #tpu.memory_space<hbm>>
      %dma_wait3A_13 = arith.constant 0 : i32
      %dma_wait3A_14 = tpu.memref_slice %arg2[%mul3A_2, %dma_wait3A_13] : memref<4096x768xf32, #tpu.memory_space<hbm>> -> memref<128x768xf32, #tpu.memory_space<hbm>>
      tpu.wait_dma2 semaphore(%run_scoped3A : memref<!tpu.dma_semaphore, #tpu.memory_space<semaphore_mem>>) src(%dma_wait3A_14 : memref<128x768xf32, #tpu.memory_space<hbm>>) dst(%arg6 : memref<128x768xf32, #tpu.memory_space<vmem>>)
      tpu.yield
    }) : () -> ()
    %dma_start3A = arith.constant 0 : i32
    %dma_start3A_3 = arith.constant 0 : i32
    %dma_start3A_4 = tpu.memref_slice %arg4[%dma_start3A, %dma_start3A_3] : memref<4096x768xf32, #tpu.memory_space<hbm>> -> memref<4096x768xf32, #tpu.memory_space<hbm>>
    tpu.enqueue_indirect_dma source(%arg6 : memref<128x768xf32, #tpu.memory_space<vmem>>) target(%dma_start3A_4 : memref<4096x768xf32, #tpu.memory_space<hbm>>) offsets(%arg5 : memref<128xi32, #tpu.memory_space<vmem>>) semaphore(%arg7 : memref<!tpu.dma_semaphore, #tpu.memory_space<semaphore_mem>>)
    %dma_wait3A = arith.constant 0 : i32
    %dma_wait3A_5 = arith.constant 0 : i32
    %dma_wait3A_6 = tpu.memref_slice %arg4[%dma_wait3A, %dma_wait3A_5] : memref<4096x768xf32, #tpu.memory_space<hbm>> -> memref<4096x768xf32, #tpu.memory_space<hbm>>
    tpu.wait_indirect_dma semaphore(%arg7 : memref<!tpu.dma_semaphore, #tpu.memory_space<semaphore_mem>>) src(%arg6 : memref<128x768xf32, #tpu.memory_space<vmem>>) dst(%dma_wait3A_6 : memref<4096x768xf32, #tpu.memory_space<hbm>>)
    return
  }
}

module attributes {stable_mosaic.version = 14 : i64} {
  func.func @_qkv_kernel(%arg0: i32, %arg1: memref<256x768xf32, #tpu.memory_space<vmem>>, %arg2: memref<768x768xf32, #tpu.memory_space<vmem>>, %arg3: memref<768x768xf32, #tpu.memory_space<vmem>>, %arg4: memref<768x768xf32, #tpu.memory_space<vmem>>, %arg5: memref<1x768xf32, #tpu.memory_space<vmem>>, %arg6: memref<1x768xf32, #tpu.memory_space<vmem>>, %arg7: memref<768x256xbf16, #tpu.memory_space<vmem>>, %arg8: memref<768x256xbf16, #tpu.memory_space<vmem>>, %arg9: memref<768x256xbf16, #tpu.memory_space<vmem>>, %arg10: memref<768x768xbf16, #tpu.memory_space<vmem>>, %arg11: memref<768x768xbf16, #tpu.memory_space<vmem>>, %arg12: memref<768x768xbf16, #tpu.memory_space<vmem>>) attributes {dimension_semantics = [#tpu.dimension_semantics<arbitrary>], iteration_bounds = array<i64: 16>, scalar_prefetch = 0 : i64, scratch_operands = 3 : i64, tpu.core_type = #tpu.core_type<tc>, window_params = [{transform_indices = @transform_0, window_bounds = array<i64: 256, 768>}, {pipeline_mode = #tpu.pipeline_mode<synchronous>, transform_indices = @transform_1, window_bounds = array<i64: 768, 768>}, {pipeline_mode = #tpu.pipeline_mode<synchronous>, transform_indices = @transform_2, window_bounds = array<i64: 768, 768>}, {pipeline_mode = #tpu.pipeline_mode<synchronous>, transform_indices = @transform_3, window_bounds = array<i64: 768, 768>}, {pipeline_mode = #tpu.pipeline_mode<synchronous>, transform_indices = @transform_4, window_bounds = array<i64: 1, 768>}, {pipeline_mode = #tpu.pipeline_mode<synchronous>, transform_indices = @transform_5, window_bounds = array<i64: 1, 768>}, {transform_indices = @transform_6, window_bounds = array<i64: 768, 256>}, {transform_indices = @transform_7, window_bounds = array<i64: 768, 256>}, {transform_indices = @transform_8, window_bounds = array<i64: 768, 256>}]} {
    %eq3A = arith.constant 0 : i32
    %eq3A_0 = arith.cmpi eq, %arg0, %eq3A : i32
    %convert_element_type3A = arith.extui %eq3A_0 : i1 to i32
    %cond3A = arith.constant 0 : i32
    %cond3A_1 = arith.cmpi ne, %convert_element_type3A, %cond3A : i32
    scf.if %cond3A_1 {
      %get3A_54 = arith.constant 0 : index
      %get3A_55 = arith.constant 0 : index
      %get3A_56 = vector.load %arg2[%get3A_54, %get3A_55] : memref<768x768xf32, #tpu.memory_space<vmem>>, vector<768x768xf32>
      %convert_element_type3A_57 = arith.truncf %get3A_56 : vector<768x768xf32> to vector<768x768xbf16>
      %swap3A_58 = arith.constant 0 : index
      %swap3A_59 = arith.constant 0 : index
      %swap3A_60 = vector.load %arg10[%swap3A_58, %swap3A_59] : memref<768x768xbf16, #tpu.memory_space<vmem>>, vector<768x768xbf16>
      tpu.vector_store %arg10[%swap3A_58, %swap3A_59], %convert_element_type3A_57 {strides = array<i32>} : memref<768x768xbf16, #tpu.memory_space<vmem>>, vector<768x768xbf16>,
      %get3A_61 = arith.constant 0 : index
      %get3A_62 = arith.constant 0 : index
      %get3A_63 = vector.load %arg3[%get3A_61, %get3A_62] : memref<768x768xf32, #tpu.memory_space<vmem>>, vector<768x768xf32>
      %convert_element_type3A_64 = arith.truncf %get3A_63 : vector<768x768xf32> to vector<768x768xbf16>
      %swap3A_65 = arith.constant 0 : index
      %swap3A_66 = arith.constant 0 : index
      %swap3A_67 = vector.load %arg11[%swap3A_65, %swap3A_66] : memref<768x768xbf16, #tpu.memory_space<vmem>>, vector<768x768xbf16>
      tpu.vector_store %arg11[%swap3A_65, %swap3A_66], %convert_element_type3A_64 {strides = array<i32>} : memref<768x768xbf16, #tpu.memory_space<vmem>>, vector<768x768xbf16>,
      %get3A_68 = arith.constant 0 : index
      %get3A_69 = arith.constant 0 : index
      %get3A_70 = vector.load %arg4[%get3A_68, %get3A_69] : memref<768x768xf32, #tpu.memory_space<vmem>>, vector<768x768xf32>
      %convert_element_type3A_71 = arith.truncf %get3A_70 : vector<768x768xf32> to vector<768x768xbf16>
      %swap3A_72 = arith.constant 0 : index
      %swap3A_73 = arith.constant 0 : index
      %swap3A_74 = vector.load %arg12[%swap3A_72, %swap3A_73] : memref<768x768xbf16, #tpu.memory_space<vmem>>, vector<768x768xbf16>
      tpu.vector_store %arg12[%swap3A_72, %swap3A_73], %convert_element_type3A_71 {strides = array<i32>} : memref<768x768xbf16, #tpu.memory_space<vmem>>, vector<768x768xbf16>,
    } else {
    }
    %get3A = arith.constant 0 : index
    %get3A_2 = arith.constant 0 : index
    %get3A_3 = vector.load %arg1[%get3A, %get3A_2] : memref<256x768xf32, #tpu.memory_space<vmem>>, vector<256x768xf32>
    %reduce_sum3A = arith.constant dense<0.000000e+00> : vector<256xf32>
    %reduce_sum3A_4 = vector.multi_reduction <add>, %get3A_3, %reduce_sum3A [1] : vector<256x768xf32> to vector<256xf32>
    %broadcast_in_dim3A = vector.shape_cast %reduce_sum3A_4 : vector<256xf32> to vector<256x1xf32>
    %div3A = arith.constant 7.680000e+02 : f32
    %div3A_5 = vector.broadcast %div3A : f32 to vector<256x1xf32>
    %div3A_6 = arith.divf %broadcast_in_dim3A, %div3A_5 : vector<256x1xf32>
    %sub3A = vector.broadcast %div3A_6 : vector<256x1xf32> to vector<256x768xf32>
    %sub3A_7 = arith.subf %get3A_3, %sub3A : vector<256x768xf32>
    %mul3A = arith.mulf %sub3A_7, %sub3A_7 : vector<256x768xf32>
    %reduce_sum3A_8 = arith.constant dense<0.000000e+00> : vector<256xf32>
    %reduce_sum3A_9 = vector.multi_reduction <add>, %mul3A, %reduce_sum3A_8 [1] : vector<256x768xf32> to vector<256xf32>
    %broadcast_in_dim3A_10 = vector.shape_cast %reduce_sum3A_9 : vector<256xf32> to vector<256x1xf32>
    %div3A_11 = arith.constant 7.680000e+02 : f32
    %div3A_12 = vector.broadcast %div3A_11 : f32 to vector<256x1xf32>
    %div3A_13 = arith.divf %broadcast_in_dim3A_10, %div3A_12 : vector<256x1xf32>
    %add3A = arith.constant 9.99999974E-6 : f32
    %add3A_14 = vector.broadcast %add3A : f32 to vector<256x1xf32>
    %add3A_15 = arith.addf %div3A_13, %add3A_14 : vector<256x1xf32>
    %rsqrt3A = math.rsqrt %add3A_15 : vector<256x1xf32>
    %mul3A_16 = vector.broadcast %rsqrt3A : vector<256x1xf32> to vector<256x768xf32>
    %mul3A_17 = arith.mulf %sub3A_7, %mul3A_16 : vector<256x768xf32>
    %get3A_18 = arith.constant 0 : index
    %get3A_19 = arith.constant 0 : index
    %get3A_20 = vector.load %arg5[%get3A_18, %get3A_19] : memref<1x768xf32, #tpu.memory_space<vmem>>, vector<1x768xf32>
    %mul3A_21 = vector.broadcast %get3A_20 : vector<1x768xf32> to vector<256x768xf32>
    %mul3A_22 = arith.mulf %mul3A_17, %mul3A_21 : vector<256x768xf32>
    %get3A_23 = arith.constant 0 : index
    %get3A_24 = arith.constant 0 : index
    %get3A_25 = vector.load %arg6[%get3A_23, %get3A_24] : memref<1x768xf32, #tpu.memory_space<vmem>>, vector<1x768xf32>
    %add3A_26 = vector.broadcast %get3A_25 : vector<1x768xf32> to vector<256x768xf32>
    %add3A_27 = arith.addf %mul3A_22, %add3A_26 : vector<256x768xf32>
    %convert_element_type3A_28 = arith.truncf %add3A_27 : vector<256x768xf32> to vector<256x768xbf16>
    %get3A_29 = arith.constant 0 : index
    %get3A_30 = arith.constant 0 : index
    %get3A_31 = vector.load %arg10[%get3A_29, %get3A_30] : memref<768x768xbf16, #tpu.memory_space<vmem>>, vector<768x768xbf16>
    %dot_general3A = arith.constant dense<0.000000e+00> : vector<768x256xf32>
    %dot_general3A_32 = tpu.matmul %get3A_31, %convert_element_type3A_28, %dot_general3A {dimension_numbers = #tpu.dot_dimension_numbers<[0], [1], [1], [0], [0, 1, 1, 0], [], []>, transpose_lhs_hint = false} : vector<768x768xbf16>, vector<256x768xbf16>, vector<768x256xf32> -> vector<768x256xf32>
    %convert_element_type3A_33 = arith.truncf %dot_general3A_32 : vector<768x256xf32> to vector<768x256xbf16>
    %swap3A = arith.constant 0 : index
    %swap3A_34 = arith.constant 0 : index
    %swap3A_35 = vector.load %arg7[%swap3A, %swap3A_34] : memref<768x256xbf16, #tpu.memory_space<vmem>>, vector<768x256xbf16>
    tpu.vector_store %arg7[%swap3A, %swap3A_34], %convert_element_type3A_33 {strides = array<i32>} : memref<768x256xbf16, #tpu.memory_space<vmem>>, vector<768x256xbf16>,
    %get3A_36 = arith.constant 0 : index
    %get3A_37 = arith.constant 0 : index
    %get3A_38 = vector.load %arg11[%get3A_36, %get3A_37] : memref<768x768xbf16, #tpu.memory_space<vmem>>, vector<768x768xbf16>
    %dot_general3A_39 = arith.constant dense<0.000000e+00> : vector<768x256xf32>
    %dot_general3A_40 = tpu.matmul %get3A_38, %convert_element_type3A_28, %dot_general3A_39 {dimension_numbers = #tpu.dot_dimension_numbers<[0], [1], [1], [0], [0, 1, 1, 0], [], []>, transpose_lhs_hint = false} : vector<768x768xbf16>, vector<256x768xbf16>, vector<768x256xf32> -> vector<768x256xf32>
    %convert_element_type3A_41 = arith.truncf %dot_general3A_40 : vector<768x256xf32> to vector<768x256xbf16>
    %swap3A_42 = arith.constant 0 : index
    %swap3A_43 = arith.constant 0 : index
    %swap3A_44 = vector.load %arg8[%swap3A_42, %swap3A_43] : memref<768x256xbf16, #tpu.memory_space<vmem>>, vector<768x256xbf16>
    tpu.vector_store %arg8[%swap3A_42, %swap3A_43], %convert_element_type3A_41 {strides = array<i32>} : memref<768x256xbf16, #tpu.memory_space<vmem>>, vector<768x256xbf16>,
    %get3A_45 = arith.constant 0 : index
    %get3A_46 = arith.constant 0 : index
    %get3A_47 = vector.load %arg12[%get3A_45, %get3A_46] : memref<768x768xbf16, #tpu.memory_space<vmem>>, vector<768x768xbf16>
    %dot_general3A_48 = arith.constant dense<0.000000e+00> : vector<768x256xf32>
    %dot_general3A_49 = tpu.matmul %get3A_47, %convert_element_type3A_28, %dot_general3A_48 {dimension_numbers = #tpu.dot_dimension_numbers<[0], [1], [1], [0], [0, 1, 1, 0], [], []>, transpose_lhs_hint = false} : vector<768x768xbf16>, vector<256x768xbf16>, vector<768x256xf32> -> vector<768x256xf32>
    %convert_element_type3A_50 = arith.truncf %dot_general3A_49 : vector<768x256xf32> to vector<768x256xbf16>
    %swap3A_51 = arith.constant 0 : index
    %swap3A_52 = arith.constant 0 : index
    %swap3A_53 = vector.load %arg9[%swap3A_51, %swap3A_52] : memref<768x256xbf16, #tpu.memory_space<vmem>>, vector<768x256xbf16>
    tpu.vector_store %arg9[%swap3A_51, %swap3A_52], %convert_element_type3A_50 {strides = array<i32>} : memref<768x256xbf16, #tpu.memory_space<vmem>>, vector<768x256xbf16>,
    return
  }
  func.func @transform_0(%arg0: i32) -> (i32, i32) {
    %c0_i32 = arith.constant 0 : i32
    %c0_i32_0 = arith.constant 0 : i32
    return %arg0, %c0_i32 : i32, i32
  }
  func.func @transform_1(%arg0: i32) -> (i32, i32) {
    %c0_i32 = arith.constant 0 : i32
    %c0_i32_0 = arith.constant 0 : i32
    %c0_i32_1 = arith.constant 0 : i32
    return %c0_i32, %c0_i32_0 : i32, i32
  }
  func.func @transform_2(%arg0: i32) -> (i32, i32) {
    %c0_i32 = arith.constant 0 : i32
    %c0_i32_0 = arith.constant 0 : i32
    %c0_i32_1 = arith.constant 0 : i32
    return %c0_i32, %c0_i32_0 : i32, i32
  }
  func.func @transform_3(%arg0: i32) -> (i32, i32) {
    %c0_i32 = arith.constant 0 : i32
    %c0_i32_0 = arith.constant 0 : i32
    %c0_i32_1 = arith.constant 0 : i32
    return %c0_i32, %c0_i32_0 : i32, i32
  }
  func.func @transform_4(%arg0: i32) -> (i32, i32) {
    %c0_i32 = arith.constant 0 : i32
    %c0_i32_0 = arith.constant 0 : i32
    %c0_i32_1 = arith.constant 0 : i32
    return %c0_i32, %c0_i32_0 : i32, i32
  }
  func.func @transform_5(%arg0: i32) -> (i32, i32) {
    %c0_i32 = arith.constant 0 : i32
    %c0_i32_0 = arith.constant 0 : i32
    %c0_i32_1 = arith.constant 0 : i32
    return %c0_i32, %c0_i32_0 : i32, i32
  }
  func.func @transform_6(%arg0: i32) -> (i32, i32) {
    %c0_i32 = arith.constant 0 : i32
    %c0_i32_0 = arith.constant 0 : i32
    return %c0_i32, %arg0 : i32, i32
  }
  func.func @transform_7(%arg0: i32) -> (i32, i32) {
    %c0_i32 = arith.constant 0 : i32
    %c0_i32_0 = arith.constant 0 : i32
    return %c0_i32, %arg0 : i32, i32
  }
  func.func @transform_8(%arg0: i32) -> (i32, i32) {
    %c0_i32 = arith.constant 0 : i32
    %c0_i32_0 = arith.constant 0 : i32
    return %c0_i32, %arg0 : i32, i32
  }
}

module attributes {stable_mosaic.version = 14 : i64} {
  func.func @_attn_kernel(%arg0: i32, %arg1: i32, %arg2: i32, %arg3: memref<64x2048xbf16, #tpu.memory_space<vmem>>, %arg4: memref<64x2048xbf16, #tpu.memory_space<vmem>>, %arg5: memref<64x2048xbf16, #tpu.memory_space<vmem>>, %arg6: memref<64x2048xbf16, #tpu.memory_space<vmem>>) attributes {dimension_semantics = [#tpu.dimension_semantics<arbitrary>, #tpu.dimension_semantics<arbitrary>, #tpu.dimension_semantics<arbitrary>], iteration_bounds = array<i64: 2, 12, 1>, scalar_prefetch = 0 : i64, scratch_operands = 0 : i64, tpu.core_type = #tpu.core_type<tc>, window_params = [{transform_indices = @transform_0, window_bounds = array<i64: 64, 2048>}, {transform_indices = @transform_1, window_bounds = array<i64: 64, 2048>}, {transform_indices = @transform_2, window_bounds = array<i64: 64, 2048>}, {transform_indices = @transform_3, window_bounds = array<i64: 64, 2048>}]} {
    %get3A = arith.constant 0 : index
    %get3A_0 = arith.constant 0 : index
    %get3A_1 = vector.load %arg3[%get3A, %get3A_0] : memref<64x2048xbf16, #tpu.memory_space<vmem>>, vector<64x2048xbf16>
    %mul3A = arith.constant 1.250000e-01 : bf16
    %mul3A_2 = vector.broadcast %mul3A : bf16 to vector<64x2048xbf16>
    %mul3A_3 = arith.mulf %get3A_1, %mul3A_2 : vector<64x2048xbf16>
    %get3A_4 = arith.constant 0 : index
    %get3A_5 = arith.constant 0 : index
    %get3A_6 = vector.load %arg4[%get3A_4, %get3A_5] : memref<64x2048xbf16, #tpu.memory_space<vmem>>, vector<64x2048xbf16>
    %dot_general3A = arith.constant dense<0.000000e+00> : vector<2048x2048xf32>
    %dot_general3A_7 = tpu.matmul %mul3A_3, %get3A_6, %dot_general3A {dimension_numbers = #tpu.dot_dimension_numbers<[0], [0], [1], [1], [0, 1, 1, 1], [], []>, transpose_lhs_hint = false} : vector<64x2048xbf16>, vector<64x2048xbf16>, vector<2048x2048xf32> -> vector<2048x2048xf32>
    %convert_element_type3A = arith.truncf %dot_general3A_7 : vector<2048x2048xf32> to vector<2048x2048xbf16>
    %reduce_max3A = arith.constant dense<0xFF80> : vector<2048xbf16>
    %reduce_max3A_8 = vector.multi_reduction <maximumf>, %convert_element_type3A, %reduce_max3A [1] : vector<2048x2048xbf16> to vector<2048xbf16>
    %broadcast_in_dim3A = vector.shape_cast %reduce_max3A_8 : vector<2048xbf16> to vector<2048x1xbf16>
    %sub3A = vector.broadcast %broadcast_in_dim3A : vector<2048x1xbf16> to vector<2048x2048xbf16>
    %sub3A_9 = arith.subf %convert_element_type3A, %sub3A : vector<2048x2048xbf16>
    %exp3A = math.exp %sub3A_9 : vector<2048x2048xbf16>
    %convert_element_type3A_10 = arith.extf %exp3A : vector<2048x2048xbf16> to vector<2048x2048xf32>
    %reduce_sum3A = arith.constant dense<0.000000e+00> : vector<2048xf32>
    %reduce_sum3A_11 = vector.multi_reduction <add>, %convert_element_type3A_10, %reduce_sum3A [1] : vector<2048x2048xf32> to vector<2048xf32>
    %broadcast_in_dim3A_12 = vector.shape_cast %reduce_sum3A_11 : vector<2048xf32> to vector<2048x1xf32>
    %get3A_13 = arith.constant 0 : index
    %get3A_14 = arith.constant 0 : index
    %get3A_15 = vector.load %arg5[%get3A_13, %get3A_14] : memref<64x2048xbf16, #tpu.memory_space<vmem>>, vector<64x2048xbf16>
    %dot_general3A_16 = arith.constant dense<0.000000e+00> : vector<64x2048xf32>
    %dot_general3A_17 = tpu.matmul %get3A_15, %exp3A, %dot_general3A_16 {dimension_numbers = #tpu.dot_dimension_numbers<[1], [1], [0], [0], [0, 0, 1, 0], [], []>, transpose_lhs_hint = false} : vector<64x2048xbf16>, vector<2048x2048xbf16>, vector<64x2048xf32> -> vector<64x2048xf32>
    %div3A = arith.constant 1.000000e+00 : f32
    %div3A_18 = vector.broadcast %div3A : f32 to vector<2048x1xf32>
    %div3A_19 = arith.divf %div3A_18, %broadcast_in_dim3A_12 : vector<2048x1xf32>
    %transpose3A = tpu.transpose %div3A_19, [1, 0] : vector<2048x1xf32> -> vector<1x2048xf32>
    %mul3A_20 = vector.broadcast %transpose3A : vector<1x2048xf32> to vector<64x2048xf32>
    %mul3A_21 = arith.mulf %dot_general3A_17, %mul3A_20 : vector<64x2048xf32>
    %convert_element_type3A_22 = arith.truncf %mul3A_21 : vector<64x2048xf32> to vector<64x2048xbf16>
    %swap3A = arith.constant 0 : index
    %swap3A_23 = arith.constant 0 : index
    %swap3A_24 = vector.load %arg6[%swap3A, %swap3A_23] : memref<64x2048xbf16, #tpu.memory_space<vmem>>, vector<64x2048xbf16>
    tpu.vector_store %arg6[%swap3A, %swap3A_23], %convert_element_type3A_22 {strides = array<i32>} : memref<64x2048xbf16, #tpu.memory_space<vmem>>, vector<64x2048xbf16>,
    return
  }
  func.func @transform_0(%arg0: i32, %arg1: i32, %arg2: i32) -> (i32, i32) {
    %mul3A = arith.constant 1 : i32
    %mul3A_0 = arith.muli %arg0, %mul3A : i32
    %add3A = arith.addi %mul3A_0, %arg2 : i32
    %c0_i32 = arith.constant 0 : i32
    return %arg1, %add3A : i32, i32
  }
  func.func @transform_1(%arg0: i32, %arg1: i32, %arg2: i32) -> (i32, i32) {
    %c0_i32 = arith.constant 0 : i32
    return %arg1, %arg0 : i32, i32
  }
  func.func @transform_2(%arg0: i32, %arg1: i32, %arg2: i32) -> (i32, i32) {
    %c0_i32 = arith.constant 0 : i32
    return %arg1, %arg0 : i32, i32
  }
  func.func @transform_3(%arg0: i32, %arg1: i32, %arg2: i32) -> (i32, i32) {
    %mul3A = arith.constant 1 : i32
    %mul3A_0 = arith.muli %arg0, %mul3A : i32
    %add3A = arith.addi %mul3A_0, %arg2 : i32
    %c0_i32 = arith.constant 0 : i32
    return %arg1, %add3A : i32, i32
  }
}

module attributes {stable_mosaic.version = 14 : i64} {
  func.func @_post_kernel(%arg0: i32, %arg1: memref<768x4096xbf16, #tpu.memory_space<vmem>>, %arg2: memref<256x768xf32, #tpu.memory_space<vmem>>, %arg3: memref<768x768xf32, #tpu.memory_space<vmem>>, %arg4: memref<768x64xf32, #tpu.memory_space<vmem>>, %arg5: memref<1x768xf32, #tpu.memory_space<vmem>>, %arg6: memref<1x768xf32, #tpu.memory_space<vmem>>, %arg7: memref<256x768xf32, #tpu.memory_space<vmem>>, %arg8: memref<256x768xf32, #tpu.memory_space<vmem>>, %arg9: memref<256x64xf32, #tpu.memory_space<vmem>>, %arg10: memref<768x768xbf16, #tpu.memory_space<vmem>>) attributes {dimension_semantics = [#tpu.dimension_semantics<arbitrary>], iteration_bounds = array<i64: 16>, scalar_prefetch = 0 : i64, scratch_operands = 1 : i64, tpu.core_type = #tpu.core_type<tc>, window_params = [{pipeline_mode = #tpu.pipeline_mode<synchronous>, transform_indices = @transform_0, window_bounds = array<i64: 768, 4096>}, {transform_indices = @transform_1, window_bounds = array<i64: 256, 768>}, {pipeline_mode = #tpu.pipeline_mode<synchronous>, transform_indices = @transform_2, window_bounds = array<i64: 768, 768>}, {pipeline_mode = #tpu.pipeline_mode<synchronous>, transform_indices = @transform_3, window_bounds = array<i64: 768, 64>}, {pipeline_mode = #tpu.pipeline_mode<synchronous>, transform_indices = @transform_4, window_bounds = array<i64: 1, 768>}, {pipeline_mode = #tpu.pipeline_mode<synchronous>, transform_indices = @transform_5, window_bounds = array<i64: 1, 768>}, {transform_indices = @transform_6, window_bounds = array<i64: 256, 768>}, {transform_indices = @transform_7, window_bounds = array<i64: 256, 768>}, {transform_indices = @transform_8, window_bounds = array<i64: 256, 64>}]} {
    %eq3A = arith.constant 0 : i32
    %eq3A_0 = arith.cmpi eq, %arg0, %eq3A : i32
    %convert_element_type3A = arith.extui %eq3A_0 : i1 to i32
    %cond3A = arith.constant 0 : i32
    %cond3A_1 = arith.cmpi ne, %convert_element_type3A, %cond3A : i32
    scf.if %cond3A_1 {
      %get3A_51 = arith.constant 0 : index
      %get3A_52 = arith.constant 0 : index
      %get3A_53 = vector.load %arg3[%get3A_51, %get3A_52] : memref<768x768xf32, #tpu.memory_space<vmem>>, vector<768x768xf32>
      %convert_element_type3A_54 = arith.truncf %get3A_53 : vector<768x768xf32> to vector<768x768xbf16>
      %swap3A_55 = arith.constant 0 : index
      %swap3A_56 = arith.constant 0 : index
      %swap3A_57 = vector.load %arg10[%swap3A_55, %swap3A_56] : memref<768x768xbf16, #tpu.memory_space<vmem>>, vector<768x768xbf16>
      tpu.vector_store %arg10[%swap3A_55, %swap3A_56], %convert_element_type3A_54 {strides = array<i32>} : memref<768x768xbf16, #tpu.memory_space<vmem>>, vector<768x768xbf16>,
    } else {
    }
    %mul3A = arith.constant 256 : i32
    %mul3A_2 = arith.muli %arg0, %mul3A : i32
    %get3A = arith.constant 0 : index
    %get3A_3 = arith.index_cast %mul3A_2 : i32 to index
    %get3A_4 = vector.load %arg1[%get3A, %get3A_3] : memref<768x4096xbf16, #tpu.memory_space<vmem>>, vector<768x256xbf16>
    %get3A_5 = arith.constant 0 : index
    %get3A_6 = arith.constant 0 : index
    %get3A_7 = vector.load %arg2[%get3A_5, %get3A_6] : memref<256x768xf32, #tpu.memory_space<vmem>>, vector<256x768xf32>
    %get3A_8 = arith.constant 0 : index
    %get3A_9 = arith.constant 0 : index
    %get3A_10 = vector.load %arg10[%get3A_8, %get3A_9] : memref<768x768xbf16, #tpu.memory_space<vmem>>, vector<768x768xbf16>
    %dot_general3A = arith.constant dense<0.000000e+00> : vector<256x768xf32>
    %dot_general3A_11 = tpu.matmul %get3A_4, %get3A_10, %dot_general3A {dimension_numbers = #tpu.dot_dimension_numbers<[0], [0], [1], [1], [0, 1, 1, 1], [], []>, transpose_lhs_hint = false} : vector<768x256xbf16>, vector<768x768xbf16>, vector<256x768xf32> -> vector<256x768xf32>
    %add3A = arith.addf %get3A_7, %dot_general3A_11 : vector<256x768xf32>
    %swap3A = arith.constant 0 : index
    %swap3A_12 = arith.constant 0 : index
    %swap3A_13 = vector.load %arg7[%swap3A, %swap3A_12] : memref<256x768xf32, #tpu.memory_space<vmem>>, vector<256x768xf32>
    tpu.vector_store %arg7[%swap3A, %swap3A_12], %add3A {strides = array<i32>} : memref<256x768xf32, #tpu.memory_space<vmem>>, vector<256x768xf32>,
    %reduce_sum3A = arith.constant dense<0.000000e+00> : vector<256xf32>
    %reduce_sum3A_14 = vector.multi_reduction <add>, %add3A, %reduce_sum3A [1] : vector<256x768xf32> to vector<256xf32>
    %broadcast_in_dim3A = vector.shape_cast %reduce_sum3A_14 : vector<256xf32> to vector<256x1xf32>
    %div3A = arith.constant 7.680000e+02 : f32
    %div3A_15 = vector.broadcast %div3A : f32 to vector<256x1xf32>
    %div3A_16 = arith.divf %broadcast_in_dim3A, %div3A_15 : vector<256x1xf32>
    %sub3A = vector.broadcast %div3A_16 : vector<256x1xf32> to vector<256x768xf32>
    %sub3A_17 = arith.subf %add3A, %sub3A : vector<256x768xf32>
    %mul3A_18 = arith.mulf %sub3A_17, %sub3A_17 : vector<256x768xf32>
    %reduce_sum3A_19 = arith.constant dense<0.000000e+00> : vector<256xf32>
    %reduce_sum3A_20 = vector.multi_reduction <add>, %mul3A_18, %reduce_sum3A_19 [1] : vector<256x768xf32> to vector<256xf32>
    %broadcast_in_dim3A_21 = vector.shape_cast %reduce_sum3A_20 : vector<256xf32> to vector<256x1xf32>
    %div3A_22 = arith.constant 7.680000e+02 : f32
    %div3A_23 = vector.broadcast %div3A_22 : f32 to vector<256x1xf32>
    %div3A_24 = arith.divf %broadcast_in_dim3A_21, %div3A_23 : vector<256x1xf32>
    %add3A_25 = arith.constant 9.99999974E-6 : f32
    %add3A_26 = vector.broadcast %add3A_25 : f32 to vector<256x1xf32>
    %add3A_27 = arith.addf %div3A_24, %add3A_26 : vector<256x1xf32>
    %rsqrt3A = math.rsqrt %add3A_27 : vector<256x1xf32>
    %mul3A_28 = vector.broadcast %rsqrt3A : vector<256x1xf32> to vector<256x768xf32>
    %mul3A_29 = arith.mulf %sub3A_17, %mul3A_28 : vector<256x768xf32>
    %get3A_30 = arith.constant 0 : index
    %get3A_31 = arith.constant 0 : index
    %get3A_32 = vector.load %arg5[%get3A_30, %get3A_31] : memref<1x768xf32, #tpu.memory_space<vmem>>, vector<1x768xf32>
    %mul3A_33 = vector.broadcast %get3A_32 : vector<1x768xf32> to vector<256x768xf32>
    %mul3A_34 = arith.mulf %mul3A_29, %mul3A_33 : vector<256x768xf32>
    %get3A_35 = arith.constant 0 : index
    %get3A_36 = arith.constant 0 : index
    %get3A_37 = vector.load %arg6[%get3A_35, %get3A_36] : memref<1x768xf32, #tpu.memory_space<vmem>>, vector<1x768xf32>
    %add3A_38 = vector.broadcast %get3A_37 : vector<1x768xf32> to vector<256x768xf32>
    %add3A_39 = arith.addf %mul3A_34, %add3A_38 : vector<256x768xf32>
    %swap3A_40 = arith.constant 0 : index
    %swap3A_41 = arith.constant 0 : index
    %swap3A_42 = vector.load %arg8[%swap3A_40, %swap3A_41] : memref<256x768xf32, #tpu.memory_space<vmem>>, vector<256x768xf32>
    tpu.vector_store %arg8[%swap3A_40, %swap3A_41], %add3A_39 {strides = array<i32>} : memref<256x768xf32, #tpu.memory_space<vmem>>, vector<256x768xf32>,
    %get3A_43 = arith.constant 0 : index
    %get3A_44 = arith.constant 0 : index
    %get3A_45 = vector.load %arg4[%get3A_43, %get3A_44] : memref<768x64xf32, #tpu.memory_space<vmem>>, vector<768x64xf32>
    %dot_general3A_46 = arith.constant dense<0.000000e+00> : vector<256x64xf32>
    %dot_general3A_47 = tpu.matmul %add3A_39, %get3A_45, %dot_general3A_46 {dimension_numbers = #tpu.dot_dimension_numbers<[1], [0], [0], [1], [0, 0, 1, 1], [], []>, transpose_lhs_hint = false} : vector<256x768xf32>, vector<768x64xf32>, vector<256x64xf32> -> vector<256x64xf32>
    %swap3A_48 = arith.constant 0 : index
    %swap3A_49 = arith.constant 0 : index
    %swap3A_50 = vector.load %arg9[%swap3A_48, %swap3A_49] : memref<256x64xf32, #tpu.memory_space<vmem>>, vector<256x64xf32>
    tpu.vector_store %arg9[%swap3A_48, %swap3A_49], %dot_general3A_47 {strides = array<i32>} : memref<256x64xf32, #tpu.memory_space<vmem>>, vector<256x64xf32>,
    return
  }
  func.func @transform_0(%arg0: i32) -> (i32, i32) {
    %c0_i32 = arith.constant 0 : i32
    %c0_i32_0 = arith.constant 0 : i32
    %c0_i32_1 = arith.constant 0 : i32
    return %c0_i32, %c0_i32_0 : i32, i32
  }
  func.func @transform_1(%arg0: i32) -> (i32, i32) {
    %c0_i32 = arith.constant 0 : i32
    %c0_i32_0 = arith.constant 0 : i32
    return %arg0, %c0_i32 : i32, i32
  }
  func.func @transform_2(%arg0: i32) -> (i32, i32) {
    %c0_i32 = arith.constant 0 : i32
    %c0_i32_0 = arith.constant 0 : i32
    %c0_i32_1 = arith.constant 0 : i32
    return %c0_i32, %c0_i32_0 : i32, i32
  }
  func.func @transform_3(%arg0: i32) -> (i32, i32) {
    %c0_i32 = arith.constant 0 : i32
    %c0_i32_0 = arith.constant 0 : i32
    %c0_i32_1 = arith.constant 0 : i32
    return %c0_i32, %c0_i32_0 : i32, i32
  }
  func.func @transform_4(%arg0: i32) -> (i32, i32) {
    %c0_i32 = arith.constant 0 : i32
    %c0_i32_0 = arith.constant 0 : i32
    %c0_i32_1 = arith.constant 0 : i32
    return %c0_i32, %c0_i32_0 : i32, i32
  }
  func.func @transform_5(%arg0: i32) -> (i32, i32) {
    %c0_i32 = arith.constant 0 : i32
    %c0_i32_0 = arith.constant 0 : i32
    %c0_i32_1 = arith.constant 0 : i32
    return %c0_i32, %c0_i32_0 : i32, i32
  }
  func.func @transform_6(%arg0: i32) -> (i32, i32) {
    %c0_i32 = arith.constant 0 : i32
    %c0_i32_0 = arith.constant 0 : i32
    return %arg0, %c0_i32 : i32, i32
  }
  func.func @transform_7(%arg0: i32) -> (i32, i32) {
    %c0_i32 = arith.constant 0 : i32
    %c0_i32_0 = arith.constant 0 : i32
    return %arg0, %c0_i32 : i32, i32
  }
  func.func @transform_8(%arg0: i32) -> (i32, i32) {
    %c0_i32 = arith.constant 0 : i32
    %c0_i32_0 = arith.constant 0 : i32
    return %arg0, %c0_i32 : i32, i32
  }
}

module attributes {stable_mosaic.version = 14 : i64} {
  func.func @_route_kernel(%arg0: memref<4096x64xf32, #tpu.memory_space<vmem>>, %arg1: memref<4096x1xi32, #tpu.memory_space<vmem>>, %arg2: memref<104x1xi32, #tpu.memory_space<vmem>>, %arg3: memref<104x1xi32, #tpu.memory_space<vmem>>, %arg4: memref<104x1xi32, #tpu.memory_space<vmem>>, %arg5: memref<104x1xi32, #tpu.memory_space<vmem>>) attributes {dimension_semantics = [], scalar_prefetch = 0 : i64, scratch_operands = 0 : i64, tpu.core_type = #tpu.core_type<tc>} {
    %iota3A = tpu.iota {dimensions = array<i32: 1>} : vector<128x64xi32>
    %convert_element_type3A = arith.sitofp %iota3A : vector<128x64xi32> to vector<128x64xf32>
    %iota3A_0 = tpu.iota {dimensions = array<i32: 0>} : vector<128x128xi32>
    %iota3A_1 = tpu.iota {dimensions = array<i32: 1>} : vector<128x128xi32>
    %lt3A = arith.cmpi slt, %iota3A_1, %iota3A_0 : vector<128x128xi32>
    %convert_element_type3A_2 = arith.extui %lt3A : vector<128x128xi1> to vector<128x128xi32>
    %convert_element_type3A_3 = arith.sitofp %convert_element_type3A_2 : vector<128x128xi32> to vector<128x128xf32>
    %broadcast_in_dim3A = arith.constant 0.000000e+00 : f32
    %broadcast_in_dim3A_4 = vector.broadcast %broadcast_in_dim3A : f32 to vector<1x64xf32>
    %get3A = arith.constant 0 : index
    %get3A_5 = arith.constant 0 : index
    %get3A_6 = vector.load %arg0[%get3A, %get3A_5] : memref<4096x64xf32, #tpu.memory_space<vmem>>, vector<128x64xf32>
    %reduce_max3A = arith.constant dense<0xFF800000> : vector<128xf32>
    %reduce_max3A_7 = vector.multi_reduction <maximumf>, %get3A_6, %reduce_max3A [1] : vector<128x64xf32> to vector<128xf32>
    %broadcast_in_dim3A_8 = vector.shape_cast %reduce_max3A_7 : vector<128xf32> to vector<128x1xf32>
    %ge3A = vector.broadcast %broadcast_in_dim3A_8 : vector<128x1xf32> to vector<128x64xf32>
    %ge3A_9 = arith.cmpf oge, %get3A_6, %ge3A : vector<128x64xf32>
    %jit3A = arith.constant 1.000000e+09 : f32
    %broadcast_in_dim3A_10 = vector.broadcast %jit3A : f32 to vector<128x64xf32>
    %select_n3A = arith.select %ge3A_9, %convert_element_type3A, %broadcast_in_dim3A_10 : vector<128x64xi1>, vector<128x64xf32>
    %reduce_min3A = arith.constant dense<0x7F800000> : vector<128xf32>
    %reduce_min3A_11 = vector.multi_reduction <minimumf>, %select_n3A, %reduce_min3A [1] : vector<128x64xf32> to vector<128xf32>
    %broadcast_in_dim3A_12 = vector.shape_cast %reduce_min3A_11 : vector<128xf32> to vector<128x1xf32>
    %eq3A = vector.broadcast %broadcast_in_dim3A_12 : vector<128x1xf32> to vector<128x64xf32>
    %eq3A_13 = arith.cmpf oeq, %convert_element_type3A, %eq3A : vector<128x64xf32>
    %convert_element_type3A_14 = arith.extui %eq3A_13 : vector<128x64xi1> to vector<128x64xi32>
    %convert_element_type3A_15 = arith.sitofp %convert_element_type3A_14 : vector<128x64xi32> to vector<128x64xf32>
    %dot_general3A = arith.constant dense<0.000000e+00> : vector<128x64xf32>
    %dot_general3A_16 = tpu.matmul %convert_element_type3A_3, %convert_element_type3A_15, %dot_general3A {dimension_numbers = #tpu.dot_dimension_numbers<[1], [0], [0], [1], [0, 0, 1, 1], [], []>, transpose_lhs_hint = false} : vector<128x128xf32>, vector<128x64xf32>, vector<128x64xf32> -> vector<128x64xf32>
    %add3A = vector.broadcast %broadcast_in_dim3A_4 : vector<1x64xf32> to vector<128x64xf32>
    %add3A_17 = arith.addf %dot_general3A_16, %add3A : vector<128x64xf32>
    %mul3A = arith.mulf %add3A_17, %convert_element_type3A_15 : vector<128x64xf32>
    %reduce_sum3A = arith.constant dense<0.000000e+00> : vector<128xf32>
    %reduce_sum3A_18 = vector.multi_reduction <add>, %mul3A, %reduce_sum3A [1] : vector<128x64xf32> to vector<128xf32>
    %broadcast_in_dim3A_19 = vector.shape_cast %reduce_sum3A_18 : vector<128xf32> to vector<128x1xf32>
    %reduce_sum3A_20 = arith.constant dense<0.000000e+00> : vector<64xf32>
    %reduce_sum3A_21 = vector.multi_reduction <add>, %convert_element_type3A_15, %reduce_sum3A_20 [0] : vector<128x64xf32> to vector<64xf32>
    %broadcast_in_dim3A_22 = vector.shape_cast %reduce_sum3A_21 : vector<64xf32> to vector<1x64xf32>
    %add3A_23 = arith.addf %broadcast_in_dim3A_4, %broadcast_in_dim3A_22 : vector<1x64xf32>
    %get3A_24 = arith.constant 128 : index
    %get3A_25 = arith.constant 0 : index
    %get3A_26 = vector.load %arg0[%get3A_24, %get3A_25] : memref<4096x64xf32, #tpu.memory_space<vmem>>, vector<128x64xf32>
    %reduce_max3A_27 = arith.constant dense<0xFF800000> : vector<128xf32>
    %reduce_max3A_28 = vector.multi_reduction <maximumf>, %get3A_26, %reduce_max3A_27 [1] : vector<128x64xf32> to vector<128xf32>
    %broadcast_in_dim3A_29 = vector.shape_cast %reduce_max3A_28 : vector<128xf32> to vector<128x1xf32>
    %ge3A_30 = vector.broadcast %broadcast_in_dim3A_29 : vector<128x1xf32> to vector<128x64xf32>
    %ge3A_31 = arith.cmpf oge, %get3A_26, %ge3A_30 : vector<128x64xf32>
    %jit3A_32 = arith.constant 1.000000e+09 : f32
    %broadcast_in_dim3A_33 = vector.broadcast %jit3A_32 : f32 to vector<128x64xf32>
    %select_n3A_34 = arith.select %ge3A_31, %convert_element_type3A, %broadcast_in_dim3A_33 : vector<128x64xi1>, vector<128x64xf32>
    %reduce_min3A_35 = arith.constant dense<0x7F800000> : vector<128xf32>
    %reduce_min3A_36 = vector.multi_reduction <minimumf>, %select_n3A_34, %reduce_min3A_35 [1] : vector<128x64xf32> to vector<128xf32>
    %broadcast_in_dim3A_37 = vector.shape_cast %reduce_min3A_36 : vector<128xf32> to vector<128x1xf32>
    %eq3A_38 = vector.broadcast %broadcast_in_dim3A_37 : vector<128x1xf32> to vector<128x64xf32>
    %eq3A_39 = arith.cmpf oeq, %convert_element_type3A, %eq3A_38 : vector<128x64xf32>
    %convert_element_type3A_40 = arith.extui %eq3A_39 : vector<128x64xi1> to vector<128x64xi32>
    %convert_element_type3A_41 = arith.sitofp %convert_element_type3A_40 : vector<128x64xi32> to vector<128x64xf32>
    %dot_general3A_42 = arith.constant dense<0.000000e+00> : vector<128x64xf32>
    %dot_general3A_43 = tpu.matmul %convert_element_type3A_3, %convert_element_type3A_41, %dot_general3A_42 {dimension_numbers = #tpu.dot_dimension_numbers<[1], [0], [0], [1], [0, 0, 1, 1], [], []>, transpose_lhs_hint = false} : vector<128x128xf32>, vector<128x64xf32>, vector<128x64xf32> -> vector<128x64xf32>
    %add3A_44 = vector.broadcast %add3A_23 : vector<1x64xf32> to vector<128x64xf32>
    %add3A_45 = arith.addf %dot_general3A_43, %add3A_44 : vector<128x64xf32>
    %mul3A_46 = arith.mulf %add3A_45, %convert_element_type3A_41 : vector<128x64xf32>
    %reduce_sum3A_47 = arith.constant dense<0.000000e+00> : vector<128xf32>
    %reduce_sum3A_48 = vector.multi_reduction <add>, %mul3A_46, %reduce_sum3A_47 [1] : vector<128x64xf32> to vector<128xf32>
    %broadcast_in_dim3A_49 = vector.shape_cast %reduce_sum3A_48 : vector<128xf32> to vector<128x1xf32>
    %reduce_sum3A_50 = arith.constant dense<0.000000e+00> : vector<64xf32>
    %reduce_sum3A_51 = vector.multi_reduction <add>, %convert_element_type3A_41, %reduce_sum3A_50 [0] : vector<128x64xf32> to vector<64xf32>
    %broadcast_in_dim3A_52 = vector.shape_cast %reduce_sum3A_51 : vector<64xf32> to vector<1x64xf32>
    %add3A_53 = arith.addf %add3A_23, %broadcast_in_dim3A_52 : vector<1x64xf32>
    %get3A_54 = arith.constant 256 : index
    %get3A_55 = arith.constant 0 : index
    %get3A_56 = vector.load %arg0[%get3A_54, %get3A_55] : memref<4096x64xf32, #tpu.memory_space<vmem>>, vector<128x64xf32>
    %reduce_max3A_57 = arith.constant dense<0xFF800000> : vector<128xf32>
    %reduce_max3A_58 = vector.multi_reduction <maximumf>, %get3A_56, %reduce_max3A_57 [1] : vector<128x64xf32> to vector<128xf32>
    %broadcast_in_dim3A_59 = vector.shape_cast %reduce_max3A_58 : vector<128xf32> to vector<128x1xf32>
    %ge3A_60 = vector.broadcast %broadcast_in_dim3A_59 : vector<128x1xf32> to vector<128x64xf32>
    %ge3A_61 = arith.cmpf oge, %get3A_56, %ge3A_60 : vector<128x64xf32>
    %jit3A_62 = arith.constant 1.000000e+09 : f32
    %broadcast_in_dim3A_63 = vector.broadcast %jit3A_62 : f32 to vector<128x64xf32>
    %select_n3A_64 = arith.select %ge3A_61, %convert_element_type3A, %broadcast_in_dim3A_63 : vector<128x64xi1>, vector<128x64xf32>
    %reduce_min3A_65 = arith.constant dense<0x7F800000> : vector<128xf32>
    %reduce_min3A_66 = vector.multi_reduction <minimumf>, %select_n3A_64, %reduce_min3A_65 [1] : vector<128x64xf32> to vector<128xf32>
    %broadcast_in_dim3A_67 = vector.shape_cast %reduce_min3A_66 : vector<128xf32> to vector<128x1xf32>
    %eq3A_68 = vector.broadcast %broadcast_in_dim3A_67 : vector<128x1xf32> to vector<128x64xf32>
    %eq3A_69 = arith.cmpf oeq, %convert_element_type3A, %eq3A_68 : vector<128x64xf32>
    %convert_element_type3A_70 = arith.extui %eq3A_69 : vector<128x64xi1> to vector<128x64xi32>
    %convert_element_type3A_71 = arith.sitofp %convert_element_type3A_70 : vector<128x64xi32> to vector<128x64xf32>
    %dot_general3A_72 = arith.constant dense<0.000000e+00> : vector<128x64xf32>
    %dot_general3A_73 = tpu.matmul %convert_element_type3A_3, %convert_element_type3A_71, %dot_general3A_72 {dimension_numbers = #tpu.dot_dimension_numbers<[1], [0], [0], [1], [0, 0, 1, 1], [], []>, transpose_lhs_hint = false} : vector<128x128xf32>, vector<128x64xf32>, vector<128x64xf32> -> vector<128x64xf32>
    %add3A_74 = vector.broadcast %add3A_53 : vector<1x64xf32> to vector<128x64xf32>
    %add3A_75 = arith.addf %dot_general3A_73, %add3A_74 : vector<128x64xf32>
    %mul3A_76 = arith.mulf %add3A_75, %convert_element_type3A_71 : vector<128x64xf32>
    %reduce_sum3A_77 = arith.constant dense<0.000000e+00> : vector<128xf32>
    %reduce_sum3A_78 = vector.multi_reduction <add>, %mul3A_76, %reduce_sum3A_77 [1] : vector<128x64xf32> to vector<128xf32>
    %broadcast_in_dim3A_79 = vector.shape_cast %reduce_sum3A_78 : vector<128xf32> to vector<128x1xf32>
    %reduce_sum3A_80 = arith.constant dense<0.000000e+00> : vector<64xf32>
    %reduce_sum3A_81 = vector.multi_reduction <add>, %convert_element_type3A_71, %reduce_sum3A_80 [0] : vector<128x64xf32> to vector<64xf32>
    %broadcast_in_dim3A_82 = vector.shape_cast %reduce_sum3A_81 : vector<64xf32> to vector<1x64xf32>
    %add3A_83 = arith.addf %add3A_53, %broadcast_in_dim3A_82 : vector<1x64xf32>
    %get3A_84 = arith.constant 384 : index
    %get3A_85 = arith.constant 0 : index
    %get3A_86 = vector.load %arg0[%get3A_84, %get3A_85] : memref<4096x64xf32, #tpu.memory_space<vmem>>, vector<128x64xf32>
    %reduce_max3A_87 = arith.constant dense<0xFF800000> : vector<128xf32>
    %reduce_max3A_88 = vector.multi_reduction <maximumf>, %get3A_86, %reduce_max3A_87 [1] : vector<128x64xf32> to vector<128xf32>
    %broadcast_in_dim3A_89 = vector.shape_cast %reduce_max3A_88 : vector<128xf32> to vector<128x1xf32>
    %ge3A_90 = vector.broadcast %broadcast_in_dim3A_89 : vector<128x1xf32> to vector<128x64xf32>
    %ge3A_91 = arith.cmpf oge, %get3A_86, %ge3A_90 : vector<128x64xf32>
    %jit3A_92 = arith.constant 1.000000e+09 : f32
    %broadcast_in_dim3A_93 = vector.broadcast %jit3A_92 : f32 to vector<128x64xf32>
    %select_n3A_94 = arith.select %ge3A_91, %convert_element_type3A, %broadcast_in_dim3A_93 : vector<128x64xi1>, vector<128x64xf32>
    %reduce_min3A_95 = arith.constant dense<0x7F800000> : vector<128xf32>
    %reduce_min3A_96 = vector.multi_reduction <minimumf>, %select_n3A_94, %reduce_min3A_95 [1] : vector<128x64xf32> to vector<128xf32>
    %broadcast_in_dim3A_97 = vector.shape_cast %reduce_min3A_96 : vector<128xf32> to vector<128x1xf32>
    %eq3A_98 = vector.broadcast %broadcast_in_dim3A_97 : vector<128x1xf32> to vector<128x64xf32>
    %eq3A_99 = arith.cmpf oeq, %convert_element_type3A, %eq3A_98 : vector<128x64xf32>
    %convert_element_type3A_100 = arith.extui %eq3A_99 : vector<128x64xi1> to vector<128x64xi32>
    %convert_element_type3A_101 = arith.sitofp %convert_element_type3A_100 : vector<128x64xi32> to vector<128x64xf32>
    %dot_general3A_102 = arith.constant dense<0.000000e+00> : vector<128x64xf32>
    %dot_general3A_103 = tpu.matmul %convert_element_type3A_3, %convert_element_type3A_101, %dot_general3A_102 {dimension_numbers = #tpu.dot_dimension_numbers<[1], [0], [0], [1], [0, 0, 1, 1], [], []>, transpose_lhs_hint = false} : vector<128x128xf32>, vector<128x64xf32>, vector<128x64xf32> -> vector<128x64xf32>
    %add3A_104 = vector.broadcast %add3A_83 : vector<1x64xf32> to vector<128x64xf32>
    %add3A_105 = arith.addf %dot_general3A_103, %add3A_104 : vector<128x64xf32>
    %mul3A_106 = arith.mulf %add3A_105, %convert_element_type3A_101 : vector<128x64xf32>
    %reduce_sum3A_107 = arith.constant dense<0.000000e+00> : vector<128xf32>
    %reduce_sum3A_108 = vector.multi_reduction <add>, %mul3A_106, %reduce_sum3A_107 [1] : vector<128x64xf32> to vector<128xf32>
    %broadcast_in_dim3A_109 = vector.shape_cast %reduce_sum3A_108 : vector<128xf32> to vector<128x1xf32>
    %reduce_sum3A_110 = arith.constant dense<0.000000e+00> : vector<64xf32>
    %reduce_sum3A_111 = vector.multi_reduction <add>, %convert_element_type3A_101, %reduce_sum3A_110 [0] : vector<128x64xf32> to vector<64xf32>
    %broadcast_in_dim3A_112 = vector.shape_cast %reduce_sum3A_111 : vector<64xf32> to vector<1x64xf32>
    %add3A_113 = arith.addf %add3A_83, %broadcast_in_dim3A_112 : vector<1x64xf32>
    %get3A_114 = arith.constant 512 : index
    %get3A_115 = arith.constant 0 : index
    %get3A_116 = vector.load %arg0[%get3A_114, %get3A_115] : memref<4096x64xf32, #tpu.memory_space<vmem>>, vector<128x64xf32>
    %reduce_max3A_117 = arith.constant dense<0xFF800000> : vector<128xf32>
    %reduce_max3A_118 = vector.multi_reduction <maximumf>, %get3A_116, %reduce_max3A_117 [1] : vector<128x64xf32> to vector<128xf32>
    %broadcast_in_dim3A_119 = vector.shape_cast %reduce_max3A_118 : vector<128xf32> to vector<128x1xf32>
    %ge3A_120 = vector.broadcast %broadcast_in_dim3A_119 : vector<128x1xf32> to vector<128x64xf32>
    %ge3A_121 = arith.cmpf oge, %get3A_116, %ge3A_120 : vector<128x64xf32>
    %jit3A_122 = arith.constant 1.000000e+09 : f32
    %broadcast_in_dim3A_123 = vector.broadcast %jit3A_122 : f32 to vector<128x64xf32>
    %select_n3A_124 = arith.select %ge3A_121, %convert_element_type3A, %broadcast_in_dim3A_123 : vector<128x64xi1>, vector<128x64xf32>
    %reduce_min3A_125 = arith.constant dense<0x7F800000> : vector<128xf32>
    %reduce_min3A_126 = vector.multi_reduction <minimumf>, %select_n3A_124, %reduce_min3A_125 [1] : vector<128x64xf32> to vector<128xf32>
    %broadcast_in_dim3A_127 = vector.shape_cast %reduce_min3A_126 : vector<128xf32> to vector<128x1xf32>
    %eq3A_128 = vector.broadcast %broadcast_in_dim3A_127 : vector<128x1xf32> to vector<128x64xf32>
    %eq3A_129 = arith.cmpf oeq, %convert_element_type3A, %eq3A_128 : vector<128x64xf32>
    %convert_element_type3A_130 = arith.extui %eq3A_129 : vector<128x64xi1> to vector<128x64xi32>
    %convert_element_type3A_131 = arith.sitofp %convert_element_type3A_130 : vector<128x64xi32> to vector<128x64xf32>
    %dot_general3A_132 = arith.constant dense<0.000000e+00> : vector<128x64xf32>
    %dot_general3A_133 = tpu.matmul %convert_element_type3A_3, %convert_element_type3A_131, %dot_general3A_132 {dimension_numbers = #tpu.dot_dimension_numbers<[1], [0], [0], [1], [0, 0, 1, 1], [], []>, transpose_lhs_hint = false} : vector<128x128xf32>, vector<128x64xf32>, vector<128x64xf32> -> vector<128x64xf32>
    %add3A_134 = vector.broadcast %add3A_113 : vector<1x64xf32> to vector<128x64xf32>
    %add3A_135 = arith.addf %dot_general3A_133, %add3A_134 : vector<128x64xf32>
    %mul3A_136 = arith.mulf %add3A_135, %convert_element_type3A_131 : vector<128x64xf32>
    %reduce_sum3A_137 = arith.constant dense<0.000000e+00> : vector<128xf32>
    %reduce_sum3A_138 = vector.multi_reduction <add>, %mul3A_136, %reduce_sum3A_137 [1] : vector<128x64xf32> to vector<128xf32>
    %broadcast_in_dim3A_139 = vector.shape_cast %reduce_sum3A_138 : vector<128xf32> to vector<128x1xf32>
    %reduce_sum3A_140 = arith.constant dense<0.000000e+00> : vector<64xf32>
    %reduce_sum3A_141 = vector.multi_reduction <add>, %convert_element_type3A_131, %reduce_sum3A_140 [0] : vector<128x64xf32> to vector<64xf32>
    %broadcast_in_dim3A_142 = vector.shape_cast %reduce_sum3A_141 : vector<64xf32> to vector<1x64xf32>
    %add3A_143 = arith.addf %add3A_113, %broadcast_in_dim3A_142 : vector<1x64xf32>
    %get3A_144 = arith.constant 640 : index
    %get3A_145 = arith.constant 0 : index
    %get3A_146 = vector.load %arg0[%get3A_144, %get3A_145] : memref<4096x64xf32, #tpu.memory_space<vmem>>, vector<128x64xf32>
    %reduce_max3A_147 = arith.constant dense<0xFF800000> : vector<128xf32>
    %reduce_max3A_148 = vector.multi_reduction <maximumf>, %get3A_146, %reduce_max3A_147 [1] : vector<128x64xf32> to vector<128xf32>
    %broadcast_in_dim3A_149 = vector.shape_cast %reduce_max3A_148 : vector<128xf32> to vector<128x1xf32>
    %ge3A_150 = vector.broadcast %broadcast_in_dim3A_149 : vector<128x1xf32> to vector<128x64xf32>
    %ge3A_151 = arith.cmpf oge, %get3A_146, %ge3A_150 : vector<128x64xf32>
    %jit3A_152 = arith.constant 1.000000e+09 : f32
    %broadcast_in_dim3A_153 = vector.broadcast %jit3A_152 : f32 to vector<128x64xf32>
    %select_n3A_154 = arith.select %ge3A_151, %convert_element_type3A, %broadcast_in_dim3A_153 : vector<128x64xi1>, vector<128x64xf32>
    %reduce_min3A_155 = arith.constant dense<0x7F800000> : vector<128xf32>
    %reduce_min3A_156 = vector.multi_reduction <minimumf>, %select_n3A_154, %reduce_min3A_155 [1] : vector<128x64xf32> to vector<128xf32>
    %broadcast_in_dim3A_157 = vector.shape_cast %reduce_min3A_156 : vector<128xf32> to vector<128x1xf32>
    %eq3A_158 = vector.broadcast %broadcast_in_dim3A_157 : vector<128x1xf32> to vector<128x64xf32>
    %eq3A_159 = arith.cmpf oeq, %convert_element_type3A, %eq3A_158 : vector<128x64xf32>
    %convert_element_type3A_160 = arith.extui %eq3A_159 : vector<128x64xi1> to vector<128x64xi32>
    %convert_element_type3A_161 = arith.sitofp %convert_element_type3A_160 : vector<128x64xi32> to vector<128x64xf32>
    %dot_general3A_162 = arith.constant dense<0.000000e+00> : vector<128x64xf32>
    %dot_general3A_163 = tpu.matmul %convert_element_type3A_3, %convert_element_type3A_161, %dot_general3A_162 {dimension_numbers = #tpu.dot_dimension_numbers<[1], [0], [0], [1], [0, 0, 1, 1], [], []>, transpose_lhs_hint = false} : vector<128x128xf32>, vector<128x64xf32>, vector<128x64xf32> -> vector<128x64xf32>
    %add3A_164 = vector.broadcast %add3A_143 : vector<1x64xf32> to vector<128x64xf32>
    %add3A_165 = arith.addf %dot_general3A_163, %add3A_164 : vector<128x64xf32>
    %mul3A_166 = arith.mulf %add3A_165, %convert_element_type3A_161 : vector<128x64xf32>
    %reduce_sum3A_167 = arith.constant dense<0.000000e+00> : vector<128xf32>
    %reduce_sum3A_168 = vector.multi_reduction <add>, %mul3A_166, %reduce_sum3A_167 [1] : vector<128x64xf32> to vector<128xf32>
    %broadcast_in_dim3A_169 = vector.shape_cast %reduce_sum3A_168 : vector<128xf32> to vector<128x1xf32>
    %reduce_sum3A_170 = arith.constant dense<0.000000e+00> : vector<64xf32>
    %reduce_sum3A_171 = vector.multi_reduction <add>, %convert_element_type3A_161, %reduce_sum3A_170 [0] : vector<128x64xf32> to vector<64xf32>
    %broadcast_in_dim3A_172 = vector.shape_cast %reduce_sum3A_171 : vector<64xf32> to vector<1x64xf32>
    %add3A_173 = arith.addf %add3A_143, %broadcast_in_dim3A_172 : vector<1x64xf32>
    %get3A_174 = arith.constant 768 : index
    %get3A_175 = arith.constant 0 : index
    %get3A_176 = vector.load %arg0[%get3A_174, %get3A_175] : memref<4096x64xf32, #tpu.memory_space<vmem>>, vector<128x64xf32>
    %reduce_max3A_177 = arith.constant dense<0xFF800000> : vector<128xf32>
    %reduce_max3A_178 = vector.multi_reduction <maximumf>, %get3A_176, %reduce_max3A_177 [1] : vector<128x64xf32> to vector<128xf32>
    %broadcast_in_dim3A_179 = vector.shape_cast %reduce_max3A_178 : vector<128xf32> to vector<128x1xf32>
    %ge3A_180 = vector.broadcast %broadcast_in_dim3A_179 : vector<128x1xf32> to vector<128x64xf32>
    %ge3A_181 = arith.cmpf oge, %get3A_176, %ge3A_180 : vector<128x64xf32>
    %jit3A_182 = arith.constant 1.000000e+09 : f32
    %broadcast_in_dim3A_183 = vector.broadcast %jit3A_182 : f32 to vector<128x64xf32>
    %select_n3A_184 = arith.select %ge3A_181, %convert_element_type3A, %broadcast_in_dim3A_183 : vector<128x64xi1>, vector<128x64xf32>
    %reduce_min3A_185 = arith.constant dense<0x7F800000> : vector<128xf32>
    %reduce_min3A_186 = vector.multi_reduction <minimumf>, %select_n3A_184, %reduce_min3A_185 [1] : vector<128x64xf32> to vector<128xf32>
    %broadcast_in_dim3A_187 = vector.shape_cast %reduce_min3A_186 : vector<128xf32> to vector<128x1xf32>
    %eq3A_188 = vector.broadcast %broadcast_in_dim3A_187 : vector<128x1xf32> to vector<128x64xf32>
    %eq3A_189 = arith.cmpf oeq, %convert_element_type3A, %eq3A_188 : vector<128x64xf32>
    %convert_element_type3A_190 = arith.extui %eq3A_189 : vector<128x64xi1> to vector<128x64xi32>
    %convert_element_type3A_191 = arith.sitofp %convert_element_type3A_190 : vector<128x64xi32> to vector<128x64xf32>
    %dot_general3A_192 = arith.constant dense<0.000000e+00> : vector<128x64xf32>
    %dot_general3A_193 = tpu.matmul %convert_element_type3A_3, %convert_element_type3A_191, %dot_general3A_192 {dimension_numbers = #tpu.dot_dimension_numbers<[1], [0], [0], [1], [0, 0, 1, 1], [], []>, transpose_lhs_hint = false} : vector<128x128xf32>, vector<128x64xf32>, vector<128x64xf32> -> vector<128x64xf32>
    %add3A_194 = vector.broadcast %add3A_173 : vector<1x64xf32> to vector<128x64xf32>
    %add3A_195 = arith.addf %dot_general3A_193, %add3A_194 : vector<128x64xf32>
    %mul3A_196 = arith.mulf %add3A_195, %convert_element_type3A_191 : vector<128x64xf32>
    %reduce_sum3A_197 = arith.constant dense<0.000000e+00> : vector<128xf32>
    %reduce_sum3A_198 = vector.multi_reduction <add>, %mul3A_196, %reduce_sum3A_197 [1] : vector<128x64xf32> to vector<128xf32>
    %broadcast_in_dim3A_199 = vector.shape_cast %reduce_sum3A_198 : vector<128xf32> to vector<128x1xf32>
    %reduce_sum3A_200 = arith.constant dense<0.000000e+00> : vector<64xf32>
    %reduce_sum3A_201 = vector.multi_reduction <add>, %convert_element_type3A_191, %reduce_sum3A_200 [0] : vector<128x64xf32> to vector<64xf32>
    %broadcast_in_dim3A_202 = vector.shape_cast %reduce_sum3A_201 : vector<64xf32> to vector<1x64xf32>
    %add3A_203 = arith.addf %add3A_173, %broadcast_in_dim3A_202 : vector<1x64xf32>
    %get3A_204 = arith.constant 896 : index
    %get3A_205 = arith.constant 0 : index
    %get3A_206 = vector.load %arg0[%get3A_204, %get3A_205] : memref<4096x64xf32, #tpu.memory_space<vmem>>, vector<128x64xf32>
    %reduce_max3A_207 = arith.constant dense<0xFF800000> : vector<128xf32>
    %reduce_max3A_208 = vector.multi_reduction <maximumf>, %get3A_206, %reduce_max3A_207 [1] : vector<128x64xf32> to vector<128xf32>
    %broadcast_in_dim3A_209 = vector.shape_cast %reduce_max3A_208 : vector<128xf32> to vector<128x1xf32>
    %ge3A_210 = vector.broadcast %broadcast_in_dim3A_209 : vector<128x1xf32> to vector<128x64xf32>
    %ge3A_211 = arith.cmpf oge, %get3A_206, %ge3A_210 : vector<128x64xf32>
    %jit3A_212 = arith.constant 1.000000e+09 : f32
    %broadcast_in_dim3A_213 = vector.broadcast %jit3A_212 : f32 to vector<128x64xf32>
    %select_n3A_214 = arith.select %ge3A_211, %convert_element_type3A, %broadcast_in_dim3A_213 : vector<128x64xi1>, vector<128x64xf32>
    %reduce_min3A_215 = arith.constant dense<0x7F800000> : vector<128xf32>
    %reduce_min3A_216 = vector.multi_reduction <minimumf>, %select_n3A_214, %reduce_min3A_215 [1] : vector<128x64xf32> to vector<128xf32>
    %broadcast_in_dim3A_217 = vector.shape_cast %reduce_min3A_216 : vector<128xf32> to vector<128x1xf32>
    %eq3A_218 = vector.broadcast %broadcast_in_dim3A_217 : vector<128x1xf32> to vector<128x64xf32>
    %eq3A_219 = arith.cmpf oeq, %convert_element_type3A, %eq3A_218 : vector<128x64xf32>
    %convert_element_type3A_220 = arith.extui %eq3A_219 : vector<128x64xi1> to vector<128x64xi32>
    %convert_element_type3A_221 = arith.sitofp %convert_element_type3A_220 : vector<128x64xi32> to vector<128x64xf32>
    %dot_general3A_222 = arith.constant dense<0.000000e+00> : vector<128x64xf32>
    %dot_general3A_223 = tpu.matmul %convert_element_type3A_3, %convert_element_type3A_221, %dot_general3A_222 {dimension_numbers = #tpu.dot_dimension_numbers<[1], [0], [0], [1], [0, 0, 1, 1], [], []>, transpose_lhs_hint = false} : vector<128x128xf32>, vector<128x64xf32>, vector<128x64xf32> -> vector<128x64xf32>
    %add3A_224 = vector.broadcast %add3A_203 : vector<1x64xf32> to vector<128x64xf32>
    %add3A_225 = arith.addf %dot_general3A_223, %add3A_224 : vector<128x64xf32>
    %mul3A_226 = arith.mulf %add3A_225, %convert_element_type3A_221 : vector<128x64xf32>
    %reduce_sum3A_227 = arith.constant dense<0.000000e+00> : vector<128xf32>
    %reduce_sum3A_228 = vector.multi_reduction <add>, %mul3A_226, %reduce_sum3A_227 [1] : vector<128x64xf32> to vector<128xf32>
    %broadcast_in_dim3A_229 = vector.shape_cast %reduce_sum3A_228 : vector<128xf32> to vector<128x1xf32>
    %reduce_sum3A_230 = arith.constant dense<0.000000e+00> : vector<64xf32>
    %reduce_sum3A_231 = vector.multi_reduction <add>, %convert_element_type3A_221, %reduce_sum3A_230 [0] : vector<128x64xf32> to vector<64xf32>
    %broadcast_in_dim3A_232 = vector.shape_cast %reduce_sum3A_231 : vector<64xf32> to vector<1x64xf32>
    %add3A_233 = arith.addf %add3A_203, %broadcast_in_dim3A_232 : vector<1x64xf32>
    %get3A_234 = arith.constant 1024 : index
    %get3A_235 = arith.constant 0 : index
    %get3A_236 = vector.load %arg0[%get3A_234, %get3A_235] : memref<4096x64xf32, #tpu.memory_space<vmem>>, vector<128x64xf32>
    %reduce_max3A_237 = arith.constant dense<0xFF800000> : vector<128xf32>
    %reduce_max3A_238 = vector.multi_reduction <maximumf>, %get3A_236, %reduce_max3A_237 [1] : vector<128x64xf32> to vector<128xf32>
    %broadcast_in_dim3A_239 = vector.shape_cast %reduce_max3A_238 : vector<128xf32> to vector<128x1xf32>
    %ge3A_240 = vector.broadcast %broadcast_in_dim3A_239 : vector<128x1xf32> to vector<128x64xf32>
    %ge3A_241 = arith.cmpf oge, %get3A_236, %ge3A_240 : vector<128x64xf32>
    %jit3A_242 = arith.constant 1.000000e+09 : f32
    %broadcast_in_dim3A_243 = vector.broadcast %jit3A_242 : f32 to vector<128x64xf32>
    %select_n3A_244 = arith.select %ge3A_241, %convert_element_type3A, %broadcast_in_dim3A_243 : vector<128x64xi1>, vector<128x64xf32>
    %reduce_min3A_245 = arith.constant dense<0x7F800000> : vector<128xf32>
    %reduce_min3A_246 = vector.multi_reduction <minimumf>, %select_n3A_244, %reduce_min3A_245 [1] : vector<128x64xf32> to vector<128xf32>
    %broadcast_in_dim3A_247 = vector.shape_cast %reduce_min3A_246 : vector<128xf32> to vector<128x1xf32>
    %eq3A_248 = vector.broadcast %broadcast_in_dim3A_247 : vector<128x1xf32> to vector<128x64xf32>
    %eq3A_249 = arith.cmpf oeq, %convert_element_type3A, %eq3A_248 : vector<128x64xf32>
    %convert_element_type3A_250 = arith.extui %eq3A_249 : vector<128x64xi1> to vector<128x64xi32>
    %convert_element_type3A_251 = arith.sitofp %convert_element_type3A_250 : vector<128x64xi32> to vector<128x64xf32>
    %dot_general3A_252 = arith.constant dense<0.000000e+00> : vector<128x64xf32>
    %dot_general3A_253 = tpu.matmul %convert_element_type3A_3, %convert_element_type3A_251, %dot_general3A_252 {dimension_numbers = #tpu.dot_dimension_numbers<[1], [0], [0], [1], [0, 0, 1, 1], [], []>, transpose_lhs_hint = false} : vector<128x128xf32>, vector<128x64xf32>, vector<128x64xf32> -> vector<128x64xf32>
    %add3A_254 = vector.broadcast %add3A_233 : vector<1x64xf32> to vector<128x64xf32>
    %add3A_255 = arith.addf %dot_general3A_253, %add3A_254 : vector<128x64xf32>
    %mul3A_256 = arith.mulf %add3A_255, %convert_element_type3A_251 : vector<128x64xf32>
    %reduce_sum3A_257 = arith.constant dense<0.000000e+00> : vector<128xf32>
    %reduce_sum3A_258 = vector.multi_reduction <add>, %mul3A_256, %reduce_sum3A_257 [1] : vector<128x64xf32> to vector<128xf32>
    %broadcast_in_dim3A_259 = vector.shape_cast %reduce_sum3A_258 : vector<128xf32> to vector<128x1xf32>
    %reduce_sum3A_260 = arith.constant dense<0.000000e+00> : vector<64xf32>
    %reduce_sum3A_261 = vector.multi_reduction <add>, %convert_element_type3A_251, %reduce_sum3A_260 [0] : vector<128x64xf32> to vector<64xf32>
    %broadcast_in_dim3A_262 = vector.shape_cast %reduce_sum3A_261 : vector<64xf32> to vector<1x64xf32>
    %add3A_263 = arith.addf %add3A_233, %broadcast_in_dim3A_262 : vector<1x64xf32>
    %get3A_264 = arith.constant 1152 : index
    %get3A_265 = arith.constant 0 : index
    %get3A_266 = vector.load %arg0[%get3A_264, %get3A_265] : memref<4096x64xf32, #tpu.memory_space<vmem>>, vector<128x64xf32>
    %reduce_max3A_267 = arith.constant dense<0xFF800000> : vector<128xf32>
    %reduce_max3A_268 = vector.multi_reduction <maximumf>, %get3A_266, %reduce_max3A_267 [1] : vector<128x64xf32> to vector<128xf32>
    %broadcast_in_dim3A_269 = vector.shape_cast %reduce_max3A_268 : vector<128xf32> to vector<128x1xf32>
    %ge3A_270 = vector.broadcast %broadcast_in_dim3A_269 : vector<128x1xf32> to vector<128x64xf32>
    %ge3A_271 = arith.cmpf oge, %get3A_266, %ge3A_270 : vector<128x64xf32>
    %jit3A_272 = arith.constant 1.000000e+09 : f32
    %broadcast_in_dim3A_273 = vector.broadcast %jit3A_272 : f32 to vector<128x64xf32>
    %select_n3A_274 = arith.select %ge3A_271, %convert_element_type3A, %broadcast_in_dim3A_273 : vector<128x64xi1>, vector<128x64xf32>
    %reduce_min3A_275 = arith.constant dense<0x7F800000> : vector<128xf32>
    %reduce_min3A_276 = vector.multi_reduction <minimumf>, %select_n3A_274, %reduce_min3A_275 [1] : vector<128x64xf32> to vector<128xf32>
    %broadcast_in_dim3A_277 = vector.shape_cast %reduce_min3A_276 : vector<128xf32> to vector<128x1xf32>
    %eq3A_278 = vector.broadcast %broadcast_in_dim3A_277 : vector<128x1xf32> to vector<128x64xf32>
    %eq3A_279 = arith.cmpf oeq, %convert_element_type3A, %eq3A_278 : vector<128x64xf32>
    %convert_element_type3A_280 = arith.extui %eq3A_279 : vector<128x64xi1> to vector<128x64xi32>
    %convert_element_type3A_281 = arith.sitofp %convert_element_type3A_280 : vector<128x64xi32> to vector<128x64xf32>
    %dot_general3A_282 = arith.constant dense<0.000000e+00> : vector<128x64xf32>
    %dot_general3A_283 = tpu.matmul %convert_element_type3A_3, %convert_element_type3A_281, %dot_general3A_282 {dimension_numbers = #tpu.dot_dimension_numbers<[1], [0], [0], [1], [0, 0, 1, 1], [], []>, transpose_lhs_hint = false} : vector<128x128xf32>, vector<128x64xf32>, vector<128x64xf32> -> vector<128x64xf32>
    %add3A_284 = vector.broadcast %add3A_263 : vector<1x64xf32> to vector<128x64xf32>
    %add3A_285 = arith.addf %dot_general3A_283, %add3A_284 : vector<128x64xf32>
    %mul3A_286 = arith.mulf %add3A_285, %convert_element_type3A_281 : vector<128x64xf32>
    %reduce_sum3A_287 = arith.constant dense<0.000000e+00> : vector<128xf32>
    %reduce_sum3A_288 = vector.multi_reduction <add>, %mul3A_286, %reduce_sum3A_287 [1] : vector<128x64xf32> to vector<128xf32>
    %broadcast_in_dim3A_289 = vector.shape_cast %reduce_sum3A_288 : vector<128xf32> to vector<128x1xf32>
    %reduce_sum3A_290 = arith.constant dense<0.000000e+00> : vector<64xf32>
    %reduce_sum3A_291 = vector.multi_reduction <add>, %convert_element_type3A_281, %reduce_sum3A_290 [0] : vector<128x64xf32> to vector<64xf32>
    %broadcast_in_dim3A_292 = vector.shape_cast %reduce_sum3A_291 : vector<64xf32> to vector<1x64xf32>
    %add3A_293 = arith.addf %add3A_263, %broadcast_in_dim3A_292 : vector<1x64xf32>
    %get3A_294 = arith.constant 1280 : index
    %get3A_295 = arith.constant 0 : index
    %get3A_296 = vector.load %arg0[%get3A_294, %get3A_295] : memref<4096x64xf32, #tpu.memory_space<vmem>>, vector<128x64xf32>
    %reduce_max3A_297 = arith.constant dense<0xFF800000> : vector<128xf32>
    %reduce_max3A_298 = vector.multi_reduction <maximumf>, %get3A_296, %reduce_max3A_297 [1] : vector<128x64xf32> to vector<128xf32>
    %broadcast_in_dim3A_299 = vector.shape_cast %reduce_max3A_298 : vector<128xf32> to vector<128x1xf32>
    %ge3A_300 = vector.broadcast %broadcast_in_dim3A_299 : vector<128x1xf32> to vector<128x64xf32>
    %ge3A_301 = arith.cmpf oge, %get3A_296, %ge3A_300 : vector<128x64xf32>
    %jit3A_302 = arith.constant 1.000000e+09 : f32
    %broadcast_in_dim3A_303 = vector.broadcast %jit3A_302 : f32 to vector<128x64xf32>
    %select_n3A_304 = arith.select %ge3A_301, %convert_element_type3A, %broadcast_in_dim3A_303 : vector<128x64xi1>, vector<128x64xf32>
    %reduce_min3A_305 = arith.constant dense<0x7F800000> : vector<128xf32>
    %reduce_min3A_306 = vector.multi_reduction <minimumf>, %select_n3A_304, %reduce_min3A_305 [1] : vector<128x64xf32> to vector<128xf32>
    %broadcast_in_dim3A_307 = vector.shape_cast %reduce_min3A_306 : vector<128xf32> to vector<128x1xf32>
    %eq3A_308 = vector.broadcast %broadcast_in_dim3A_307 : vector<128x1xf32> to vector<128x64xf32>
    %eq3A_309 = arith.cmpf oeq, %convert_element_type3A, %eq3A_308 : vector<128x64xf32>
    %convert_element_type3A_310 = arith.extui %eq3A_309 : vector<128x64xi1> to vector<128x64xi32>
    %convert_element_type3A_311 = arith.sitofp %convert_element_type3A_310 : vector<128x64xi32> to vector<128x64xf32>
    %dot_general3A_312 = arith.constant dense<0.000000e+00> : vector<128x64xf32>
    %dot_general3A_313 = tpu.matmul %convert_element_type3A_3, %convert_element_type3A_311, %dot_general3A_312 {dimension_numbers = #tpu.dot_dimension_numbers<[1], [0], [0], [1], [0, 0, 1, 1], [], []>, transpose_lhs_hint = false} : vector<128x128xf32>, vector<128x64xf32>, vector<128x64xf32> -> vector<128x64xf32>
    %add3A_314 = vector.broadcast %add3A_293 : vector<1x64xf32> to vector<128x64xf32>
    %add3A_315 = arith.addf %dot_general3A_313, %add3A_314 : vector<128x64xf32>
    %mul3A_316 = arith.mulf %add3A_315, %convert_element_type3A_311 : vector<128x64xf32>
    %reduce_sum3A_317 = arith.constant dense<0.000000e+00> : vector<128xf32>
    %reduce_sum3A_318 = vector.multi_reduction <add>, %mul3A_316, %reduce_sum3A_317 [1] : vector<128x64xf32> to vector<128xf32>
    %broadcast_in_dim3A_319 = vector.shape_cast %reduce_sum3A_318 : vector<128xf32> to vector<128x1xf32>
    %reduce_sum3A_320 = arith.constant dense<0.000000e+00> : vector<64xf32>
    %reduce_sum3A_321 = vector.multi_reduction <add>, %convert_element_type3A_311, %reduce_sum3A_320 [0] : vector<128x64xf32> to vector<64xf32>
    %broadcast_in_dim3A_322 = vector.shape_cast %reduce_sum3A_321 : vector<64xf32> to vector<1x64xf32>
    %add3A_323 = arith.addf %add3A_293, %broadcast_in_dim3A_322 : vector<1x64xf32>
    %get3A_324 = arith.constant 1408 : index
    %get3A_325 = arith.constant 0 : index
    %get3A_326 = vector.load %arg0[%get3A_324, %get3A_325] : memref<4096x64xf32, #tpu.memory_space<vmem>>, vector<128x64xf32>
    %reduce_max3A_327 = arith.constant dense<0xFF800000> : vector<128xf32>
    %reduce_max3A_328 = vector.multi_reduction <maximumf>, %get3A_326, %reduce_max3A_327 [1] : vector<128x64xf32> to vector<128xf32>
    %broadcast_in_dim3A_329 = vector.shape_cast %reduce_max3A_328 : vector<128xf32> to vector<128x1xf32>
    %ge3A_330 = vector.broadcast %broadcast_in_dim3A_329 : vector<128x1xf32> to vector<128x64xf32>
    %ge3A_331 = arith.cmpf oge, %get3A_326, %ge3A_330 : vector<128x64xf32>
    %jit3A_332 = arith.constant 1.000000e+09 : f32
    %broadcast_in_dim3A_333 = vector.broadcast %jit3A_332 : f32 to vector<128x64xf32>
    %select_n3A_334 = arith.select %ge3A_331, %convert_element_type3A, %broadcast_in_dim3A_333 : vector<128x64xi1>, vector<128x64xf32>
    %reduce_min3A_335 = arith.constant dense<0x7F800000> : vector<128xf32>
    %reduce_min3A_336 = vector.multi_reduction <minimumf>, %select_n3A_334, %reduce_min3A_335 [1] : vector<128x64xf32> to vector<128xf32>
    %broadcast_in_dim3A_337 = vector.shape_cast %reduce_min3A_336 : vector<128xf32> to vector<128x1xf32>
    %eq3A_338 = vector.broadcast %broadcast_in_dim3A_337 : vector<128x1xf32> to vector<128x64xf32>
    %eq3A_339 = arith.cmpf oeq, %convert_element_type3A, %eq3A_338 : vector<128x64xf32>
    %convert_element_type3A_340 = arith.extui %eq3A_339 : vector<128x64xi1> to vector<128x64xi32>
    %convert_element_type3A_341 = arith.sitofp %convert_element_type3A_340 : vector<128x64xi32> to vector<128x64xf32>
    %dot_general3A_342 = arith.constant dense<0.000000e+00> : vector<128x64xf32>
    %dot_general3A_343 = tpu.matmul %convert_element_type3A_3, %convert_element_type3A_341, %dot_general3A_342 {dimension_numbers = #tpu.dot_dimension_numbers<[1], [0], [0], [1], [0, 0, 1, 1], [], []>, transpose_lhs_hint = false} : vector<128x128xf32>, vector<128x64xf32>, vector<128x64xf32> -> vector<128x64xf32>
    %add3A_344 = vector.broadcast %add3A_323 : vector<1x64xf32> to vector<128x64xf32>
    %add3A_345 = arith.addf %dot_general3A_343, %add3A_344 : vector<128x64xf32>
    %mul3A_346 = arith.mulf %add3A_345, %convert_element_type3A_341 : vector<128x64xf32>
    %reduce_sum3A_347 = arith.constant dense<0.000000e+00> : vector<128xf32>
    %reduce_sum3A_348 = vector.multi_reduction <add>, %mul3A_346, %reduce_sum3A_347 [1] : vector<128x64xf32> to vector<128xf32>
    %broadcast_in_dim3A_349 = vector.shape_cast %reduce_sum3A_348 : vector<128xf32> to vector<128x1xf32>
    %reduce_sum3A_350 = arith.constant dense<0.000000e+00> : vector<64xf32>
    %reduce_sum3A_351 = vector.multi_reduction <add>, %convert_element_type3A_341, %reduce_sum3A_350 [0] : vector<128x64xf32> to vector<64xf32>
    %broadcast_in_dim3A_352 = vector.shape_cast %reduce_sum3A_351 : vector<64xf32> to vector<1x64xf32>
    %add3A_353 = arith.addf %add3A_323, %broadcast_in_dim3A_352 : vector<1x64xf32>
    %get3A_354 = arith.constant 1536 : index
    %get3A_355 = arith.constant 0 : index
    %get3A_356 = vector.load %arg0[%get3A_354, %get3A_355] : memref<4096x64xf32, #tpu.memory_space<vmem>>, vector<128x64xf32>
    %reduce_max3A_357 = arith.constant dense<0xFF800000> : vector<128xf32>
    %reduce_max3A_358 = vector.multi_reduction <maximumf>, %get3A_356, %reduce_max3A_357 [1] : vector<128x64xf32> to vector<128xf32>
    %broadcast_in_dim3A_359 = vector.shape_cast %reduce_max3A_358 : vector<128xf32> to vector<128x1xf32>
    %ge3A_360 = vector.broadcast %broadcast_in_dim3A_359 : vector<128x1xf32> to vector<128x64xf32>
    %ge3A_361 = arith.cmpf oge, %get3A_356, %ge3A_360 : vector<128x64xf32>
    %jit3A_362 = arith.constant 1.000000e+09 : f32
    %broadcast_in_dim3A_363 = vector.broadcast %jit3A_362 : f32 to vector<128x64xf32>
    %select_n3A_364 = arith.select %ge3A_361, %convert_element_type3A, %broadcast_in_dim3A_363 : vector<128x64xi1>, vector<128x64xf32>
    %reduce_min3A_365 = arith.constant dense<0x7F800000> : vector<128xf32>
    %reduce_min3A_366 = vector.multi_reduction <minimumf>, %select_n3A_364, %reduce_min3A_365 [1] : vector<128x64xf32> to vector<128xf32>
    %broadcast_in_dim3A_367 = vector.shape_cast %reduce_min3A_366 : vector<128xf32> to vector<128x1xf32>
    %eq3A_368 = vector.broadcast %broadcast_in_dim3A_367 : vector<128x1xf32> to vector<128x64xf32>
    %eq3A_369 = arith.cmpf oeq, %convert_element_type3A, %eq3A_368 : vector<128x64xf32>
    %convert_element_type3A_370 = arith.extui %eq3A_369 : vector<128x64xi1> to vector<128x64xi32>
    %convert_element_type3A_371 = arith.sitofp %convert_element_type3A_370 : vector<128x64xi32> to vector<128x64xf32>
    %dot_general3A_372 = arith.constant dense<0.000000e+00> : vector<128x64xf32>
    %dot_general3A_373 = tpu.matmul %convert_element_type3A_3, %convert_element_type3A_371, %dot_general3A_372 {dimension_numbers = #tpu.dot_dimension_numbers<[1], [0], [0], [1], [0, 0, 1, 1], [], []>, transpose_lhs_hint = false} : vector<128x128xf32>, vector<128x64xf32>, vector<128x64xf32> -> vector<128x64xf32>
    %add3A_374 = vector.broadcast %add3A_353 : vector<1x64xf32> to vector<128x64xf32>
    %add3A_375 = arith.addf %dot_general3A_373, %add3A_374 : vector<128x64xf32>
    %mul3A_376 = arith.mulf %add3A_375, %convert_element_type3A_371 : vector<128x64xf32>
    %reduce_sum3A_377 = arith.constant dense<0.000000e+00> : vector<128xf32>
    %reduce_sum3A_378 = vector.multi_reduction <add>, %mul3A_376, %reduce_sum3A_377 [1] : vector<128x64xf32> to vector<128xf32>
    %broadcast_in_dim3A_379 = vector.shape_cast %reduce_sum3A_378 : vector<128xf32> to vector<128x1xf32>
    %reduce_sum3A_380 = arith.constant dense<0.000000e+00> : vector<64xf32>
    %reduce_sum3A_381 = vector.multi_reduction <add>, %convert_element_type3A_371, %reduce_sum3A_380 [0] : vector<128x64xf32> to vector<64xf32>
    %broadcast_in_dim3A_382 = vector.shape_cast %reduce_sum3A_381 : vector<64xf32> to vector<1x64xf32>
    %add3A_383 = arith.addf %add3A_353, %broadcast_in_dim3A_382 : vector<1x64xf32>
    %get3A_384 = arith.constant 1664 : index
    %get3A_385 = arith.constant 0 : index
    %get3A_386 = vector.load %arg0[%get3A_384, %get3A_385] : memref<4096x64xf32, #tpu.memory_space<vmem>>, vector<128x64xf32>
    %reduce_max3A_387 = arith.constant dense<0xFF800000> : vector<128xf32>
    %reduce_max3A_388 = vector.multi_reduction <maximumf>, %get3A_386, %reduce_max3A_387 [1] : vector<128x64xf32> to vector<128xf32>
    %broadcast_in_dim3A_389 = vector.shape_cast %reduce_max3A_388 : vector<128xf32> to vector<128x1xf32>
    %ge3A_390 = vector.broadcast %broadcast_in_dim3A_389 : vector<128x1xf32> to vector<128x64xf32>
    %ge3A_391 = arith.cmpf oge, %get3A_386, %ge3A_390 : vector<128x64xf32>
    %jit3A_392 = arith.constant 1.000000e+09 : f32
    %broadcast_in_dim3A_393 = vector.broadcast %jit3A_392 : f32 to vector<128x64xf32>
    %select_n3A_394 = arith.select %ge3A_391, %convert_element_type3A, %broadcast_in_dim3A_393 : vector<128x64xi1>, vector<128x64xf32>
    %reduce_min3A_395 = arith.constant dense<0x7F800000> : vector<128xf32>
    %reduce_min3A_396 = vector.multi_reduction <minimumf>, %select_n3A_394, %reduce_min3A_395 [1] : vector<128x64xf32> to vector<128xf32>
    %broadcast_in_dim3A_397 = vector.shape_cast %reduce_min3A_396 : vector<128xf32> to vector<128x1xf32>
    %eq3A_398 = vector.broadcast %broadcast_in_dim3A_397 : vector<128x1xf32> to vector<128x64xf32>
    %eq3A_399 = arith.cmpf oeq, %convert_element_type3A, %eq3A_398 : vector<128x64xf32>
    %convert_element_type3A_400 = arith.extui %eq3A_399 : vector<128x64xi1> to vector<128x64xi32>
    %convert_element_type3A_401 = arith.sitofp %convert_element_type3A_400 : vector<128x64xi32> to vector<128x64xf32>
    %dot_general3A_402 = arith.constant dense<0.000000e+00> : vector<128x64xf32>
    %dot_general3A_403 = tpu.matmul %convert_element_type3A_3, %convert_element_type3A_401, %dot_general3A_402 {dimension_numbers = #tpu.dot_dimension_numbers<[1], [0], [0], [1], [0, 0, 1, 1], [], []>, transpose_lhs_hint = false} : vector<128x128xf32>, vector<128x64xf32>, vector<128x64xf32> -> vector<128x64xf32>
    %add3A_404 = vector.broadcast %add3A_383 : vector<1x64xf32> to vector<128x64xf32>
    %add3A_405 = arith.addf %dot_general3A_403, %add3A_404 : vector<128x64xf32>
    %mul3A_406 = arith.mulf %add3A_405, %convert_element_type3A_401 : vector<128x64xf32>
    %reduce_sum3A_407 = arith.constant dense<0.000000e+00> : vector<128xf32>
    %reduce_sum3A_408 = vector.multi_reduction <add>, %mul3A_406, %reduce_sum3A_407 [1] : vector<128x64xf32> to vector<128xf32>
    %broadcast_in_dim3A_409 = vector.shape_cast %reduce_sum3A_408 : vector<128xf32> to vector<128x1xf32>
    %reduce_sum3A_410 = arith.constant dense<0.000000e+00> : vector<64xf32>
    %reduce_sum3A_411 = vector.multi_reduction <add>, %convert_element_type3A_401, %reduce_sum3A_410 [0] : vector<128x64xf32> to vector<64xf32>
    %broadcast_in_dim3A_412 = vector.shape_cast %reduce_sum3A_411 : vector<64xf32> to vector<1x64xf32>
    %add3A_413 = arith.addf %add3A_383, %broadcast_in_dim3A_412 : vector<1x64xf32>
    %get3A_414 = arith.constant 1792 : index
    %get3A_415 = arith.constant 0 : index
    %get3A_416 = vector.load %arg0[%get3A_414, %get3A_415] : memref<4096x64xf32, #tpu.memory_space<vmem>>, vector<128x64xf32>
    %reduce_max3A_417 = arith.constant dense<0xFF800000> : vector<128xf32>
    %reduce_max3A_418 = vector.multi_reduction <maximumf>, %get3A_416, %reduce_max3A_417 [1] : vector<128x64xf32> to vector<128xf32>
    %broadcast_in_dim3A_419 = vector.shape_cast %reduce_max3A_418 : vector<128xf32> to vector<128x1xf32>
    %ge3A_420 = vector.broadcast %broadcast_in_dim3A_419 : vector<128x1xf32> to vector<128x64xf32>
    %ge3A_421 = arith.cmpf oge, %get3A_416, %ge3A_420 : vector<128x64xf32>
    %jit3A_422 = arith.constant 1.000000e+09 : f32
    %broadcast_in_dim3A_423 = vector.broadcast %jit3A_422 : f32 to vector<128x64xf32>
    %select_n3A_424 = arith.select %ge3A_421, %convert_element_type3A, %broadcast_in_dim3A_423 : vector<128x64xi1>, vector<128x64xf32>
    %reduce_min3A_425 = arith.constant dense<0x7F800000> : vector<128xf32>
    %reduce_min3A_426 = vector.multi_reduction <minimumf>, %select_n3A_424, %reduce_min3A_425 [1] : vector<128x64xf32> to vector<128xf32>
    %broadcast_in_dim3A_427 = vector.shape_cast %reduce_min3A_426 : vector<128xf32> to vector<128x1xf32>
    %eq3A_428 = vector.broadcast %broadcast_in_dim3A_427 : vector<128x1xf32> to vector<128x64xf32>
    %eq3A_429 = arith.cmpf oeq, %convert_element_type3A, %eq3A_428 : vector<128x64xf32>
    %convert_element_type3A_430 = arith.extui %eq3A_429 : vector<128x64xi1> to vector<128x64xi32>
    %convert_element_type3A_431 = arith.sitofp %convert_element_type3A_430 : vector<128x64xi32> to vector<128x64xf32>
    %dot_general3A_432 = arith.constant dense<0.000000e+00> : vector<128x64xf32>
    %dot_general3A_433 = tpu.matmul %convert_element_type3A_3, %convert_element_type3A_431, %dot_general3A_432 {dimension_numbers = #tpu.dot_dimension_numbers<[1], [0], [0], [1], [0, 0, 1, 1], [], []>, transpose_lhs_hint = false} : vector<128x128xf32>, vector<128x64xf32>, vector<128x64xf32> -> vector<128x64xf32>
    %add3A_434 = vector.broadcast %add3A_413 : vector<1x64xf32> to vector<128x64xf32>
    %add3A_435 = arith.addf %dot_general3A_433, %add3A_434 : vector<128x64xf32>
    %mul3A_436 = arith.mulf %add3A_435, %convert_element_type3A_431 : vector<128x64xf32>
    %reduce_sum3A_437 = arith.constant dense<0.000000e+00> : vector<128xf32>
    %reduce_sum3A_438 = vector.multi_reduction <add>, %mul3A_436, %reduce_sum3A_437 [1] : vector<128x64xf32> to vector<128xf32>
    %broadcast_in_dim3A_439 = vector.shape_cast %reduce_sum3A_438 : vector<128xf32> to vector<128x1xf32>
    %reduce_sum3A_440 = arith.constant dense<0.000000e+00> : vector<64xf32>
    %reduce_sum3A_441 = vector.multi_reduction <add>, %convert_element_type3A_431, %reduce_sum3A_440 [0] : vector<128x64xf32> to vector<64xf32>
    %broadcast_in_dim3A_442 = vector.shape_cast %reduce_sum3A_441 : vector<64xf32> to vector<1x64xf32>
    %add3A_443 = arith.addf %add3A_413, %broadcast_in_dim3A_442 : vector<1x64xf32>
    %get3A_444 = arith.constant 1920 : index
    %get3A_445 = arith.constant 0 : index
    %get3A_446 = vector.load %arg0[%get3A_444, %get3A_445] : memref<4096x64xf32, #tpu.memory_space<vmem>>, vector<128x64xf32>
    %reduce_max3A_447 = arith.constant dense<0xFF800000> : vector<128xf32>
    %reduce_max3A_448 = vector.multi_reduction <maximumf>, %get3A_446, %reduce_max3A_447 [1] : vector<128x64xf32> to vector<128xf32>
    %broadcast_in_dim3A_449 = vector.shape_cast %reduce_max3A_448 : vector<128xf32> to vector<128x1xf32>
    %ge3A_450 = vector.broadcast %broadcast_in_dim3A_449 : vector<128x1xf32> to vector<128x64xf32>
    %ge3A_451 = arith.cmpf oge, %get3A_446, %ge3A_450 : vector<128x64xf32>
    %jit3A_452 = arith.constant 1.000000e+09 : f32
    %broadcast_in_dim3A_453 = vector.broadcast %jit3A_452 : f32 to vector<128x64xf32>
    %select_n3A_454 = arith.select %ge3A_451, %convert_element_type3A, %broadcast_in_dim3A_453 : vector<128x64xi1>, vector<128x64xf32>
    %reduce_min3A_455 = arith.constant dense<0x7F800000> : vector<128xf32>
    %reduce_min3A_456 = vector.multi_reduction <minimumf>, %select_n3A_454, %reduce_min3A_455 [1] : vector<128x64xf32> to vector<128xf32>
    %broadcast_in_dim3A_457 = vector.shape_cast %reduce_min3A_456 : vector<128xf32> to vector<128x1xf32>
    %eq3A_458 = vector.broadcast %broadcast_in_dim3A_457 : vector<128x1xf32> to vector<128x64xf32>
    %eq3A_459 = arith.cmpf oeq, %convert_element_type3A, %eq3A_458 : vector<128x64xf32>
    %convert_element_type3A_460 = arith.extui %eq3A_459 : vector<128x64xi1> to vector<128x64xi32>
    %convert_element_type3A_461 = arith.sitofp %convert_element_type3A_460 : vector<128x64xi32> to vector<128x64xf32>
    %dot_general3A_462 = arith.constant dense<0.000000e+00> : vector<128x64xf32>
    %dot_general3A_463 = tpu.matmul %convert_element_type3A_3, %convert_element_type3A_461, %dot_general3A_462 {dimension_numbers = #tpu.dot_dimension_numbers<[1], [0], [0], [1], [0, 0, 1, 1], [], []>, transpose_lhs_hint = false} : vector<128x128xf32>, vector<128x64xf32>, vector<128x64xf32> -> vector<128x64xf32>
    %add3A_464 = vector.broadcast %add3A_443 : vector<1x64xf32> to vector<128x64xf32>
    %add3A_465 = arith.addf %dot_general3A_463, %add3A_464 : vector<128x64xf32>
    %mul3A_466 = arith.mulf %add3A_465, %convert_element_type3A_461 : vector<128x64xf32>
    %reduce_sum3A_467 = arith.constant dense<0.000000e+00> : vector<128xf32>
    %reduce_sum3A_468 = vector.multi_reduction <add>, %mul3A_466, %reduce_sum3A_467 [1] : vector<128x64xf32> to vector<128xf32>
    %broadcast_in_dim3A_469 = vector.shape_cast %reduce_sum3A_468 : vector<128xf32> to vector<128x1xf32>
    %reduce_sum3A_470 = arith.constant dense<0.000000e+00> : vector<64xf32>
    %reduce_sum3A_471 = vector.multi_reduction <add>, %convert_element_type3A_461, %reduce_sum3A_470 [0] : vector<128x64xf32> to vector<64xf32>
    %broadcast_in_dim3A_472 = vector.shape_cast %reduce_sum3A_471 : vector<64xf32> to vector<1x64xf32>
    %add3A_473 = arith.addf %add3A_443, %broadcast_in_dim3A_472 : vector<1x64xf32>
    %get3A_474 = arith.constant 2048 : index
    %get3A_475 = arith.constant 0 : index
    %get3A_476 = vector.load %arg0[%get3A_474, %get3A_475] : memref<4096x64xf32, #tpu.memory_space<vmem>>, vector<128x64xf32>
    %reduce_max3A_477 = arith.constant dense<0xFF800000> : vector<128xf32>
    %reduce_max3A_478 = vector.multi_reduction <maximumf>, %get3A_476, %reduce_max3A_477 [1] : vector<128x64xf32> to vector<128xf32>
    %broadcast_in_dim3A_479 = vector.shape_cast %reduce_max3A_478 : vector<128xf32> to vector<128x1xf32>
    %ge3A_480 = vector.broadcast %broadcast_in_dim3A_479 : vector<128x1xf32> to vector<128x64xf32>
    %ge3A_481 = arith.cmpf oge, %get3A_476, %ge3A_480 : vector<128x64xf32>
    %jit3A_482 = arith.constant 1.000000e+09 : f32
    %broadcast_in_dim3A_483 = vector.broadcast %jit3A_482 : f32 to vector<128x64xf32>
    %select_n3A_484 = arith.select %ge3A_481, %convert_element_type3A, %broadcast_in_dim3A_483 : vector<128x64xi1>, vector<128x64xf32>
    %reduce_min3A_485 = arith.constant dense<0x7F800000> : vector<128xf32>
    %reduce_min3A_486 = vector.multi_reduction <minimumf>, %select_n3A_484, %reduce_min3A_485 [1] : vector<128x64xf32> to vector<128xf32>
    %broadcast_in_dim3A_487 = vector.shape_cast %reduce_min3A_486 : vector<128xf32> to vector<128x1xf32>
    %eq3A_488 = vector.broadcast %broadcast_in_dim3A_487 : vector<128x1xf32> to vector<128x64xf32>
    %eq3A_489 = arith.cmpf oeq, %convert_element_type3A, %eq3A_488 : vector<128x64xf32>
    %convert_element_type3A_490 = arith.extui %eq3A_489 : vector<128x64xi1> to vector<128x64xi32>
    %convert_element_type3A_491 = arith.sitofp %convert_element_type3A_490 : vector<128x64xi32> to vector<128x64xf32>
    %dot_general3A_492 = arith.constant dense<0.000000e+00> : vector<128x64xf32>
    %dot_general3A_493 = tpu.matmul %convert_element_type3A_3, %convert_element_type3A_491, %dot_general3A_492 {dimension_numbers = #tpu.dot_dimension_numbers<[1], [0], [0], [1], [0, 0, 1, 1], [], []>, transpose_lhs_hint = false} : vector<128x128xf32>, vector<128x64xf32>, vector<128x64xf32> -> vector<128x64xf32>
    %add3A_494 = vector.broadcast %add3A_473 : vector<1x64xf32> to vector<128x64xf32>
    %add3A_495 = arith.addf %dot_general3A_493, %add3A_494 : vector<128x64xf32>
    %mul3A_496 = arith.mulf %add3A_495, %convert_element_type3A_491 : vector<128x64xf32>
    %reduce_sum3A_497 = arith.constant dense<0.000000e+00> : vector<128xf32>
    %reduce_sum3A_498 = vector.multi_reduction <add>, %mul3A_496, %reduce_sum3A_497 [1] : vector<128x64xf32> to vector<128xf32>
    %broadcast_in_dim3A_499 = vector.shape_cast %reduce_sum3A_498 : vector<128xf32> to vector<128x1xf32>
    %reduce_sum3A_500 = arith.constant dense<0.000000e+00> : vector<64xf32>
    %reduce_sum3A_501 = vector.multi_reduction <add>, %convert_element_type3A_491, %reduce_sum3A_500 [0] : vector<128x64xf32> to vector<64xf32>
    %broadcast_in_dim3A_502 = vector.shape_cast %reduce_sum3A_501 : vector<64xf32> to vector<1x64xf32>
    %add3A_503 = arith.addf %add3A_473, %broadcast_in_dim3A_502 : vector<1x64xf32>
    %get3A_504 = arith.constant 2176 : index
    %get3A_505 = arith.constant 0 : index
    %get3A_506 = vector.load %arg0[%get3A_504, %get3A_505] : memref<4096x64xf32, #tpu.memory_space<vmem>>, vector<128x64xf32>
    %reduce_max3A_507 = arith.constant dense<0xFF800000> : vector<128xf32>
    %reduce_max3A_508 = vector.multi_reduction <maximumf>, %get3A_506, %reduce_max3A_507 [1] : vector<128x64xf32> to vector<128xf32>
    %broadcast_in_dim3A_509 = vector.shape_cast %reduce_max3A_508 : vector<128xf32> to vector<128x1xf32>
    %ge3A_510 = vector.broadcast %broadcast_in_dim3A_509 : vector<128x1xf32> to vector<128x64xf32>
    %ge3A_511 = arith.cmpf oge, %get3A_506, %ge3A_510 : vector<128x64xf32>
    %jit3A_512 = arith.constant 1.000000e+09 : f32
    %broadcast_in_dim3A_513 = vector.broadcast %jit3A_512 : f32 to vector<128x64xf32>
    %select_n3A_514 = arith.select %ge3A_511, %convert_element_type3A, %broadcast_in_dim3A_513 : vector<128x64xi1>, vector<128x64xf32>
    %reduce_min3A_515 = arith.constant dense<0x7F800000> : vector<128xf32>
    %reduce_min3A_516 = vector.multi_reduction <minimumf>, %select_n3A_514, %reduce_min3A_515 [1] : vector<128x64xf32> to vector<128xf32>
    %broadcast_in_dim3A_517 = vector.shape_cast %reduce_min3A_516 : vector<128xf32> to vector<128x1xf32>
    %eq3A_518 = vector.broadcast %broadcast_in_dim3A_517 : vector<128x1xf32> to vector<128x64xf32>
    %eq3A_519 = arith.cmpf oeq, %convert_element_type3A, %eq3A_518 : vector<128x64xf32>
    %convert_element_type3A_520 = arith.extui %eq3A_519 : vector<128x64xi1> to vector<128x64xi32>
    %convert_element_type3A_521 = arith.sitofp %convert_element_type3A_520 : vector<128x64xi32> to vector<128x64xf32>
    %dot_general3A_522 = arith.constant dense<0.000000e+00> : vector<128x64xf32>
    %dot_general3A_523 = tpu.matmul %convert_element_type3A_3, %convert_element_type3A_521, %dot_general3A_522 {dimension_numbers = #tpu.dot_dimension_numbers<[1], [0], [0], [1], [0, 0, 1, 1], [], []>, transpose_lhs_hint = false} : vector<128x128xf32>, vector<128x64xf32>, vector<128x64xf32> -> vector<128x64xf32>
    %add3A_524 = vector.broadcast %add3A_503 : vector<1x64xf32> to vector<128x64xf32>
    %add3A_525 = arith.addf %dot_general3A_523, %add3A_524 : vector<128x64xf32>
    %mul3A_526 = arith.mulf %add3A_525, %convert_element_type3A_521 : vector<128x64xf32>
    %reduce_sum3A_527 = arith.constant dense<0.000000e+00> : vector<128xf32>
    %reduce_sum3A_528 = vector.multi_reduction <add>, %mul3A_526, %reduce_sum3A_527 [1] : vector<128x64xf32> to vector<128xf32>
    %broadcast_in_dim3A_529 = vector.shape_cast %reduce_sum3A_528 : vector<128xf32> to vector<128x1xf32>
    %reduce_sum3A_530 = arith.constant dense<0.000000e+00> : vector<64xf32>
    %reduce_sum3A_531 = vector.multi_reduction <add>, %convert_element_type3A_521, %reduce_sum3A_530 [0] : vector<128x64xf32> to vector<64xf32>
    %broadcast_in_dim3A_532 = vector.shape_cast %reduce_sum3A_531 : vector<64xf32> to vector<1x64xf32>
    %add3A_533 = arith.addf %add3A_503, %broadcast_in_dim3A_532 : vector<1x64xf32>
    %get3A_534 = arith.constant 2304 : index
    %get3A_535 = arith.constant 0 : index
    %get3A_536 = vector.load %arg0[%get3A_534, %get3A_535] : memref<4096x64xf32, #tpu.memory_space<vmem>>, vector<128x64xf32>
    %reduce_max3A_537 = arith.constant dense<0xFF800000> : vector<128xf32>
    %reduce_max3A_538 = vector.multi_reduction <maximumf>, %get3A_536, %reduce_max3A_537 [1] : vector<128x64xf32> to vector<128xf32>
    %broadcast_in_dim3A_539 = vector.shape_cast %reduce_max3A_538 : vector<128xf32> to vector<128x1xf32>
    %ge3A_540 = vector.broadcast %broadcast_in_dim3A_539 : vector<128x1xf32> to vector<128x64xf32>
    %ge3A_541 = arith.cmpf oge, %get3A_536, %ge3A_540 : vector<128x64xf32>
    %jit3A_542 = arith.constant 1.000000e+09 : f32
    %broadcast_in_dim3A_543 = vector.broadcast %jit3A_542 : f32 to vector<128x64xf32>
    %select_n3A_544 = arith.select %ge3A_541, %convert_element_type3A, %broadcast_in_dim3A_543 : vector<128x64xi1>, vector<128x64xf32>
    %reduce_min3A_545 = arith.constant dense<0x7F800000> : vector<128xf32>
    %reduce_min3A_546 = vector.multi_reduction <minimumf>, %select_n3A_544, %reduce_min3A_545 [1] : vector<128x64xf32> to vector<128xf32>
    %broadcast_in_dim3A_547 = vector.shape_cast %reduce_min3A_546 : vector<128xf32> to vector<128x1xf32>
    %eq3A_548 = vector.broadcast %broadcast_in_dim3A_547 : vector<128x1xf32> to vector<128x64xf32>
    %eq3A_549 = arith.cmpf oeq, %convert_element_type3A, %eq3A_548 : vector<128x64xf32>
    %convert_element_type3A_550 = arith.extui %eq3A_549 : vector<128x64xi1> to vector<128x64xi32>
    %convert_element_type3A_551 = arith.sitofp %convert_element_type3A_550 : vector<128x64xi32> to vector<128x64xf32>
    %dot_general3A_552 = arith.constant dense<0.000000e+00> : vector<128x64xf32>
    %dot_general3A_553 = tpu.matmul %convert_element_type3A_3, %convert_element_type3A_551, %dot_general3A_552 {dimension_numbers = #tpu.dot_dimension_numbers<[1], [0], [0], [1], [0, 0, 1, 1], [], []>, transpose_lhs_hint = false} : vector<128x128xf32>, vector<128x64xf32>, vector<128x64xf32> -> vector<128x64xf32>
    %add3A_554 = vector.broadcast %add3A_533 : vector<1x64xf32> to vector<128x64xf32>
    %add3A_555 = arith.addf %dot_general3A_553, %add3A_554 : vector<128x64xf32>
    %mul3A_556 = arith.mulf %add3A_555, %convert_element_type3A_551 : vector<128x64xf32>
    %reduce_sum3A_557 = arith.constant dense<0.000000e+00> : vector<128xf32>
    %reduce_sum3A_558 = vector.multi_reduction <add>, %mul3A_556, %reduce_sum3A_557 [1] : vector<128x64xf32> to vector<128xf32>
    %broadcast_in_dim3A_559 = vector.shape_cast %reduce_sum3A_558 : vector<128xf32> to vector<128x1xf32>
    %reduce_sum3A_560 = arith.constant dense<0.000000e+00> : vector<64xf32>
    %reduce_sum3A_561 = vector.multi_reduction <add>, %convert_element_type3A_551, %reduce_sum3A_560 [0] : vector<128x64xf32> to vector<64xf32>
    %broadcast_in_dim3A_562 = vector.shape_cast %reduce_sum3A_561 : vector<64xf32> to vector<1x64xf32>
    %add3A_563 = arith.addf %add3A_533, %broadcast_in_dim3A_562 : vector<1x64xf32>
    %get3A_564 = arith.constant 2432 : index
    %get3A_565 = arith.constant 0 : index
    %get3A_566 = vector.load %arg0[%get3A_564, %get3A_565] : memref<4096x64xf32, #tpu.memory_space<vmem>>, vector<128x64xf32>
    %reduce_max3A_567 = arith.constant dense<0xFF800000> : vector<128xf32>
    %reduce_max3A_568 = vector.multi_reduction <maximumf>, %get3A_566, %reduce_max3A_567 [1] : vector<128x64xf32> to vector<128xf32>
    %broadcast_in_dim3A_569 = vector.shape_cast %reduce_max3A_568 : vector<128xf32> to vector<128x1xf32>
    %ge3A_570 = vector.broadcast %broadcast_in_dim3A_569 : vector<128x1xf32> to vector<128x64xf32>
    %ge3A_571 = arith.cmpf oge, %get3A_566, %ge3A_570 : vector<128x64xf32>
    %jit3A_572 = arith.constant 1.000000e+09 : f32
    %broadcast_in_dim3A_573 = vector.broadcast %jit3A_572 : f32 to vector<128x64xf32>
    %select_n3A_574 = arith.select %ge3A_571, %convert_element_type3A, %broadcast_in_dim3A_573 : vector<128x64xi1>, vector<128x64xf32>
    %reduce_min3A_575 = arith.constant dense<0x7F800000> : vector<128xf32>
    %reduce_min3A_576 = vector.multi_reduction <minimumf>, %select_n3A_574, %reduce_min3A_575 [1] : vector<128x64xf32> to vector<128xf32>
    %broadcast_in_dim3A_577 = vector.shape_cast %reduce_min3A_576 : vector<128xf32> to vector<128x1xf32>
    %eq3A_578 = vector.broadcast %broadcast_in_dim3A_577 : vector<128x1xf32> to vector<128x64xf32>
    %eq3A_579 = arith.cmpf oeq, %convert_element_type3A, %eq3A_578 : vector<128x64xf32>
    %convert_element_type3A_580 = arith.extui %eq3A_579 : vector<128x64xi1> to vector<128x64xi32>
    %convert_element_type3A_581 = arith.sitofp %convert_element_type3A_580 : vector<128x64xi32> to vector<128x64xf32>
    %dot_general3A_582 = arith.constant dense<0.000000e+00> : vector<128x64xf32>
    %dot_general3A_583 = tpu.matmul %convert_element_type3A_3, %convert_element_type3A_581, %dot_general3A_582 {dimension_numbers = #tpu.dot_dimension_numbers<[1], [0], [0], [1], [0, 0, 1, 1], [], []>, transpose_lhs_hint = false} : vector<128x128xf32>, vector<128x64xf32>, vector<128x64xf32> -> vector<128x64xf32>
    %add3A_584 = vector.broadcast %add3A_563 : vector<1x64xf32> to vector<128x64xf32>
    %add3A_585 = arith.addf %dot_general3A_583, %add3A_584 : vector<128x64xf32>
    %mul3A_586 = arith.mulf %add3A_585, %convert_element_type3A_581 : vector<128x64xf32>
    %reduce_sum3A_587 = arith.constant dense<0.000000e+00> : vector<128xf32>
    %reduce_sum3A_588 = vector.multi_reduction <add>, %mul3A_586, %reduce_sum3A_587 [1] : vector<128x64xf32> to vector<128xf32>
    %broadcast_in_dim3A_589 = vector.shape_cast %reduce_sum3A_588 : vector<128xf32> to vector<128x1xf32>
    %reduce_sum3A_590 = arith.constant dense<0.000000e+00> : vector<64xf32>
    %reduce_sum3A_591 = vector.multi_reduction <add>, %convert_element_type3A_581, %reduce_sum3A_590 [0] : vector<128x64xf32> to vector<64xf32>
    %broadcast_in_dim3A_592 = vector.shape_cast %reduce_sum3A_591 : vector<64xf32> to vector<1x64xf32>
    %add3A_593 = arith.addf %add3A_563, %broadcast_in_dim3A_592 : vector<1x64xf32>
    %get3A_594 = arith.constant 2560 : index
    %get3A_595 = arith.constant 0 : index
    %get3A_596 = vector.load %arg0[%get3A_594, %get3A_595] : memref<4096x64xf32, #tpu.memory_space<vmem>>, vector<128x64xf32>
    %reduce_max3A_597 = arith.constant dense<0xFF800000> : vector<128xf32>
    %reduce_max3A_598 = vector.multi_reduction <maximumf>, %get3A_596, %reduce_max3A_597 [1] : vector<128x64xf32> to vector<128xf32>
    %broadcast_in_dim3A_599 = vector.shape_cast %reduce_max3A_598 : vector<128xf32> to vector<128x1xf32>
    %ge3A_600 = vector.broadcast %broadcast_in_dim3A_599 : vector<128x1xf32> to vector<128x64xf32>
    %ge3A_601 = arith.cmpf oge, %get3A_596, %ge3A_600 : vector<128x64xf32>
    %jit3A_602 = arith.constant 1.000000e+09 : f32
    %broadcast_in_dim3A_603 = vector.broadcast %jit3A_602 : f32 to vector<128x64xf32>
    %select_n3A_604 = arith.select %ge3A_601, %convert_element_type3A, %broadcast_in_dim3A_603 : vector<128x64xi1>, vector<128x64xf32>
    %reduce_min3A_605 = arith.constant dense<0x7F800000> : vector<128xf32>
    %reduce_min3A_606 = vector.multi_reduction <minimumf>, %select_n3A_604, %reduce_min3A_605 [1] : vector<128x64xf32> to vector<128xf32>
    %broadcast_in_dim3A_607 = vector.shape_cast %reduce_min3A_606 : vector<128xf32> to vector<128x1xf32>
    %eq3A_608 = vector.broadcast %broadcast_in_dim3A_607 : vector<128x1xf32> to vector<128x64xf32>
    %eq3A_609 = arith.cmpf oeq, %convert_element_type3A, %eq3A_608 : vector<128x64xf32>
    %convert_element_type3A_610 = arith.extui %eq3A_609 : vector<128x64xi1> to vector<128x64xi32>
    %convert_element_type3A_611 = arith.sitofp %convert_element_type3A_610 : vector<128x64xi32> to vector<128x64xf32>
    %dot_general3A_612 = arith.constant dense<0.000000e+00> : vector<128x64xf32>
    %dot_general3A_613 = tpu.matmul %convert_element_type3A_3, %convert_element_type3A_611, %dot_general3A_612 {dimension_numbers = #tpu.dot_dimension_numbers<[1], [0], [0], [1], [0, 0, 1, 1], [], []>, transpose_lhs_hint = false} : vector<128x128xf32>, vector<128x64xf32>, vector<128x64xf32> -> vector<128x64xf32>
    %add3A_614 = vector.broadcast %add3A_593 : vector<1x64xf32> to vector<128x64xf32>
    %add3A_615 = arith.addf %dot_general3A_613, %add3A_614 : vector<128x64xf32>
    %mul3A_616 = arith.mulf %add3A_615, %convert_element_type3A_611 : vector<128x64xf32>
    %reduce_sum3A_617 = arith.constant dense<0.000000e+00> : vector<128xf32>
    %reduce_sum3A_618 = vector.multi_reduction <add>, %mul3A_616, %reduce_sum3A_617 [1] : vector<128x64xf32> to vector<128xf32>
    %broadcast_in_dim3A_619 = vector.shape_cast %reduce_sum3A_618 : vector<128xf32> to vector<128x1xf32>
    %reduce_sum3A_620 = arith.constant dense<0.000000e+00> : vector<64xf32>
    %reduce_sum3A_621 = vector.multi_reduction <add>, %convert_element_type3A_611, %reduce_sum3A_620 [0] : vector<128x64xf32> to vector<64xf32>
    %broadcast_in_dim3A_622 = vector.shape_cast %reduce_sum3A_621 : vector<64xf32> to vector<1x64xf32>
    %add3A_623 = arith.addf %add3A_593, %broadcast_in_dim3A_622 : vector<1x64xf32>
    %get3A_624 = arith.constant 2688 : index
    %get3A_625 = arith.constant 0 : index
    %get3A_626 = vector.load %arg0[%get3A_624, %get3A_625] : memref<4096x64xf32, #tpu.memory_space<vmem>>, vector<128x64xf32>
    %reduce_max3A_627 = arith.constant dense<0xFF800000> : vector<128xf32>
    %reduce_max3A_628 = vector.multi_reduction <maximumf>, %get3A_626, %reduce_max3A_627 [1] : vector<128x64xf32> to vector<128xf32>
    %broadcast_in_dim3A_629 = vector.shape_cast %reduce_max3A_628 : vector<128xf32> to vector<128x1xf32>
    %ge3A_630 = vector.broadcast %broadcast_in_dim3A_629 : vector<128x1xf32> to vector<128x64xf32>
    %ge3A_631 = arith.cmpf oge, %get3A_626, %ge3A_630 : vector<128x64xf32>
    %jit3A_632 = arith.constant 1.000000e+09 : f32
    %broadcast_in_dim3A_633 = vector.broadcast %jit3A_632 : f32 to vector<128x64xf32>
    %select_n3A_634 = arith.select %ge3A_631, %convert_element_type3A, %broadcast_in_dim3A_633 : vector<128x64xi1>, vector<128x64xf32>
    %reduce_min3A_635 = arith.constant dense<0x7F800000> : vector<128xf32>
    %reduce_min3A_636 = vector.multi_reduction <minimumf>, %select_n3A_634, %reduce_min3A_635 [1] : vector<128x64xf32> to vector<128xf32>
    %broadcast_in_dim3A_637 = vector.shape_cast %reduce_min3A_636 : vector<128xf32> to vector<128x1xf32>
    %eq3A_638 = vector.broadcast %broadcast_in_dim3A_637 : vector<128x1xf32> to vector<128x64xf32>
    %eq3A_639 = arith.cmpf oeq, %convert_element_type3A, %eq3A_638 : vector<128x64xf32>
    %convert_element_type3A_640 = arith.extui %eq3A_639 : vector<128x64xi1> to vector<128x64xi32>
    %convert_element_type3A_641 = arith.sitofp %convert_element_type3A_640 : vector<128x64xi32> to vector<128x64xf32>
    %dot_general3A_642 = arith.constant dense<0.000000e+00> : vector<128x64xf32>
    %dot_general3A_643 = tpu.matmul %convert_element_type3A_3, %convert_element_type3A_641, %dot_general3A_642 {dimension_numbers = #tpu.dot_dimension_numbers<[1], [0], [0], [1], [0, 0, 1, 1], [], []>, transpose_lhs_hint = false} : vector<128x128xf32>, vector<128x64xf32>, vector<128x64xf32> -> vector<128x64xf32>
    %add3A_644 = vector.broadcast %add3A_623 : vector<1x64xf32> to vector<128x64xf32>
    %add3A_645 = arith.addf %dot_general3A_643, %add3A_644 : vector<128x64xf32>
    %mul3A_646 = arith.mulf %add3A_645, %convert_element_type3A_641 : vector<128x64xf32>
    %reduce_sum3A_647 = arith.constant dense<0.000000e+00> : vector<128xf32>
    %reduce_sum3A_648 = vector.multi_reduction <add>, %mul3A_646, %reduce_sum3A_647 [1] : vector<128x64xf32> to vector<128xf32>
    %broadcast_in_dim3A_649 = vector.shape_cast %reduce_sum3A_648 : vector<128xf32> to vector<128x1xf32>
    %reduce_sum3A_650 = arith.constant dense<0.000000e+00> : vector<64xf32>
    %reduce_sum3A_651 = vector.multi_reduction <add>, %convert_element_type3A_641, %reduce_sum3A_650 [0] : vector<128x64xf32> to vector<64xf32>
    %broadcast_in_dim3A_652 = vector.shape_cast %reduce_sum3A_651 : vector<64xf32> to vector<1x64xf32>
    %add3A_653 = arith.addf %add3A_623, %broadcast_in_dim3A_652 : vector<1x64xf32>
    %get3A_654 = arith.constant 2816 : index
    %get3A_655 = arith.constant 0 : index
    %get3A_656 = vector.load %arg0[%get3A_654, %get3A_655] : memref<4096x64xf32, #tpu.memory_space<vmem>>, vector<128x64xf32>
    %reduce_max3A_657 = arith.constant dense<0xFF800000> : vector<128xf32>
    %reduce_max3A_658 = vector.multi_reduction <maximumf>, %get3A_656, %reduce_max3A_657 [1] : vector<128x64xf32> to vector<128xf32>
    %broadcast_in_dim3A_659 = vector.shape_cast %reduce_max3A_658 : vector<128xf32> to vector<128x1xf32>
    %ge3A_660 = vector.broadcast %broadcast_in_dim3A_659 : vector<128x1xf32> to vector<128x64xf32>
    %ge3A_661 = arith.cmpf oge, %get3A_656, %ge3A_660 : vector<128x64xf32>
    %jit3A_662 = arith.constant 1.000000e+09 : f32
    %broadcast_in_dim3A_663 = vector.broadcast %jit3A_662 : f32 to vector<128x64xf32>
    %select_n3A_664 = arith.select %ge3A_661, %convert_element_type3A, %broadcast_in_dim3A_663 : vector<128x64xi1>, vector<128x64xf32>
    %reduce_min3A_665 = arith.constant dense<0x7F800000> : vector<128xf32>
    %reduce_min3A_666 = vector.multi_reduction <minimumf>, %select_n3A_664, %reduce_min3A_665 [1] : vector<128x64xf32> to vector<128xf32>
    %broadcast_in_dim3A_667 = vector.shape_cast %reduce_min3A_666 : vector<128xf32> to vector<128x1xf32>
    %eq3A_668 = vector.broadcast %broadcast_in_dim3A_667 : vector<128x1xf32> to vector<128x64xf32>
    %eq3A_669 = arith.cmpf oeq, %convert_element_type3A, %eq3A_668 : vector<128x64xf32>
    %convert_element_type3A_670 = arith.extui %eq3A_669 : vector<128x64xi1> to vector<128x64xi32>
    %convert_element_type3A_671 = arith.sitofp %convert_element_type3A_670 : vector<128x64xi32> to vector<128x64xf32>
    %dot_general3A_672 = arith.constant dense<0.000000e+00> : vector<128x64xf32>
    %dot_general3A_673 = tpu.matmul %convert_element_type3A_3, %convert_element_type3A_671, %dot_general3A_672 {dimension_numbers = #tpu.dot_dimension_numbers<[1], [0], [0], [1], [0, 0, 1, 1], [], []>, transpose_lhs_hint = false} : vector<128x128xf32>, vector<128x64xf32>, vector<128x64xf32> -> vector<128x64xf32>
    %add3A_674 = vector.broadcast %add3A_653 : vector<1x64xf32> to vector<128x64xf32>
    %add3A_675 = arith.addf %dot_general3A_673, %add3A_674 : vector<128x64xf32>
    %mul3A_676 = arith.mulf %add3A_675, %convert_element_type3A_671 : vector<128x64xf32>
    %reduce_sum3A_677 = arith.constant dense<0.000000e+00> : vector<128xf32>
    %reduce_sum3A_678 = vector.multi_reduction <add>, %mul3A_676, %reduce_sum3A_677 [1] : vector<128x64xf32> to vector<128xf32>
    %broadcast_in_dim3A_679 = vector.shape_cast %reduce_sum3A_678 : vector<128xf32> to vector<128x1xf32>
    %reduce_sum3A_680 = arith.constant dense<0.000000e+00> : vector<64xf32>
    %reduce_sum3A_681 = vector.multi_reduction <add>, %convert_element_type3A_671, %reduce_sum3A_680 [0] : vector<128x64xf32> to vector<64xf32>
    %broadcast_in_dim3A_682 = vector.shape_cast %reduce_sum3A_681 : vector<64xf32> to vector<1x64xf32>
    %add3A_683 = arith.addf %add3A_653, %broadcast_in_dim3A_682 : vector<1x64xf32>
    %get3A_684 = arith.constant 2944 : index
    %get3A_685 = arith.constant 0 : index
    %get3A_686 = vector.load %arg0[%get3A_684, %get3A_685] : memref<4096x64xf32, #tpu.memory_space<vmem>>, vector<128x64xf32>
    %reduce_max3A_687 = arith.constant dense<0xFF800000> : vector<128xf32>
    %reduce_max3A_688 = vector.multi_reduction <maximumf>, %get3A_686, %reduce_max3A_687 [1] : vector<128x64xf32> to vector<128xf32>
    %broadcast_in_dim3A_689 = vector.shape_cast %reduce_max3A_688 : vector<128xf32> to vector<128x1xf32>
    %ge3A_690 = vector.broadcast %broadcast_in_dim3A_689 : vector<128x1xf32> to vector<128x64xf32>
    %ge3A_691 = arith.cmpf oge, %get3A_686, %ge3A_690 : vector<128x64xf32>
    %jit3A_692 = arith.constant 1.000000e+09 : f32
    %broadcast_in_dim3A_693 = vector.broadcast %jit3A_692 : f32 to vector<128x64xf32>
    %select_n3A_694 = arith.select %ge3A_691, %convert_element_type3A, %broadcast_in_dim3A_693 : vector<128x64xi1>, vector<128x64xf32>
    %reduce_min3A_695 = arith.constant dense<0x7F800000> : vector<128xf32>
    %reduce_min3A_696 = vector.multi_reduction <minimumf>, %select_n3A_694, %reduce_min3A_695 [1] : vector<128x64xf32> to vector<128xf32>
    %broadcast_in_dim3A_697 = vector.shape_cast %reduce_min3A_696 : vector<128xf32> to vector<128x1xf32>
    %eq3A_698 = vector.broadcast %broadcast_in_dim3A_697 : vector<128x1xf32> to vector<128x64xf32>
    %eq3A_699 = arith.cmpf oeq, %convert_element_type3A, %eq3A_698 : vector<128x64xf32>
    %convert_element_type3A_700 = arith.extui %eq3A_699 : vector<128x64xi1> to vector<128x64xi32>
    %convert_element_type3A_701 = arith.sitofp %convert_element_type3A_700 : vector<128x64xi32> to vector<128x64xf32>
    %dot_general3A_702 = arith.constant dense<0.000000e+00> : vector<128x64xf32>
    %dot_general3A_703 = tpu.matmul %convert_element_type3A_3, %convert_element_type3A_701, %dot_general3A_702 {dimension_numbers = #tpu.dot_dimension_numbers<[1], [0], [0], [1], [0, 0, 1, 1], [], []>, transpose_lhs_hint = false} : vector<128x128xf32>, vector<128x64xf32>, vector<128x64xf32> -> vector<128x64xf32>
    %add3A_704 = vector.broadcast %add3A_683 : vector<1x64xf32> to vector<128x64xf32>
    %add3A_705 = arith.addf %dot_general3A_703, %add3A_704 : vector<128x64xf32>
    %mul3A_706 = arith.mulf %add3A_705, %convert_element_type3A_701 : vector<128x64xf32>
    %reduce_sum3A_707 = arith.constant dense<0.000000e+00> : vector<128xf32>
    %reduce_sum3A_708 = vector.multi_reduction <add>, %mul3A_706, %reduce_sum3A_707 [1] : vector<128x64xf32> to vector<128xf32>
    %broadcast_in_dim3A_709 = vector.shape_cast %reduce_sum3A_708 : vector<128xf32> to vector<128x1xf32>
    %reduce_sum3A_710 = arith.constant dense<0.000000e+00> : vector<64xf32>
    %reduce_sum3A_711 = vector.multi_reduction <add>, %convert_element_type3A_701, %reduce_sum3A_710 [0] : vector<128x64xf32> to vector<64xf32>
    %broadcast_in_dim3A_712 = vector.shape_cast %reduce_sum3A_711 : vector<64xf32> to vector<1x64xf32>
    %add3A_713 = arith.addf %add3A_683, %broadcast_in_dim3A_712 : vector<1x64xf32>
    %get3A_714 = arith.constant 3072 : index
    %get3A_715 = arith.constant 0 : index
    %get3A_716 = vector.load %arg0[%get3A_714, %get3A_715] : memref<4096x64xf32, #tpu.memory_space<vmem>>, vector<128x64xf32>
    %reduce_max3A_717 = arith.constant dense<0xFF800000> : vector<128xf32>
    %reduce_max3A_718 = vector.multi_reduction <maximumf>, %get3A_716, %reduce_max3A_717 [1] : vector<128x64xf32> to vector<128xf32>
    %broadcast_in_dim3A_719 = vector.shape_cast %reduce_max3A_718 : vector<128xf32> to vector<128x1xf32>
    %ge3A_720 = vector.broadcast %broadcast_in_dim3A_719 : vector<128x1xf32> to vector<128x64xf32>
    %ge3A_721 = arith.cmpf oge, %get3A_716, %ge3A_720 : vector<128x64xf32>
    %jit3A_722 = arith.constant 1.000000e+09 : f32
    %broadcast_in_dim3A_723 = vector.broadcast %jit3A_722 : f32 to vector<128x64xf32>
    %select_n3A_724 = arith.select %ge3A_721, %convert_element_type3A, %broadcast_in_dim3A_723 : vector<128x64xi1>, vector<128x64xf32>
    %reduce_min3A_725 = arith.constant dense<0x7F800000> : vector<128xf32>
    %reduce_min3A_726 = vector.multi_reduction <minimumf>, %select_n3A_724, %reduce_min3A_725 [1] : vector<128x64xf32> to vector<128xf32>
    %broadcast_in_dim3A_727 = vector.shape_cast %reduce_min3A_726 : vector<128xf32> to vector<128x1xf32>
    %eq3A_728 = vector.broadcast %broadcast_in_dim3A_727 : vector<128x1xf32> to vector<128x64xf32>
    %eq3A_729 = arith.cmpf oeq, %convert_element_type3A, %eq3A_728 : vector<128x64xf32>
    %convert_element_type3A_730 = arith.extui %eq3A_729 : vector<128x64xi1> to vector<128x64xi32>
    %convert_element_type3A_731 = arith.sitofp %convert_element_type3A_730 : vector<128x64xi32> to vector<128x64xf32>
    %dot_general3A_732 = arith.constant dense<0.000000e+00> : vector<128x64xf32>
    %dot_general3A_733 = tpu.matmul %convert_element_type3A_3, %convert_element_type3A_731, %dot_general3A_732 {dimension_numbers = #tpu.dot_dimension_numbers<[1], [0], [0], [1], [0, 0, 1, 1], [], []>, transpose_lhs_hint = false} : vector<128x128xf32>, vector<128x64xf32>, vector<128x64xf32> -> vector<128x64xf32>
    %add3A_734 = vector.broadcast %add3A_713 : vector<1x64xf32> to vector<128x64xf32>
    %add3A_735 = arith.addf %dot_general3A_733, %add3A_734 : vector<128x64xf32>
    %mul3A_736 = arith.mulf %add3A_735, %convert_element_type3A_731 : vector<128x64xf32>
    %reduce_sum3A_737 = arith.constant dense<0.000000e+00> : vector<128xf32>
    %reduce_sum3A_738 = vector.multi_reduction <add>, %mul3A_736, %reduce_sum3A_737 [1] : vector<128x64xf32> to vector<128xf32>
    %broadcast_in_dim3A_739 = vector.shape_cast %reduce_sum3A_738 : vector<128xf32> to vector<128x1xf32>
    %reduce_sum3A_740 = arith.constant dense<0.000000e+00> : vector<64xf32>
    %reduce_sum3A_741 = vector.multi_reduction <add>, %convert_element_type3A_731, %reduce_sum3A_740 [0] : vector<128x64xf32> to vector<64xf32>
    %broadcast_in_dim3A_742 = vector.shape_cast %reduce_sum3A_741 : vector<64xf32> to vector<1x64xf32>
    %add3A_743 = arith.addf %add3A_713, %broadcast_in_dim3A_742 : vector<1x64xf32>
    %get3A_744 = arith.constant 3200 : index
    %get3A_745 = arith.constant 0 : index
    %get3A_746 = vector.load %arg0[%get3A_744, %get3A_745] : memref<4096x64xf32, #tpu.memory_space<vmem>>, vector<128x64xf32>
    %reduce_max3A_747 = arith.constant dense<0xFF800000> : vector<128xf32>
    %reduce_max3A_748 = vector.multi_reduction <maximumf>, %get3A_746, %reduce_max3A_747 [1] : vector<128x64xf32> to vector<128xf32>
    %broadcast_in_dim3A_749 = vector.shape_cast %reduce_max3A_748 : vector<128xf32> to vector<128x1xf32>
    %ge3A_750 = vector.broadcast %broadcast_in_dim3A_749 : vector<128x1xf32> to vector<128x64xf32>
    %ge3A_751 = arith.cmpf oge, %get3A_746, %ge3A_750 : vector<128x64xf32>
    %jit3A_752 = arith.constant 1.000000e+09 : f32
    %broadcast_in_dim3A_753 = vector.broadcast %jit3A_752 : f32 to vector<128x64xf32>
    %select_n3A_754 = arith.select %ge3A_751, %convert_element_type3A, %broadcast_in_dim3A_753 : vector<128x64xi1>, vector<128x64xf32>
    %reduce_min3A_755 = arith.constant dense<0x7F800000> : vector<128xf32>
    %reduce_min3A_756 = vector.multi_reduction <minimumf>, %select_n3A_754, %reduce_min3A_755 [1] : vector<128x64xf32> to vector<128xf32>
    %broadcast_in_dim3A_757 = vector.shape_cast %reduce_min3A_756 : vector<128xf32> to vector<128x1xf32>
    %eq3A_758 = vector.broadcast %broadcast_in_dim3A_757 : vector<128x1xf32> to vector<128x64xf32>
    %eq3A_759 = arith.cmpf oeq, %convert_element_type3A, %eq3A_758 : vector<128x64xf32>
    %convert_element_type3A_760 = arith.extui %eq3A_759 : vector<128x64xi1> to vector<128x64xi32>
    %convert_element_type3A_761 = arith.sitofp %convert_element_type3A_760 : vector<128x64xi32> to vector<128x64xf32>
    %dot_general3A_762 = arith.constant dense<0.000000e+00> : vector<128x64xf32>
    %dot_general3A_763 = tpu.matmul %convert_element_type3A_3, %convert_element_type3A_761, %dot_general3A_762 {dimension_numbers = #tpu.dot_dimension_numbers<[1], [0], [0], [1], [0, 0, 1, 1], [], []>, transpose_lhs_hint = false} : vector<128x128xf32>, vector<128x64xf32>, vector<128x64xf32> -> vector<128x64xf32>
    %add3A_764 = vector.broadcast %add3A_743 : vector<1x64xf32> to vector<128x64xf32>
    %add3A_765 = arith.addf %dot_general3A_763, %add3A_764 : vector<128x64xf32>
    %mul3A_766 = arith.mulf %add3A_765, %convert_element_type3A_761 : vector<128x64xf32>
    %reduce_sum3A_767 = arith.constant dense<0.000000e+00> : vector<128xf32>
    %reduce_sum3A_768 = vector.multi_reduction <add>, %mul3A_766, %reduce_sum3A_767 [1] : vector<128x64xf32> to vector<128xf32>
    %broadcast_in_dim3A_769 = vector.shape_cast %reduce_sum3A_768 : vector<128xf32> to vector<128x1xf32>
    %reduce_sum3A_770 = arith.constant dense<0.000000e+00> : vector<64xf32>
    %reduce_sum3A_771 = vector.multi_reduction <add>, %convert_element_type3A_761, %reduce_sum3A_770 [0] : vector<128x64xf32> to vector<64xf32>
    %broadcast_in_dim3A_772 = vector.shape_cast %reduce_sum3A_771 : vector<64xf32> to vector<1x64xf32>
    %add3A_773 = arith.addf %add3A_743, %broadcast_in_dim3A_772 : vector<1x64xf32>
    %get3A_774 = arith.constant 3328 : index
    %get3A_775 = arith.constant 0 : index
    %get3A_776 = vector.load %arg0[%get3A_774, %get3A_775] : memref<4096x64xf32, #tpu.memory_space<vmem>>, vector<128x64xf32>
    %reduce_max3A_777 = arith.constant dense<0xFF800000> : vector<128xf32>
    %reduce_max3A_778 = vector.multi_reduction <maximumf>, %get3A_776, %reduce_max3A_777 [1] : vector<128x64xf32> to vector<128xf32>
    %broadcast_in_dim3A_779 = vector.shape_cast %reduce_max3A_778 : vector<128xf32> to vector<128x1xf32>
    %ge3A_780 = vector.broadcast %broadcast_in_dim3A_779 : vector<128x1xf32> to vector<128x64xf32>
    %ge3A_781 = arith.cmpf oge, %get3A_776, %ge3A_780 : vector<128x64xf32>
    %jit3A_782 = arith.constant 1.000000e+09 : f32
    %broadcast_in_dim3A_783 = vector.broadcast %jit3A_782 : f32 to vector<128x64xf32>
    %select_n3A_784 = arith.select %ge3A_781, %convert_element_type3A, %broadcast_in_dim3A_783 : vector<128x64xi1>, vector<128x64xf32>
    %reduce_min3A_785 = arith.constant dense<0x7F800000> : vector<128xf32>
    %reduce_min3A_786 = vector.multi_reduction <minimumf>, %select_n3A_784, %reduce_min3A_785 [1] : vector<128x64xf32> to vector<128xf32>
    %broadcast_in_dim3A_787 = vector.shape_cast %reduce_min3A_786 : vector<128xf32> to vector<128x1xf32>
    %eq3A_788 = vector.broadcast %broadcast_in_dim3A_787 : vector<128x1xf32> to vector<128x64xf32>
    %eq3A_789 = arith.cmpf oeq, %convert_element_type3A, %eq3A_788 : vector<128x64xf32>
    %convert_element_type3A_790 = arith.extui %eq3A_789 : vector<128x64xi1> to vector<128x64xi32>
    %convert_element_type3A_791 = arith.sitofp %convert_element_type3A_790 : vector<128x64xi32> to vector<128x64xf32>
    %dot_general3A_792 = arith.constant dense<0.000000e+00> : vector<128x64xf32>
    %dot_general3A_793 = tpu.matmul %convert_element_type3A_3, %convert_element_type3A_791, %dot_general3A_792 {dimension_numbers = #tpu.dot_dimension_numbers<[1], [0], [0], [1], [0, 0, 1, 1], [], []>, transpose_lhs_hint = false} : vector<128x128xf32>, vector<128x64xf32>, vector<128x64xf32> -> vector<128x64xf32>
    %add3A_794 = vector.broadcast %add3A_773 : vector<1x64xf32> to vector<128x64xf32>
    %add3A_795 = arith.addf %dot_general3A_793, %add3A_794 : vector<128x64xf32>
    %mul3A_796 = arith.mulf %add3A_795, %convert_element_type3A_791 : vector<128x64xf32>
    %reduce_sum3A_797 = arith.constant dense<0.000000e+00> : vector<128xf32>
    %reduce_sum3A_798 = vector.multi_reduction <add>, %mul3A_796, %reduce_sum3A_797 [1] : vector<128x64xf32> to vector<128xf32>
    %broadcast_in_dim3A_799 = vector.shape_cast %reduce_sum3A_798 : vector<128xf32> to vector<128x1xf32>
    %reduce_sum3A_800 = arith.constant dense<0.000000e+00> : vector<64xf32>
    %reduce_sum3A_801 = vector.multi_reduction <add>, %convert_element_type3A_791, %reduce_sum3A_800 [0] : vector<128x64xf32> to vector<64xf32>
    %broadcast_in_dim3A_802 = vector.shape_cast %reduce_sum3A_801 : vector<64xf32> to vector<1x64xf32>
    %add3A_803 = arith.addf %add3A_773, %broadcast_in_dim3A_802 : vector<1x64xf32>
    %get3A_804 = arith.constant 3456 : index
    %get3A_805 = arith.constant 0 : index
    %get3A_806 = vector.load %arg0[%get3A_804, %get3A_805] : memref<4096x64xf32, #tpu.memory_space<vmem>>, vector<128x64xf32>
    %reduce_max3A_807 = arith.constant dense<0xFF800000> : vector<128xf32>
    %reduce_max3A_808 = vector.multi_reduction <maximumf>, %get3A_806, %reduce_max3A_807 [1] : vector<128x64xf32> to vector<128xf32>
    %broadcast_in_dim3A_809 = vector.shape_cast %reduce_max3A_808 : vector<128xf32> to vector<128x1xf32>
    %ge3A_810 = vector.broadcast %broadcast_in_dim3A_809 : vector<128x1xf32> to vector<128x64xf32>
    %ge3A_811 = arith.cmpf oge, %get3A_806, %ge3A_810 : vector<128x64xf32>
    %jit3A_812 = arith.constant 1.000000e+09 : f32
    %broadcast_in_dim3A_813 = vector.broadcast %jit3A_812 : f32 to vector<128x64xf32>
    %select_n3A_814 = arith.select %ge3A_811, %convert_element_type3A, %broadcast_in_dim3A_813 : vector<128x64xi1>, vector<128x64xf32>
    %reduce_min3A_815 = arith.constant dense<0x7F800000> : vector<128xf32>
    %reduce_min3A_816 = vector.multi_reduction <minimumf>, %select_n3A_814, %reduce_min3A_815 [1] : vector<128x64xf32> to vector<128xf32>
    %broadcast_in_dim3A_817 = vector.shape_cast %reduce_min3A_816 : vector<128xf32> to vector<128x1xf32>
    %eq3A_818 = vector.broadcast %broadcast_in_dim3A_817 : vector<128x1xf32> to vector<128x64xf32>
    %eq3A_819 = arith.cmpf oeq, %convert_element_type3A, %eq3A_818 : vector<128x64xf32>
    %convert_element_type3A_820 = arith.extui %eq3A_819 : vector<128x64xi1> to vector<128x64xi32>
    %convert_element_type3A_821 = arith.sitofp %convert_element_type3A_820 : vector<128x64xi32> to vector<128x64xf32>
    %dot_general3A_822 = arith.constant dense<0.000000e+00> : vector<128x64xf32>
    %dot_general3A_823 = tpu.matmul %convert_element_type3A_3, %convert_element_type3A_821, %dot_general3A_822 {dimension_numbers = #tpu.dot_dimension_numbers<[1], [0], [0], [1], [0, 0, 1, 1], [], []>, transpose_lhs_hint = false} : vector<128x128xf32>, vector<128x64xf32>, vector<128x64xf32> -> vector<128x64xf32>
    %add3A_824 = vector.broadcast %add3A_803 : vector<1x64xf32> to vector<128x64xf32>
    %add3A_825 = arith.addf %dot_general3A_823, %add3A_824 : vector<128x64xf32>
    %mul3A_826 = arith.mulf %add3A_825, %convert_element_type3A_821 : vector<128x64xf32>
    %reduce_sum3A_827 = arith.constant dense<0.000000e+00> : vector<128xf32>
    %reduce_sum3A_828 = vector.multi_reduction <add>, %mul3A_826, %reduce_sum3A_827 [1] : vector<128x64xf32> to vector<128xf32>
    %broadcast_in_dim3A_829 = vector.shape_cast %reduce_sum3A_828 : vector<128xf32> to vector<128x1xf32>
    %reduce_sum3A_830 = arith.constant dense<0.000000e+00> : vector<64xf32>
    %reduce_sum3A_831 = vector.multi_reduction <add>, %convert_element_type3A_821, %reduce_sum3A_830 [0] : vector<128x64xf32> to vector<64xf32>
    %broadcast_in_dim3A_832 = vector.shape_cast %reduce_sum3A_831 : vector<64xf32> to vector<1x64xf32>
    %add3A_833 = arith.addf %add3A_803, %broadcast_in_dim3A_832 : vector<1x64xf32>
    %get3A_834 = arith.constant 3584 : index
    %get3A_835 = arith.constant 0 : index
    %get3A_836 = vector.load %arg0[%get3A_834, %get3A_835] : memref<4096x64xf32, #tpu.memory_space<vmem>>, vector<128x64xf32>
    %reduce_max3A_837 = arith.constant dense<0xFF800000> : vector<128xf32>
    %reduce_max3A_838 = vector.multi_reduction <maximumf>, %get3A_836, %reduce_max3A_837 [1] : vector<128x64xf32> to vector<128xf32>
    %broadcast_in_dim3A_839 = vector.shape_cast %reduce_max3A_838 : vector<128xf32> to vector<128x1xf32>
    %ge3A_840 = vector.broadcast %broadcast_in_dim3A_839 : vector<128x1xf32> to vector<128x64xf32>
    %ge3A_841 = arith.cmpf oge, %get3A_836, %ge3A_840 : vector<128x64xf32>
    %jit3A_842 = arith.constant 1.000000e+09 : f32
    %broadcast_in_dim3A_843 = vector.broadcast %jit3A_842 : f32 to vector<128x64xf32>
    %select_n3A_844 = arith.select %ge3A_841, %convert_element_type3A, %broadcast_in_dim3A_843 : vector<128x64xi1>, vector<128x64xf32>
    %reduce_min3A_845 = arith.constant dense<0x7F800000> : vector<128xf32>
    %reduce_min3A_846 = vector.multi_reduction <minimumf>, %select_n3A_844, %reduce_min3A_845 [1] : vector<128x64xf32> to vector<128xf32>
    %broadcast_in_dim3A_847 = vector.shape_cast %reduce_min3A_846 : vector<128xf32> to vector<128x1xf32>
    %eq3A_848 = vector.broadcast %broadcast_in_dim3A_847 : vector<128x1xf32> to vector<128x64xf32>
    %eq3A_849 = arith.cmpf oeq, %convert_element_type3A, %eq3A_848 : vector<128x64xf32>
    %convert_element_type3A_850 = arith.extui %eq3A_849 : vector<128x64xi1> to vector<128x64xi32>
    %convert_element_type3A_851 = arith.sitofp %convert_element_type3A_850 : vector<128x64xi32> to vector<128x64xf32>
    %dot_general3A_852 = arith.constant dense<0.000000e+00> : vector<128x64xf32>
    %dot_general3A_853 = tpu.matmul %convert_element_type3A_3, %convert_element_type3A_851, %dot_general3A_852 {dimension_numbers = #tpu.dot_dimension_numbers<[1], [0], [0], [1], [0, 0, 1, 1], [], []>, transpose_lhs_hint = false} : vector<128x128xf32>, vector<128x64xf32>, vector<128x64xf32> -> vector<128x64xf32>
    %add3A_854 = vector.broadcast %add3A_833 : vector<1x64xf32> to vector<128x64xf32>
    %add3A_855 = arith.addf %dot_general3A_853, %add3A_854 : vector<128x64xf32>
    %mul3A_856 = arith.mulf %add3A_855, %convert_element_type3A_851 : vector<128x64xf32>
    %reduce_sum3A_857 = arith.constant dense<0.000000e+00> : vector<128xf32>
    %reduce_sum3A_858 = vector.multi_reduction <add>, %mul3A_856, %reduce_sum3A_857 [1] : vector<128x64xf32> to vector<128xf32>
    %broadcast_in_dim3A_859 = vector.shape_cast %reduce_sum3A_858 : vector<128xf32> to vector<128x1xf32>
    %reduce_sum3A_860 = arith.constant dense<0.000000e+00> : vector<64xf32>
    %reduce_sum3A_861 = vector.multi_reduction <add>, %convert_element_type3A_851, %reduce_sum3A_860 [0] : vector<128x64xf32> to vector<64xf32>
    %broadcast_in_dim3A_862 = vector.shape_cast %reduce_sum3A_861 : vector<64xf32> to vector<1x64xf32>
    %add3A_863 = arith.addf %add3A_833, %broadcast_in_dim3A_862 : vector<1x64xf32>
    %get3A_864 = arith.constant 3712 : index
    %get3A_865 = arith.constant 0 : index
    %get3A_866 = vector.load %arg0[%get3A_864, %get3A_865] : memref<4096x64xf32, #tpu.memory_space<vmem>>, vector<128x64xf32>
    %reduce_max3A_867 = arith.constant dense<0xFF800000> : vector<128xf32>
    %reduce_max3A_868 = vector.multi_reduction <maximumf>, %get3A_866, %reduce_max3A_867 [1] : vector<128x64xf32> to vector<128xf32>
    %broadcast_in_dim3A_869 = vector.shape_cast %reduce_max3A_868 : vector<128xf32> to vector<128x1xf32>
    %ge3A_870 = vector.broadcast %broadcast_in_dim3A_869 : vector<128x1xf32> to vector<128x64xf32>
    %ge3A_871 = arith.cmpf oge, %get3A_866, %ge3A_870 : vector<128x64xf32>
    %jit3A_872 = arith.constant 1.000000e+09 : f32
    %broadcast_in_dim3A_873 = vector.broadcast %jit3A_872 : f32 to vector<128x64xf32>
    %select_n3A_874 = arith.select %ge3A_871, %convert_element_type3A, %broadcast_in_dim3A_873 : vector<128x64xi1>, vector<128x64xf32>
    %reduce_min3A_875 = arith.constant dense<0x7F800000> : vector<128xf32>
    %reduce_min3A_876 = vector.multi_reduction <minimumf>, %select_n3A_874, %reduce_min3A_875 [1] : vector<128x64xf32> to vector<128xf32>
    %broadcast_in_dim3A_877 = vector.shape_cast %reduce_min3A_876 : vector<128xf32> to vector<128x1xf32>
    %eq3A_878 = vector.broadcast %broadcast_in_dim3A_877 : vector<128x1xf32> to vector<128x64xf32>
    %eq3A_879 = arith.cmpf oeq, %convert_element_type3A, %eq3A_878 : vector<128x64xf32>
    %convert_element_type3A_880 = arith.extui %eq3A_879 : vector<128x64xi1> to vector<128x64xi32>
    %convert_element_type3A_881 = arith.sitofp %convert_element_type3A_880 : vector<128x64xi32> to vector<128x64xf32>
    %dot_general3A_882 = arith.constant dense<0.000000e+00> : vector<128x64xf32>
    %dot_general3A_883 = tpu.matmul %convert_element_type3A_3, %convert_element_type3A_881, %dot_general3A_882 {dimension_numbers = #tpu.dot_dimension_numbers<[1], [0], [0], [1], [0, 0, 1, 1], [], []>, transpose_lhs_hint = false} : vector<128x128xf32>, vector<128x64xf32>, vector<128x64xf32> -> vector<128x64xf32>
    %add3A_884 = vector.broadcast %add3A_863 : vector<1x64xf32> to vector<128x64xf32>
    %add3A_885 = arith.addf %dot_general3A_883, %add3A_884 : vector<128x64xf32>
    %mul3A_886 = arith.mulf %add3A_885, %convert_element_type3A_881 : vector<128x64xf32>
    %reduce_sum3A_887 = arith.constant dense<0.000000e+00> : vector<128xf32>
    %reduce_sum3A_888 = vector.multi_reduction <add>, %mul3A_886, %reduce_sum3A_887 [1] : vector<128x64xf32> to vector<128xf32>
    %broadcast_in_dim3A_889 = vector.shape_cast %reduce_sum3A_888 : vector<128xf32> to vector<128x1xf32>
    %reduce_sum3A_890 = arith.constant dense<0.000000e+00> : vector<64xf32>
    %reduce_sum3A_891 = vector.multi_reduction <add>, %convert_element_type3A_881, %reduce_sum3A_890 [0] : vector<128x64xf32> to vector<64xf32>
    %broadcast_in_dim3A_892 = vector.shape_cast %reduce_sum3A_891 : vector<64xf32> to vector<1x64xf32>
    %add3A_893 = arith.addf %add3A_863, %broadcast_in_dim3A_892 : vector<1x64xf32>
    %get3A_894 = arith.constant 3840 : index
    %get3A_895 = arith.constant 0 : index
    %get3A_896 = vector.load %arg0[%get3A_894, %get3A_895] : memref<4096x64xf32, #tpu.memory_space<vmem>>, vector<128x64xf32>
    %reduce_max3A_897 = arith.constant dense<0xFF800000> : vector<128xf32>
    %reduce_max3A_898 = vector.multi_reduction <maximumf>, %get3A_896, %reduce_max3A_897 [1] : vector<128x64xf32> to vector<128xf32>
    %broadcast_in_dim3A_899 = vector.shape_cast %reduce_max3A_898 : vector<128xf32> to vector<128x1xf32>
    %ge3A_900 = vector.broadcast %broadcast_in_dim3A_899 : vector<128x1xf32> to vector<128x64xf32>
    %ge3A_901 = arith.cmpf oge, %get3A_896, %ge3A_900 : vector<128x64xf32>
    %jit3A_902 = arith.constant 1.000000e+09 : f32
    %broadcast_in_dim3A_903 = vector.broadcast %jit3A_902 : f32 to vector<128x64xf32>
    %select_n3A_904 = arith.select %ge3A_901, %convert_element_type3A, %broadcast_in_dim3A_903 : vector<128x64xi1>, vector<128x64xf32>
    %reduce_min3A_905 = arith.constant dense<0x7F800000> : vector<128xf32>
    %reduce_min3A_906 = vector.multi_reduction <minimumf>, %select_n3A_904, %reduce_min3A_905 [1] : vector<128x64xf32> to vector<128xf32>
    %broadcast_in_dim3A_907 = vector.shape_cast %reduce_min3A_906 : vector<128xf32> to vector<128x1xf32>
    %eq3A_908 = vector.broadcast %broadcast_in_dim3A_907 : vector<128x1xf32> to vector<128x64xf32>
    %eq3A_909 = arith.cmpf oeq, %convert_element_type3A, %eq3A_908 : vector<128x64xf32>
    %convert_element_type3A_910 = arith.extui %eq3A_909 : vector<128x64xi1> to vector<128x64xi32>
    %convert_element_type3A_911 = arith.sitofp %convert_element_type3A_910 : vector<128x64xi32> to vector<128x64xf32>
    %dot_general3A_912 = arith.constant dense<0.000000e+00> : vector<128x64xf32>
    %dot_general3A_913 = tpu.matmul %convert_element_type3A_3, %convert_element_type3A_911, %dot_general3A_912 {dimension_numbers = #tpu.dot_dimension_numbers<[1], [0], [0], [1], [0, 0, 1, 1], [], []>, transpose_lhs_hint = false} : vector<128x128xf32>, vector<128x64xf32>, vector<128x64xf32> -> vector<128x64xf32>
    %add3A_914 = vector.broadcast %add3A_893 : vector<1x64xf32> to vector<128x64xf32>
    %add3A_915 = arith.addf %dot_general3A_913, %add3A_914 : vector<128x64xf32>
    %mul3A_916 = arith.mulf %add3A_915, %convert_element_type3A_911 : vector<128x64xf32>
    %reduce_sum3A_917 = arith.constant dense<0.000000e+00> : vector<128xf32>
    %reduce_sum3A_918 = vector.multi_reduction <add>, %mul3A_916, %reduce_sum3A_917 [1] : vector<128x64xf32> to vector<128xf32>
    %broadcast_in_dim3A_919 = vector.shape_cast %reduce_sum3A_918 : vector<128xf32> to vector<128x1xf32>
    %reduce_sum3A_920 = arith.constant dense<0.000000e+00> : vector<64xf32>
    %reduce_sum3A_921 = vector.multi_reduction <add>, %convert_element_type3A_911, %reduce_sum3A_920 [0] : vector<128x64xf32> to vector<64xf32>
    %broadcast_in_dim3A_922 = vector.shape_cast %reduce_sum3A_921 : vector<64xf32> to vector<1x64xf32>
    %add3A_923 = arith.addf %add3A_893, %broadcast_in_dim3A_922 : vector<1x64xf32>
    %get3A_924 = arith.constant 3968 : index
    %get3A_925 = arith.constant 0 : index
    %get3A_926 = vector.load %arg0[%get3A_924, %get3A_925] : memref<4096x64xf32, #tpu.memory_space<vmem>>, vector<128x64xf32>
    %reduce_max3A_927 = arith.constant dense<0xFF800000> : vector<128xf32>
    %reduce_max3A_928 = vector.multi_reduction <maximumf>, %get3A_926, %reduce_max3A_927 [1] : vector<128x64xf32> to vector<128xf32>
    %broadcast_in_dim3A_929 = vector.shape_cast %reduce_max3A_928 : vector<128xf32> to vector<128x1xf32>
    %ge3A_930 = vector.broadcast %broadcast_in_dim3A_929 : vector<128x1xf32> to vector<128x64xf32>
    %ge3A_931 = arith.cmpf oge, %get3A_926, %ge3A_930 : vector<128x64xf32>
    %jit3A_932 = arith.constant 1.000000e+09 : f32
    %broadcast_in_dim3A_933 = vector.broadcast %jit3A_932 : f32 to vector<128x64xf32>
    %select_n3A_934 = arith.select %ge3A_931, %convert_element_type3A, %broadcast_in_dim3A_933 : vector<128x64xi1>, vector<128x64xf32>
    %reduce_min3A_935 = arith.constant dense<0x7F800000> : vector<128xf32>
    %reduce_min3A_936 = vector.multi_reduction <minimumf>, %select_n3A_934, %reduce_min3A_935 [1] : vector<128x64xf32> to vector<128xf32>
    %broadcast_in_dim3A_937 = vector.shape_cast %reduce_min3A_936 : vector<128xf32> to vector<128x1xf32>
    %eq3A_938 = vector.broadcast %broadcast_in_dim3A_937 : vector<128x1xf32> to vector<128x64xf32>
    %eq3A_939 = arith.cmpf oeq, %convert_element_type3A, %eq3A_938 : vector<128x64xf32>
    %convert_element_type3A_940 = arith.extui %eq3A_939 : vector<128x64xi1> to vector<128x64xi32>
    %convert_element_type3A_941 = arith.sitofp %convert_element_type3A_940 : vector<128x64xi32> to vector<128x64xf32>
    %dot_general3A_942 = arith.constant dense<0.000000e+00> : vector<128x64xf32>
    %dot_general3A_943 = tpu.matmul %convert_element_type3A_3, %convert_element_type3A_941, %dot_general3A_942 {dimension_numbers = #tpu.dot_dimension_numbers<[1], [0], [0], [1], [0, 0, 1, 1], [], []>, transpose_lhs_hint = false} : vector<128x128xf32>, vector<128x64xf32>, vector<128x64xf32> -> vector<128x64xf32>
    %add3A_944 = vector.broadcast %add3A_923 : vector<1x64xf32> to vector<128x64xf32>
    %add3A_945 = arith.addf %dot_general3A_943, %add3A_944 : vector<128x64xf32>
    %mul3A_946 = arith.mulf %add3A_945, %convert_element_type3A_941 : vector<128x64xf32>
    %reduce_sum3A_947 = arith.constant dense<0.000000e+00> : vector<128xf32>
    %reduce_sum3A_948 = vector.multi_reduction <add>, %mul3A_946, %reduce_sum3A_947 [1] : vector<128x64xf32> to vector<128xf32>
    %broadcast_in_dim3A_949 = vector.shape_cast %reduce_sum3A_948 : vector<128xf32> to vector<128x1xf32>
    %reduce_sum3A_950 = arith.constant dense<0.000000e+00> : vector<64xf32>
    %reduce_sum3A_951 = vector.multi_reduction <add>, %convert_element_type3A_941, %reduce_sum3A_950 [0] : vector<128x64xf32> to vector<64xf32>
    %broadcast_in_dim3A_952 = vector.shape_cast %reduce_sum3A_951 : vector<64xf32> to vector<1x64xf32>
    %add3A_953 = arith.addf %add3A_923, %broadcast_in_dim3A_952 : vector<1x64xf32>
    %iota3A_954 = tpu.iota {dimensions = array<i32: 0>} : vector<64x64xi32>
    %iota3A_955 = tpu.iota {dimensions = array<i32: 1>} : vector<64x64xi32>
    %lt3A_956 = arith.cmpi slt, %iota3A_954, %iota3A_955 : vector<64x64xi32>
    %convert_element_type3A_957 = arith.extui %lt3A_956 : vector<64x64xi1> to vector<64x64xi32>
    %convert_element_type3A_958 = arith.sitofp %convert_element_type3A_957 : vector<64x64xi32> to vector<64x64xf32>
    %dot_general3A_959 = arith.constant dense<0.000000e+00> : vector<1x64xf32>
    %dot_general3A_960 = tpu.matmul %add3A_953, %convert_element_type3A_958, %dot_general3A_959 {dimension_numbers = #tpu.dot_dimension_numbers<[1], [0], [0], [1], [0, 0, 1, 1], [], []>, transpose_lhs_hint = false} : vector<1x64xf32>, vector<64x64xf32>, vector<1x64xf32> -> vector<1x64xf32>
    %mul3A_961 = vector.broadcast %dot_general3A_960 : vector<1x64xf32> to vector<128x64xf32>
    %mul3A_962 = arith.mulf %convert_element_type3A_15, %mul3A_961 : vector<128x64xf32>
    %reduce_sum3A_963 = arith.constant dense<0.000000e+00> : vector<128xf32>
    %reduce_sum3A_964 = vector.multi_reduction <add>, %mul3A_962, %reduce_sum3A_963 [1] : vector<128x64xf32> to vector<128xf32>
    %broadcast_in_dim3A_965 = vector.shape_cast %reduce_sum3A_964 : vector<128xf32> to vector<128x1xf32>
    %add3A_966 = arith.addf %broadcast_in_dim3A_19, %broadcast_in_dim3A_965 : vector<128x1xf32>
    %convert_element_type3A_967 = arith.fptosi %add3A_966 : vector<128x1xf32> to vector<128x1xi32>
    %swap3A = arith.constant 0 : index
    %swap3A_968 = arith.constant 0 : index
    %swap3A_969 = vector.load %arg1[%swap3A, %swap3A_968] : memref<4096x1xi32, #tpu.memory_space<vmem>>, vector<128x1xi32>
    tpu.vector_store %arg1[%swap3A, %swap3A_968], %convert_element_type3A_967 {strides = array<i32>} : memref<4096x1xi32, #tpu.memory_space<vmem>>, vector<128x1xi32>,
    %mul3A_970 = vector.broadcast %dot_general3A_960 : vector<1x64xf32> to vector<128x64xf32>
    %mul3A_971 = arith.mulf %convert_element_type3A_41, %mul3A_970 : vector<128x64xf32>
    %reduce_sum3A_972 = arith.constant dense<0.000000e+00> : vector<128xf32>
    %reduce_sum3A_973 = vector.multi_reduction <add>, %mul3A_971, %reduce_sum3A_972 [1] : vector<128x64xf32> to vector<128xf32>
    %broadcast_in_dim3A_974 = vector.shape_cast %reduce_sum3A_973 : vector<128xf32> to vector<128x1xf32>
    %add3A_975 = arith.addf %broadcast_in_dim3A_49, %broadcast_in_dim3A_974 : vector<128x1xf32>
    %convert_element_type3A_976 = arith.fptosi %add3A_975 : vector<128x1xf32> to vector<128x1xi32>
    %swap3A_977 = arith.constant 128 : index
    %swap3A_978 = arith.constant 0 : index
    %swap3A_979 = vector.load %arg1[%swap3A_977, %swap3A_978] : memref<4096x1xi32, #tpu.memory_space<vmem>>, vector<128x1xi32>
    tpu.vector_store %arg1[%swap3A_977, %swap3A_978], %convert_element_type3A_976 {strides = array<i32>} : memref<4096x1xi32, #tpu.memory_space<vmem>>, vector<128x1xi32>,
    %mul3A_980 = vector.broadcast %dot_general3A_960 : vector<1x64xf32> to vector<128x64xf32>
    %mul3A_981 = arith.mulf %convert_element_type3A_71, %mul3A_980 : vector<128x64xf32>
    %reduce_sum3A_982 = arith.constant dense<0.000000e+00> : vector<128xf32>
    %reduce_sum3A_983 = vector.multi_reduction <add>, %mul3A_981, %reduce_sum3A_982 [1] : vector<128x64xf32> to vector<128xf32>
    %broadcast_in_dim3A_984 = vector.shape_cast %reduce_sum3A_983 : vector<128xf32> to vector<128x1xf32>
    %add3A_985 = arith.addf %broadcast_in_dim3A_79, %broadcast_in_dim3A_984 : vector<128x1xf32>
    %convert_element_type3A_986 = arith.fptosi %add3A_985 : vector<128x1xf32> to vector<128x1xi32>
    %swap3A_987 = arith.constant 256 : index
    %swap3A_988 = arith.constant 0 : index
    %swap3A_989 = vector.load %arg1[%swap3A_987, %swap3A_988] : memref<4096x1xi32, #tpu.memory_space<vmem>>, vector<128x1xi32>
    tpu.vector_store %arg1[%swap3A_987, %swap3A_988], %convert_element_type3A_986 {strides = array<i32>} : memref<4096x1xi32, #tpu.memory_space<vmem>>, vector<128x1xi32>,
    %mul3A_990 = vector.broadcast %dot_general3A_960 : vector<1x64xf32> to vector<128x64xf32>
    %mul3A_991 = arith.mulf %convert_element_type3A_101, %mul3A_990 : vector<128x64xf32>
    %reduce_sum3A_992 = arith.constant dense<0.000000e+00> : vector<128xf32>
    %reduce_sum3A_993 = vector.multi_reduction <add>, %mul3A_991, %reduce_sum3A_992 [1] : vector<128x64xf32> to vector<128xf32>
    %broadcast_in_dim3A_994 = vector.shape_cast %reduce_sum3A_993 : vector<128xf32> to vector<128x1xf32>
    %add3A_995 = arith.addf %broadcast_in_dim3A_109, %broadcast_in_dim3A_994 : vector<128x1xf32>
    %convert_element_type3A_996 = arith.fptosi %add3A_995 : vector<128x1xf32> to vector<128x1xi32>
    %swap3A_997 = arith.constant 384 : index
    %swap3A_998 = arith.constant 0 : index
    %swap3A_999 = vector.load %arg1[%swap3A_997, %swap3A_998] : memref<4096x1xi32, #tpu.memory_space<vmem>>, vector<128x1xi32>
    tpu.vector_store %arg1[%swap3A_997, %swap3A_998], %convert_element_type3A_996 {strides = array<i32>} : memref<4096x1xi32, #tpu.memory_space<vmem>>, vector<128x1xi32>,
    %mul3A_1000 = vector.broadcast %dot_general3A_960 : vector<1x64xf32> to vector<128x64xf32>
    %mul3A_1001 = arith.mulf %convert_element_type3A_131, %mul3A_1000 : vector<128x64xf32>
    %reduce_sum3A_1002 = arith.constant dense<0.000000e+00> : vector<128xf32>
    %reduce_sum3A_1003 = vector.multi_reduction <add>, %mul3A_1001, %reduce_sum3A_1002 [1] : vector<128x64xf32> to vector<128xf32>
    %broadcast_in_dim3A_1004 = vector.shape_cast %reduce_sum3A_1003 : vector<128xf32> to vector<128x1xf32>
    %add3A_1005 = arith.addf %broadcast_in_dim3A_139, %broadcast_in_dim3A_1004 : vector<128x1xf32>
    %convert_element_type3A_1006 = arith.fptosi %add3A_1005 : vector<128x1xf32> to vector<128x1xi32>
    %swap3A_1007 = arith.constant 512 : index
    %swap3A_1008 = arith.constant 0 : index
    %swap3A_1009 = vector.load %arg1[%swap3A_1007, %swap3A_1008] : memref<4096x1xi32, #tpu.memory_space<vmem>>, vector<128x1xi32>
    tpu.vector_store %arg1[%swap3A_1007, %swap3A_1008], %convert_element_type3A_1006 {strides = array<i32>} : memref<4096x1xi32, #tpu.memory_space<vmem>>, vector<128x1xi32>,
    %mul3A_1010 = vector.broadcast %dot_general3A_960 : vector<1x64xf32> to vector<128x64xf32>
    %mul3A_1011 = arith.mulf %convert_element_type3A_161, %mul3A_1010 : vector<128x64xf32>
    %reduce_sum3A_1012 = arith.constant dense<0.000000e+00> : vector<128xf32>
    %reduce_sum3A_1013 = vector.multi_reduction <add>, %mul3A_1011, %reduce_sum3A_1012 [1] : vector<128x64xf32> to vector<128xf32>
    %broadcast_in_dim3A_1014 = vector.shape_cast %reduce_sum3A_1013 : vector<128xf32> to vector<128x1xf32>
    %add3A_1015 = arith.addf %broadcast_in_dim3A_169, %broadcast_in_dim3A_1014 : vector<128x1xf32>
    %convert_element_type3A_1016 = arith.fptosi %add3A_1015 : vector<128x1xf32> to vector<128x1xi32>
    %swap3A_1017 = arith.constant 640 : index
    %swap3A_1018 = arith.constant 0 : index
    %swap3A_1019 = vector.load %arg1[%swap3A_1017, %swap3A_1018] : memref<4096x1xi32, #tpu.memory_space<vmem>>, vector<128x1xi32>
    tpu.vector_store %arg1[%swap3A_1017, %swap3A_1018], %convert_element_type3A_1016 {strides = array<i32>} : memref<4096x1xi32, #tpu.memory_space<vmem>>, vector<128x1xi32>,
    %mul3A_1020 = vector.broadcast %dot_general3A_960 : vector<1x64xf32> to vector<128x64xf32>
    %mul3A_1021 = arith.mulf %convert_element_type3A_191, %mul3A_1020 : vector<128x64xf32>
    %reduce_sum3A_1022 = arith.constant dense<0.000000e+00> : vector<128xf32>
    %reduce_sum3A_1023 = vector.multi_reduction <add>, %mul3A_1021, %reduce_sum3A_1022 [1] : vector<128x64xf32> to vector<128xf32>
    %broadcast_in_dim3A_1024 = vector.shape_cast %reduce_sum3A_1023 : vector<128xf32> to vector<128x1xf32>
    %add3A_1025 = arith.addf %broadcast_in_dim3A_199, %broadcast_in_dim3A_1024 : vector<128x1xf32>
    %convert_element_type3A_1026 = arith.fptosi %add3A_1025 : vector<128x1xf32> to vector<128x1xi32>
    %swap3A_1027 = arith.constant 768 : index
    %swap3A_1028 = arith.constant 0 : index
    %swap3A_1029 = vector.load %arg1[%swap3A_1027, %swap3A_1028] : memref<4096x1xi32, #tpu.memory_space<vmem>>, vector<128x1xi32>
    tpu.vector_store %arg1[%swap3A_1027, %swap3A_1028], %convert_element_type3A_1026 {strides = array<i32>} : memref<4096x1xi32, #tpu.memory_space<vmem>>, vector<128x1xi32>,
    %mul3A_1030 = vector.broadcast %dot_general3A_960 : vector<1x64xf32> to vector<128x64xf32>
    %mul3A_1031 = arith.mulf %convert_element_type3A_221, %mul3A_1030 : vector<128x64xf32>
    %reduce_sum3A_1032 = arith.constant dense<0.000000e+00> : vector<128xf32>
    %reduce_sum3A_1033 = vector.multi_reduction <add>, %mul3A_1031, %reduce_sum3A_1032 [1] : vector<128x64xf32> to vector<128xf32>
    %broadcast_in_dim3A_1034 = vector.shape_cast %reduce_sum3A_1033 : vector<128xf32> to vector<128x1xf32>
    %add3A_1035 = arith.addf %broadcast_in_dim3A_229, %broadcast_in_dim3A_1034 : vector<128x1xf32>
    %convert_element_type3A_1036 = arith.fptosi %add3A_1035 : vector<128x1xf32> to vector<128x1xi32>
    %swap3A_1037 = arith.constant 896 : index
    %swap3A_1038 = arith.constant 0 : index
    %swap3A_1039 = vector.load %arg1[%swap3A_1037, %swap3A_1038] : memref<4096x1xi32, #tpu.memory_space<vmem>>, vector<128x1xi32>
    tpu.vector_store %arg1[%swap3A_1037, %swap3A_1038], %convert_element_type3A_1036 {strides = array<i32>} : memref<4096x1xi32, #tpu.memory_space<vmem>>, vector<128x1xi32>,
    %mul3A_1040 = vector.broadcast %dot_general3A_960 : vector<1x64xf32> to vector<128x64xf32>
    %mul3A_1041 = arith.mulf %convert_element_type3A_251, %mul3A_1040 : vector<128x64xf32>
    %reduce_sum3A_1042 = arith.constant dense<0.000000e+00> : vector<128xf32>
    %reduce_sum3A_1043 = vector.multi_reduction <add>, %mul3A_1041, %reduce_sum3A_1042 [1] : vector<128x64xf32> to vector<128xf32>
    %broadcast_in_dim3A_1044 = vector.shape_cast %reduce_sum3A_1043 : vector<128xf32> to vector<128x1xf32>
    %add3A_1045 = arith.addf %broadcast_in_dim3A_259, %broadcast_in_dim3A_1044 : vector<128x1xf32>
    %convert_element_type3A_1046 = arith.fptosi %add3A_1045 : vector<128x1xf32> to vector<128x1xi32>
    %swap3A_1047 = arith.constant 1024 : index
    %swap3A_1048 = arith.constant 0 : index
    %swap3A_1049 = vector.load %arg1[%swap3A_1047, %swap3A_1048] : memref<4096x1xi32, #tpu.memory_space<vmem>>, vector<128x1xi32>
    tpu.vector_store %arg1[%swap3A_1047, %swap3A_1048], %convert_element_type3A_1046 {strides = array<i32>} : memref<4096x1xi32, #tpu.memory_space<vmem>>, vector<128x1xi32>,
    %mul3A_1050 = vector.broadcast %dot_general3A_960 : vector<1x64xf32> to vector<128x64xf32>
    %mul3A_1051 = arith.mulf %convert_element_type3A_281, %mul3A_1050 : vector<128x64xf32>
    %reduce_sum3A_1052 = arith.constant dense<0.000000e+00> : vector<128xf32>
    %reduce_sum3A_1053 = vector.multi_reduction <add>, %mul3A_1051, %reduce_sum3A_1052 [1] : vector<128x64xf32> to vector<128xf32>
    %broadcast_in_dim3A_1054 = vector.shape_cast %reduce_sum3A_1053 : vector<128xf32> to vector<128x1xf32>
    %add3A_1055 = arith.addf %broadcast_in_dim3A_289, %broadcast_in_dim3A_1054 : vector<128x1xf32>
    %convert_element_type3A_1056 = arith.fptosi %add3A_1055 : vector<128x1xf32> to vector<128x1xi32>
    %swap3A_1057 = arith.constant 1152 : index
    %swap3A_1058 = arith.constant 0 : index
    %swap3A_1059 = vector.load %arg1[%swap3A_1057, %swap3A_1058] : memref<4096x1xi32, #tpu.memory_space<vmem>>, vector<128x1xi32>
    tpu.vector_store %arg1[%swap3A_1057, %swap3A_1058], %convert_element_type3A_1056 {strides = array<i32>} : memref<4096x1xi32, #tpu.memory_space<vmem>>, vector<128x1xi32>,
    %mul3A_1060 = vector.broadcast %dot_general3A_960 : vector<1x64xf32> to vector<128x64xf32>
    %mul3A_1061 = arith.mulf %convert_element_type3A_311, %mul3A_1060 : vector<128x64xf32>
    %reduce_sum3A_1062 = arith.constant dense<0.000000e+00> : vector<128xf32>
    %reduce_sum3A_1063 = vector.multi_reduction <add>, %mul3A_1061, %reduce_sum3A_1062 [1] : vector<128x64xf32> to vector<128xf32>
    %broadcast_in_dim3A_1064 = vector.shape_cast %reduce_sum3A_1063 : vector<128xf32> to vector<128x1xf32>
    %add3A_1065 = arith.addf %broadcast_in_dim3A_319, %broadcast_in_dim3A_1064 : vector<128x1xf32>
    %convert_element_type3A_1066 = arith.fptosi %add3A_1065 : vector<128x1xf32> to vector<128x1xi32>
    %swap3A_1067 = arith.constant 1280 : index
    %swap3A_1068 = arith.constant 0 : index
    %swap3A_1069 = vector.load %arg1[%swap3A_1067, %swap3A_1068] : memref<4096x1xi32, #tpu.memory_space<vmem>>, vector<128x1xi32>
    tpu.vector_store %arg1[%swap3A_1067, %swap3A_1068], %convert_element_type3A_1066 {strides = array<i32>} : memref<4096x1xi32, #tpu.memory_space<vmem>>, vector<128x1xi32>,
    %mul3A_1070 = vector.broadcast %dot_general3A_960 : vector<1x64xf32> to vector<128x64xf32>
    %mul3A_1071 = arith.mulf %convert_element_type3A_341, %mul3A_1070 : vector<128x64xf32>
    %reduce_sum3A_1072 = arith.constant dense<0.000000e+00> : vector<128xf32>
    %reduce_sum3A_1073 = vector.multi_reduction <add>, %mul3A_1071, %reduce_sum3A_1072 [1] : vector<128x64xf32> to vector<128xf32>
    %broadcast_in_dim3A_1074 = vector.shape_cast %reduce_sum3A_1073 : vector<128xf32> to vector<128x1xf32>
    %add3A_1075 = arith.addf %broadcast_in_dim3A_349, %broadcast_in_dim3A_1074 : vector<128x1xf32>
    %convert_element_type3A_1076 = arith.fptosi %add3A_1075 : vector<128x1xf32> to vector<128x1xi32>
    %swap3A_1077 = arith.constant 1408 : index
    %swap3A_1078 = arith.constant 0 : index
    %swap3A_1079 = vector.load %arg1[%swap3A_1077, %swap3A_1078] : memref<4096x1xi32, #tpu.memory_space<vmem>>, vector<128x1xi32>
    tpu.vector_store %arg1[%swap3A_1077, %swap3A_1078], %convert_element_type3A_1076 {strides = array<i32>} : memref<4096x1xi32, #tpu.memory_space<vmem>>, vector<128x1xi32>,
    %mul3A_1080 = vector.broadcast %dot_general3A_960 : vector<1x64xf32> to vector<128x64xf32>
    %mul3A_1081 = arith.mulf %convert_element_type3A_371, %mul3A_1080 : vector<128x64xf32>
    %reduce_sum3A_1082 = arith.constant dense<0.000000e+00> : vector<128xf32>
    %reduce_sum3A_1083 = vector.multi_reduction <add>, %mul3A_1081, %reduce_sum3A_1082 [1] : vector<128x64xf32> to vector<128xf32>
    %broadcast_in_dim3A_1084 = vector.shape_cast %reduce_sum3A_1083 : vector<128xf32> to vector<128x1xf32>
    %add3A_1085 = arith.addf %broadcast_in_dim3A_379, %broadcast_in_dim3A_1084 : vector<128x1xf32>
    %convert_element_type3A_1086 = arith.fptosi %add3A_1085 : vector<128x1xf32> to vector<128x1xi32>
    %swap3A_1087 = arith.constant 1536 : index
    %swap3A_1088 = arith.constant 0 : index
    %swap3A_1089 = vector.load %arg1[%swap3A_1087, %swap3A_1088] : memref<4096x1xi32, #tpu.memory_space<vmem>>, vector<128x1xi32>
    tpu.vector_store %arg1[%swap3A_1087, %swap3A_1088], %convert_element_type3A_1086 {strides = array<i32>} : memref<4096x1xi32, #tpu.memory_space<vmem>>, vector<128x1xi32>,
    %mul3A_1090 = vector.broadcast %dot_general3A_960 : vector<1x64xf32> to vector<128x64xf32>
    %mul3A_1091 = arith.mulf %convert_element_type3A_401, %mul3A_1090 : vector<128x64xf32>
    %reduce_sum3A_1092 = arith.constant dense<0.000000e+00> : vector<128xf32>
    %reduce_sum3A_1093 = vector.multi_reduction <add>, %mul3A_1091, %reduce_sum3A_1092 [1] : vector<128x64xf32> to vector<128xf32>
    %broadcast_in_dim3A_1094 = vector.shape_cast %reduce_sum3A_1093 : vector<128xf32> to vector<128x1xf32>
    %add3A_1095 = arith.addf %broadcast_in_dim3A_409, %broadcast_in_dim3A_1094 : vector<128x1xf32>
    %convert_element_type3A_1096 = arith.fptosi %add3A_1095 : vector<128x1xf32> to vector<128x1xi32>
    %swap3A_1097 = arith.constant 1664 : index
    %swap3A_1098 = arith.constant 0 : index
    %swap3A_1099 = vector.load %arg1[%swap3A_1097, %swap3A_1098] : memref<4096x1xi32, #tpu.memory_space<vmem>>, vector<128x1xi32>
    tpu.vector_store %arg1[%swap3A_1097, %swap3A_1098], %convert_element_type3A_1096 {strides = array<i32>} : memref<4096x1xi32, #tpu.memory_space<vmem>>, vector<128x1xi32>,
    %mul3A_1100 = vector.broadcast %dot_general3A_960 : vector<1x64xf32> to vector<128x64xf32>
    %mul3A_1101 = arith.mulf %convert_element_type3A_431, %mul3A_1100 : vector<128x64xf32>
    %reduce_sum3A_1102 = arith.constant dense<0.000000e+00> : vector<128xf32>
    %reduce_sum3A_1103 = vector.multi_reduction <add>, %mul3A_1101, %reduce_sum3A_1102 [1] : vector<128x64xf32> to vector<128xf32>
    %broadcast_in_dim3A_1104 = vector.shape_cast %reduce_sum3A_1103 : vector<128xf32> to vector<128x1xf32>
    %add3A_1105 = arith.addf %broadcast_in_dim3A_439, %broadcast_in_dim3A_1104 : vector<128x1xf32>
    %convert_element_type3A_1106 = arith.fptosi %add3A_1105 : vector<128x1xf32> to vector<128x1xi32>
    %swap3A_1107 = arith.constant 1792 : index
    %swap3A_1108 = arith.constant 0 : index
    %swap3A_1109 = vector.load %arg1[%swap3A_1107, %swap3A_1108] : memref<4096x1xi32, #tpu.memory_space<vmem>>, vector<128x1xi32>
    tpu.vector_store %arg1[%swap3A_1107, %swap3A_1108], %convert_element_type3A_1106 {strides = array<i32>} : memref<4096x1xi32, #tpu.memory_space<vmem>>, vector<128x1xi32>,
    %mul3A_1110 = vector.broadcast %dot_general3A_960 : vector<1x64xf32> to vector<128x64xf32>
    %mul3A_1111 = arith.mulf %convert_element_type3A_461, %mul3A_1110 : vector<128x64xf32>
    %reduce_sum3A_1112 = arith.constant dense<0.000000e+00> : vector<128xf32>
    %reduce_sum3A_1113 = vector.multi_reduction <add>, %mul3A_1111, %reduce_sum3A_1112 [1] : vector<128x64xf32> to vector<128xf32>
    %broadcast_in_dim3A_1114 = vector.shape_cast %reduce_sum3A_1113 : vector<128xf32> to vector<128x1xf32>
    %add3A_1115 = arith.addf %broadcast_in_dim3A_469, %broadcast_in_dim3A_1114 : vector<128x1xf32>
    %convert_element_type3A_1116 = arith.fptosi %add3A_1115 : vector<128x1xf32> to vector<128x1xi32>
    %swap3A_1117 = arith.constant 1920 : index
    %swap3A_1118 = arith.constant 0 : index
    %swap3A_1119 = vector.load %arg1[%swap3A_1117, %swap3A_1118] : memref<4096x1xi32, #tpu.memory_space<vmem>>, vector<128x1xi32>
    tpu.vector_store %arg1[%swap3A_1117, %swap3A_1118], %convert_element_type3A_1116 {strides = array<i32>} : memref<4096x1xi32, #tpu.memory_space<vmem>>, vector<128x1xi32>,
    %mul3A_1120 = vector.broadcast %dot_general3A_960 : vector<1x64xf32> to vector<128x64xf32>
    %mul3A_1121 = arith.mulf %convert_element_type3A_491, %mul3A_1120 : vector<128x64xf32>
    %reduce_sum3A_1122 = arith.constant dense<0.000000e+00> : vector<128xf32>
    %reduce_sum3A_1123 = vector.multi_reduction <add>, %mul3A_1121, %reduce_sum3A_1122 [1] : vector<128x64xf32> to vector<128xf32>
    %broadcast_in_dim3A_1124 = vector.shape_cast %reduce_sum3A_1123 : vector<128xf32> to vector<128x1xf32>
    %add3A_1125 = arith.addf %broadcast_in_dim3A_499, %broadcast_in_dim3A_1124 : vector<128x1xf32>
    %convert_element_type3A_1126 = arith.fptosi %add3A_1125 : vector<128x1xf32> to vector<128x1xi32>
    %swap3A_1127 = arith.constant 2048 : index
    %swap3A_1128 = arith.constant 0 : index
    %swap3A_1129 = vector.load %arg1[%swap3A_1127, %swap3A_1128] : memref<4096x1xi32, #tpu.memory_space<vmem>>, vector<128x1xi32>
    tpu.vector_store %arg1[%swap3A_1127, %swap3A_1128], %convert_element_type3A_1126 {strides = array<i32>} : memref<4096x1xi32, #tpu.memory_space<vmem>>, vector<128x1xi32>,
    %mul3A_1130 = vector.broadcast %dot_general3A_960 : vector<1x64xf32> to vector<128x64xf32>
    %mul3A_1131 = arith.mulf %convert_element_type3A_521, %mul3A_1130 : vector<128x64xf32>
    %reduce_sum3A_1132 = arith.constant dense<0.000000e+00> : vector<128xf32>
    %reduce_sum3A_1133 = vector.multi_reduction <add>, %mul3A_1131, %reduce_sum3A_1132 [1] : vector<128x64xf32> to vector<128xf32>
    %broadcast_in_dim3A_1134 = vector.shape_cast %reduce_sum3A_1133 : vector<128xf32> to vector<128x1xf32>
    %add3A_1135 = arith.addf %broadcast_in_dim3A_529, %broadcast_in_dim3A_1134 : vector<128x1xf32>
    %convert_element_type3A_1136 = arith.fptosi %add3A_1135 : vector<128x1xf32> to vector<128x1xi32>
    %swap3A_1137 = arith.constant 2176 : index
    %swap3A_1138 = arith.constant 0 : index
    %swap3A_1139 = vector.load %arg1[%swap3A_1137, %swap3A_1138] : memref<4096x1xi32, #tpu.memory_space<vmem>>, vector<128x1xi32>
    tpu.vector_store %arg1[%swap3A_1137, %swap3A_1138], %convert_element_type3A_1136 {strides = array<i32>} : memref<4096x1xi32, #tpu.memory_space<vmem>>, vector<128x1xi32>,
    %mul3A_1140 = vector.broadcast %dot_general3A_960 : vector<1x64xf32> to vector<128x64xf32>
    %mul3A_1141 = arith.mulf %convert_element_type3A_551, %mul3A_1140 : vector<128x64xf32>
    %reduce_sum3A_1142 = arith.constant dense<0.000000e+00> : vector<128xf32>
    %reduce_sum3A_1143 = vector.multi_reduction <add>, %mul3A_1141, %reduce_sum3A_1142 [1] : vector<128x64xf32> to vector<128xf32>
    %broadcast_in_dim3A_1144 = vector.shape_cast %reduce_sum3A_1143 : vector<128xf32> to vector<128x1xf32>
    %add3A_1145 = arith.addf %broadcast_in_dim3A_559, %broadcast_in_dim3A_1144 : vector<128x1xf32>
    %convert_element_type3A_1146 = arith.fptosi %add3A_1145 : vector<128x1xf32> to vector<128x1xi32>
    %swap3A_1147 = arith.constant 2304 : index
    %swap3A_1148 = arith.constant 0 : index
    %swap3A_1149 = vector.load %arg1[%swap3A_1147, %swap3A_1148] : memref<4096x1xi32, #tpu.memory_space<vmem>>, vector<128x1xi32>
    tpu.vector_store %arg1[%swap3A_1147, %swap3A_1148], %convert_element_type3A_1146 {strides = array<i32>} : memref<4096x1xi32, #tpu.memory_space<vmem>>, vector<128x1xi32>,
    %mul3A_1150 = vector.broadcast %dot_general3A_960 : vector<1x64xf32> to vector<128x64xf32>
    %mul3A_1151 = arith.mulf %convert_element_type3A_581, %mul3A_1150 : vector<128x64xf32>
    %reduce_sum3A_1152 = arith.constant dense<0.000000e+00> : vector<128xf32>
    %reduce_sum3A_1153 = vector.multi_reduction <add>, %mul3A_1151, %reduce_sum3A_1152 [1] : vector<128x64xf32> to vector<128xf32>
    %broadcast_in_dim3A_1154 = vector.shape_cast %reduce_sum3A_1153 : vector<128xf32> to vector<128x1xf32>
    %add3A_1155 = arith.addf %broadcast_in_dim3A_589, %broadcast_in_dim3A_1154 : vector<128x1xf32>
    %convert_element_type3A_1156 = arith.fptosi %add3A_1155 : vector<128x1xf32> to vector<128x1xi32>
    %swap3A_1157 = arith.constant 2432 : index
    %swap3A_1158 = arith.constant 0 : index
    %swap3A_1159 = vector.load %arg1[%swap3A_1157, %swap3A_1158] : memref<4096x1xi32, #tpu.memory_space<vmem>>, vector<128x1xi32>
    tpu.vector_store %arg1[%swap3A_1157, %swap3A_1158], %convert_element_type3A_1156 {strides = array<i32>} : memref<4096x1xi32, #tpu.memory_space<vmem>>, vector<128x1xi32>,
    %mul3A_1160 = vector.broadcast %dot_general3A_960 : vector<1x64xf32> to vector<128x64xf32>
    %mul3A_1161 = arith.mulf %convert_element_type3A_611, %mul3A_1160 : vector<128x64xf32>
    %reduce_sum3A_1162 = arith.constant dense<0.000000e+00> : vector<128xf32>
    %reduce_sum3A_1163 = vector.multi_reduction <add>, %mul3A_1161, %reduce_sum3A_1162 [1] : vector<128x64xf32> to vector<128xf32>
    %broadcast_in_dim3A_1164 = vector.shape_cast %reduce_sum3A_1163 : vector<128xf32> to vector<128x1xf32>
    %add3A_1165 = arith.addf %broadcast_in_dim3A_619, %broadcast_in_dim3A_1164 : vector<128x1xf32>
    %convert_element_type3A_1166 = arith.fptosi %add3A_1165 : vector<128x1xf32> to vector<128x1xi32>
    %swap3A_1167 = arith.constant 2560 : index
    %swap3A_1168 = arith.constant 0 : index
    %swap3A_1169 = vector.load %arg1[%swap3A_1167, %swap3A_1168] : memref<4096x1xi32, #tpu.memory_space<vmem>>, vector<128x1xi32>
    tpu.vector_store %arg1[%swap3A_1167, %swap3A_1168], %convert_element_type3A_1166 {strides = array<i32>} : memref<4096x1xi32, #tpu.memory_space<vmem>>, vector<128x1xi32>,
    %mul3A_1170 = vector.broadcast %dot_general3A_960 : vector<1x64xf32> to vector<128x64xf32>
    %mul3A_1171 = arith.mulf %convert_element_type3A_641, %mul3A_1170 : vector<128x64xf32>
    %reduce_sum3A_1172 = arith.constant dense<0.000000e+00> : vector<128xf32>
    %reduce_sum3A_1173 = vector.multi_reduction <add>, %mul3A_1171, %reduce_sum3A_1172 [1] : vector<128x64xf32> to vector<128xf32>
    %broadcast_in_dim3A_1174 = vector.shape_cast %reduce_sum3A_1173 : vector<128xf32> to vector<128x1xf32>
    %add3A_1175 = arith.addf %broadcast_in_dim3A_649, %broadcast_in_dim3A_1174 : vector<128x1xf32>
    %convert_element_type3A_1176 = arith.fptosi %add3A_1175 : vector<128x1xf32> to vector<128x1xi32>
    %swap3A_1177 = arith.constant 2688 : index
    %swap3A_1178 = arith.constant 0 : index
    %swap3A_1179 = vector.load %arg1[%swap3A_1177, %swap3A_1178] : memref<4096x1xi32, #tpu.memory_space<vmem>>, vector<128x1xi32>
    tpu.vector_store %arg1[%swap3A_1177, %swap3A_1178], %convert_element_type3A_1176 {strides = array<i32>} : memref<4096x1xi32, #tpu.memory_space<vmem>>, vector<128x1xi32>,
    %mul3A_1180 = vector.broadcast %dot_general3A_960 : vector<1x64xf32> to vector<128x64xf32>
    %mul3A_1181 = arith.mulf %convert_element_type3A_671, %mul3A_1180 : vector<128x64xf32>
    %reduce_sum3A_1182 = arith.constant dense<0.000000e+00> : vector<128xf32>
    %reduce_sum3A_1183 = vector.multi_reduction <add>, %mul3A_1181, %reduce_sum3A_1182 [1] : vector<128x64xf32> to vector<128xf32>
    %broadcast_in_dim3A_1184 = vector.shape_cast %reduce_sum3A_1183 : vector<128xf32> to vector<128x1xf32>
    %add3A_1185 = arith.addf %broadcast_in_dim3A_679, %broadcast_in_dim3A_1184 : vector<128x1xf32>
    %convert_element_type3A_1186 = arith.fptosi %add3A_1185 : vector<128x1xf32> to vector<128x1xi32>
    %swap3A_1187 = arith.constant 2816 : index
    %swap3A_1188 = arith.constant 0 : index
    %swap3A_1189 = vector.load %arg1[%swap3A_1187, %swap3A_1188] : memref<4096x1xi32, #tpu.memory_space<vmem>>, vector<128x1xi32>
    tpu.vector_store %arg1[%swap3A_1187, %swap3A_1188], %convert_element_type3A_1186 {strides = array<i32>} : memref<4096x1xi32, #tpu.memory_space<vmem>>, vector<128x1xi32>,
    %mul3A_1190 = vector.broadcast %dot_general3A_960 : vector<1x64xf32> to vector<128x64xf32>
    %mul3A_1191 = arith.mulf %convert_element_type3A_701, %mul3A_1190 : vector<128x64xf32>
    %reduce_sum3A_1192 = arith.constant dense<0.000000e+00> : vector<128xf32>
    %reduce_sum3A_1193 = vector.multi_reduction <add>, %mul3A_1191, %reduce_sum3A_1192 [1] : vector<128x64xf32> to vector<128xf32>
    %broadcast_in_dim3A_1194 = vector.shape_cast %reduce_sum3A_1193 : vector<128xf32> to vector<128x1xf32>
    %add3A_1195 = arith.addf %broadcast_in_dim3A_709, %broadcast_in_dim3A_1194 : vector<128x1xf32>
    %convert_element_type3A_1196 = arith.fptosi %add3A_1195 : vector<128x1xf32> to vector<128x1xi32>
    %swap3A_1197 = arith.constant 2944 : index
    %swap3A_1198 = arith.constant 0 : index
    %swap3A_1199 = vector.load %arg1[%swap3A_1197, %swap3A_1198] : memref<4096x1xi32, #tpu.memory_space<vmem>>, vector<128x1xi32>
    tpu.vector_store %arg1[%swap3A_1197, %swap3A_1198], %convert_element_type3A_1196 {strides = array<i32>} : memref<4096x1xi32, #tpu.memory_space<vmem>>, vector<128x1xi32>,
    %mul3A_1200 = vector.broadcast %dot_general3A_960 : vector<1x64xf32> to vector<128x64xf32>
    %mul3A_1201 = arith.mulf %convert_element_type3A_731, %mul3A_1200 : vector<128x64xf32>
    %reduce_sum3A_1202 = arith.constant dense<0.000000e+00> : vector<128xf32>
    %reduce_sum3A_1203 = vector.multi_reduction <add>, %mul3A_1201, %reduce_sum3A_1202 [1] : vector<128x64xf32> to vector<128xf32>
    %broadcast_in_dim3A_1204 = vector.shape_cast %reduce_sum3A_1203 : vector<128xf32> to vector<128x1xf32>
    %add3A_1205 = arith.addf %broadcast_in_dim3A_739, %broadcast_in_dim3A_1204 : vector<128x1xf32>
    %convert_element_type3A_1206 = arith.fptosi %add3A_1205 : vector<128x1xf32> to vector<128x1xi32>
    %swap3A_1207 = arith.constant 3072 : index
    %swap3A_1208 = arith.constant 0 : index
    %swap3A_1209 = vector.load %arg1[%swap3A_1207, %swap3A_1208] : memref<4096x1xi32, #tpu.memory_space<vmem>>, vector<128x1xi32>
    tpu.vector_store %arg1[%swap3A_1207, %swap3A_1208], %convert_element_type3A_1206 {strides = array<i32>} : memref<4096x1xi32, #tpu.memory_space<vmem>>, vector<128x1xi32>,
    %mul3A_1210 = vector.broadcast %dot_general3A_960 : vector<1x64xf32> to vector<128x64xf32>
    %mul3A_1211 = arith.mulf %convert_element_type3A_761, %mul3A_1210 : vector<128x64xf32>
    %reduce_sum3A_1212 = arith.constant dense<0.000000e+00> : vector<128xf32>
    %reduce_sum3A_1213 = vector.multi_reduction <add>, %mul3A_1211, %reduce_sum3A_1212 [1] : vector<128x64xf32> to vector<128xf32>
    %broadcast_in_dim3A_1214 = vector.shape_cast %reduce_sum3A_1213 : vector<128xf32> to vector<128x1xf32>
    %add3A_1215 = arith.addf %broadcast_in_dim3A_769, %broadcast_in_dim3A_1214 : vector<128x1xf32>
    %convert_element_type3A_1216 = arith.fptosi %add3A_1215 : vector<128x1xf32> to vector<128x1xi32>
    %swap3A_1217 = arith.constant 3200 : index
    %swap3A_1218 = arith.constant 0 : index
    %swap3A_1219 = vector.load %arg1[%swap3A_1217, %swap3A_1218] : memref<4096x1xi32, #tpu.memory_space<vmem>>, vector<128x1xi32>
    tpu.vector_store %arg1[%swap3A_1217, %swap3A_1218], %convert_element_type3A_1216 {strides = array<i32>} : memref<4096x1xi32, #tpu.memory_space<vmem>>, vector<128x1xi32>,
    %mul3A_1220 = vector.broadcast %dot_general3A_960 : vector<1x64xf32> to vector<128x64xf32>
    %mul3A_1221 = arith.mulf %convert_element_type3A_791, %mul3A_1220 : vector<128x64xf32>
    %reduce_sum3A_1222 = arith.constant dense<0.000000e+00> : vector<128xf32>
    %reduce_sum3A_1223 = vector.multi_reduction <add>, %mul3A_1221, %reduce_sum3A_1222 [1] : vector<128x64xf32> to vector<128xf32>
    %broadcast_in_dim3A_1224 = vector.shape_cast %reduce_sum3A_1223 : vector<128xf32> to vector<128x1xf32>
    %add3A_1225 = arith.addf %broadcast_in_dim3A_799, %broadcast_in_dim3A_1224 : vector<128x1xf32>
    %convert_element_type3A_1226 = arith.fptosi %add3A_1225 : vector<128x1xf32> to vector<128x1xi32>
    %swap3A_1227 = arith.constant 3328 : index
    %swap3A_1228 = arith.constant 0 : index
    %swap3A_1229 = vector.load %arg1[%swap3A_1227, %swap3A_1228] : memref<4096x1xi32, #tpu.memory_space<vmem>>, vector<128x1xi32>
    tpu.vector_store %arg1[%swap3A_1227, %swap3A_1228], %convert_element_type3A_1226 {strides = array<i32>} : memref<4096x1xi32, #tpu.memory_space<vmem>>, vector<128x1xi32>,
    %mul3A_1230 = vector.broadcast %dot_general3A_960 : vector<1x64xf32> to vector<128x64xf32>
    %mul3A_1231 = arith.mulf %convert_element_type3A_821, %mul3A_1230 : vector<128x64xf32>
    %reduce_sum3A_1232 = arith.constant dense<0.000000e+00> : vector<128xf32>
    %reduce_sum3A_1233 = vector.multi_reduction <add>, %mul3A_1231, %reduce_sum3A_1232 [1] : vector<128x64xf32> to vector<128xf32>
    %broadcast_in_dim3A_1234 = vector.shape_cast %reduce_sum3A_1233 : vector<128xf32> to vector<128x1xf32>
    %add3A_1235 = arith.addf %broadcast_in_dim3A_829, %broadcast_in_dim3A_1234 : vector<128x1xf32>
    %convert_element_type3A_1236 = arith.fptosi %add3A_1235 : vector<128x1xf32> to vector<128x1xi32>
    %swap3A_1237 = arith.constant 3456 : index
    %swap3A_1238 = arith.constant 0 : index
    %swap3A_1239 = vector.load %arg1[%swap3A_1237, %swap3A_1238] : memref<4096x1xi32, #tpu.memory_space<vmem>>, vector<128x1xi32>
    tpu.vector_store %arg1[%swap3A_1237, %swap3A_1238], %convert_element_type3A_1236 {strides = array<i32>} : memref<4096x1xi32, #tpu.memory_space<vmem>>, vector<128x1xi32>,
    %mul3A_1240 = vector.broadcast %dot_general3A_960 : vector<1x64xf32> to vector<128x64xf32>
    %mul3A_1241 = arith.mulf %convert_element_type3A_851, %mul3A_1240 : vector<128x64xf32>
    %reduce_sum3A_1242 = arith.constant dense<0.000000e+00> : vector<128xf32>
    %reduce_sum3A_1243 = vector.multi_reduction <add>, %mul3A_1241, %reduce_sum3A_1242 [1] : vector<128x64xf32> to vector<128xf32>
    %broadcast_in_dim3A_1244 = vector.shape_cast %reduce_sum3A_1243 : vector<128xf32> to vector<128x1xf32>
    %add3A_1245 = arith.addf %broadcast_in_dim3A_859, %broadcast_in_dim3A_1244 : vector<128x1xf32>
    %convert_element_type3A_1246 = arith.fptosi %add3A_1245 : vector<128x1xf32> to vector<128x1xi32>
    %swap3A_1247 = arith.constant 3584 : index
    %swap3A_1248 = arith.constant 0 : index
    %swap3A_1249 = vector.load %arg1[%swap3A_1247, %swap3A_1248] : memref<4096x1xi32, #tpu.memory_space<vmem>>, vector<128x1xi32>
    tpu.vector_store %arg1[%swap3A_1247, %swap3A_1248], %convert_element_type3A_1246 {strides = array<i32>} : memref<4096x1xi32, #tpu.memory_space<vmem>>, vector<128x1xi32>,
    %mul3A_1250 = vector.broadcast %dot_general3A_960 : vector<1x64xf32> to vector<128x64xf32>
    %mul3A_1251 = arith.mulf %convert_element_type3A_881, %mul3A_1250 : vector<128x64xf32>
    %reduce_sum3A_1252 = arith.constant dense<0.000000e+00> : vector<128xf32>
    %reduce_sum3A_1253 = vector.multi_reduction <add>, %mul3A_1251, %reduce_sum3A_1252 [1] : vector<128x64xf32> to vector<128xf32>
    %broadcast_in_dim3A_1254 = vector.shape_cast %reduce_sum3A_1253 : vector<128xf32> to vector<128x1xf32>
    %add3A_1255 = arith.addf %broadcast_in_dim3A_889, %broadcast_in_dim3A_1254 : vector<128x1xf32>
    %convert_element_type3A_1256 = arith.fptosi %add3A_1255 : vector<128x1xf32> to vector<128x1xi32>
    %swap3A_1257 = arith.constant 3712 : index
    %swap3A_1258 = arith.constant 0 : index
    %swap3A_1259 = vector.load %arg1[%swap3A_1257, %swap3A_1258] : memref<4096x1xi32, #tpu.memory_space<vmem>>, vector<128x1xi32>
    tpu.vector_store %arg1[%swap3A_1257, %swap3A_1258], %convert_element_type3A_1256 {strides = array<i32>} : memref<4096x1xi32, #tpu.memory_space<vmem>>, vector<128x1xi32>,
    %mul3A_1260 = vector.broadcast %dot_general3A_960 : vector<1x64xf32> to vector<128x64xf32>
    %mul3A_1261 = arith.mulf %convert_element_type3A_911, %mul3A_1260 : vector<128x64xf32>
    %reduce_sum3A_1262 = arith.constant dense<0.000000e+00> : vector<128xf32>
    %reduce_sum3A_1263 = vector.multi_reduction <add>, %mul3A_1261, %reduce_sum3A_1262 [1] : vector<128x64xf32> to vector<128xf32>
    %broadcast_in_dim3A_1264 = vector.shape_cast %reduce_sum3A_1263 : vector<128xf32> to vector<128x1xf32>
    %add3A_1265 = arith.addf %broadcast_in_dim3A_919, %broadcast_in_dim3A_1264 : vector<128x1xf32>
    %convert_element_type3A_1266 = arith.fptosi %add3A_1265 : vector<128x1xf32> to vector<128x1xi32>
    %swap3A_1267 = arith.constant 3840 : index
    %swap3A_1268 = arith.constant 0 : index
    %swap3A_1269 = vector.load %arg1[%swap3A_1267, %swap3A_1268] : memref<4096x1xi32, #tpu.memory_space<vmem>>, vector<128x1xi32>
    tpu.vector_store %arg1[%swap3A_1267, %swap3A_1268], %convert_element_type3A_1266 {strides = array<i32>} : memref<4096x1xi32, #tpu.memory_space<vmem>>, vector<128x1xi32>,
    %mul3A_1270 = vector.broadcast %dot_general3A_960 : vector<1x64xf32> to vector<128x64xf32>
    %mul3A_1271 = arith.mulf %convert_element_type3A_941, %mul3A_1270 : vector<128x64xf32>
    %reduce_sum3A_1272 = arith.constant dense<0.000000e+00> : vector<128xf32>
    %reduce_sum3A_1273 = vector.multi_reduction <add>, %mul3A_1271, %reduce_sum3A_1272 [1] : vector<128x64xf32> to vector<128xf32>
    %broadcast_in_dim3A_1274 = vector.shape_cast %reduce_sum3A_1273 : vector<128xf32> to vector<128x1xf32>
    %add3A_1275 = arith.addf %broadcast_in_dim3A_949, %broadcast_in_dim3A_1274 : vector<128x1xf32>
    %convert_element_type3A_1276 = arith.fptosi %add3A_1275 : vector<128x1xf32> to vector<128x1xi32>
    %swap3A_1277 = arith.constant 3968 : index
    %swap3A_1278 = arith.constant 0 : index
    %swap3A_1279 = vector.load %arg1[%swap3A_1277, %swap3A_1278] : memref<4096x1xi32, #tpu.memory_space<vmem>>, vector<128x1xi32>
    tpu.vector_store %arg1[%swap3A_1277, %swap3A_1278], %convert_element_type3A_1276 {strides = array<i32>} : memref<4096x1xi32, #tpu.memory_space<vmem>>, vector<128x1xi32>,
    %mul3A_1280 = arith.constant 1.250000e-01 : f32
    %mul3A_1281 = vector.broadcast %mul3A_1280 : f32 to vector<1x64xf32>
    %mul3A_1282 = arith.mulf %dot_general3A_960, %mul3A_1281 : vector<1x64xf32>
    %floor3A = math.floor %mul3A_1282 : vector<1x64xf32>
    %mul3A_1283 = arith.constant 8.000000e+00 : f32
    %mul3A_1284 = vector.broadcast %mul3A_1283 : f32 to vector<1x64xf32>
    %mul3A_1285 = arith.mulf %floor3A, %mul3A_1284 : vector<1x64xf32>
    %sub3A = arith.subf %dot_general3A_960, %mul3A_1285 : vector<1x64xf32>
    %add3A_1286 = arith.addf %sub3A, %add3A_953 : vector<1x64xf32>
    %add3A_1287 = arith.constant 1.270000e+02 : f32
    %add3A_1288 = vector.broadcast %add3A_1287 : f32 to vector<1x64xf32>
    %add3A_1289 = arith.addf %add3A_1286, %add3A_1288 : vector<1x64xf32>
    %mul3A_1290 = arith.constant 7.812500e-03 : f32
    %mul3A_1291 = vector.broadcast %mul3A_1290 : f32 to vector<1x64xf32>
    %mul3A_1292 = arith.mulf %add3A_1289, %mul3A_1291 : vector<1x64xf32>
    %floor3A_1293 = math.floor %mul3A_1292 : vector<1x64xf32>
    %dot_general3A_1294 = arith.constant dense<0.000000e+00> : vector<1x64xf32>
    %dot_general3A_1295 = tpu.matmul %floor3A_1293, %convert_element_type3A_958, %dot_general3A_1294 {dimension_numbers = #tpu.dot_dimension_numbers<[1], [0], [0], [1], [0, 0, 1, 1], [], []>, transpose_lhs_hint = false} : vector<1x64xf32>, vector<64x64xf32>, vector<1x64xf32> -> vector<1x64xf32>
    %iota3A_1296 = tpu.iota {dimensions = array<i32: 0>} : vector<104x1xi32>
    %convert_element_type3A_1297 = arith.sitofp %iota3A_1296 : vector<104x1xi32> to vector<104x1xf32>
    %ge3A_1298 = vector.broadcast %convert_element_type3A_1297 : vector<104x1xf32> to vector<104x64xf32>
    %ge3A_1299 = vector.broadcast %dot_general3A_1295 : vector<1x64xf32> to vector<104x64xf32>
    %ge3A_1300 = arith.cmpf oge, %ge3A_1298, %ge3A_1299 : vector<104x64xf32>
    %add3A_1301 = arith.addf %dot_general3A_1295, %floor3A_1293 : vector<1x64xf32>
    %lt3A_1302 = vector.broadcast %convert_element_type3A_1297 : vector<104x1xf32> to vector<104x64xf32>
    %lt3A_1303 = vector.broadcast %add3A_1301 : vector<1x64xf32> to vector<104x64xf32>
    %lt3A_1304 = arith.cmpf olt, %lt3A_1302, %lt3A_1303 : vector<104x64xf32>
    %and3A = arith.andi %ge3A_1300, %lt3A_1304 : vector<104x64xi1>
    %convert_element_type3A_1305 = arith.extui %and3A : vector<104x64xi1> to vector<104x64xi32>
    %convert_element_type3A_1306 = arith.sitofp %convert_element_type3A_1305 : vector<104x64xi32> to vector<104x64xf32>
    %iota3A_1307 = tpu.iota {dimensions = array<i32: 1>} : vector<1x64xi32>
    %convert_element_type3A_1308 = arith.sitofp %iota3A_1307 : vector<1x64xi32> to vector<1x64xf32>
    %mul3A_1309 = vector.broadcast %add3A_953 : vector<1x64xf32> to vector<104x64xf32>
    %mul3A_1310 = arith.mulf %convert_element_type3A_1306, %mul3A_1309 : vector<104x64xf32>
    %reduce_sum3A_1311 = arith.constant dense<0.000000e+00> : vector<104xf32>
    %reduce_sum3A_1312 = vector.multi_reduction <add>, %mul3A_1310, %reduce_sum3A_1311 [1] : vector<104x64xf32> to vector<104xf32>
    %broadcast_in_dim3A_1313 = vector.shape_cast %reduce_sum3A_1312 : vector<104xf32> to vector<104x1xf32>
    %mul3A_1314 = vector.broadcast %dot_general3A_960 : vector<1x64xf32> to vector<104x64xf32>
    %mul3A_1315 = arith.mulf %convert_element_type3A_1306, %mul3A_1314 : vector<104x64xf32>
    %reduce_sum3A_1316 = arith.constant dense<0.000000e+00> : vector<104xf32>
    %reduce_sum3A_1317 = vector.multi_reduction <add>, %mul3A_1315, %reduce_sum3A_1316 [1] : vector<104x64xf32> to vector<104xf32>
    %broadcast_in_dim3A_1318 = vector.shape_cast %reduce_sum3A_1317 : vector<104xf32> to vector<104x1xf32>
    %mul3A_1319 = vector.broadcast %mul3A_1285 : vector<1x64xf32> to vector<104x64xf32>
    %mul3A_1320 = arith.mulf %convert_element_type3A_1306, %mul3A_1319 : vector<104x64xf32>
    %reduce_sum3A_1321 = arith.constant dense<0.000000e+00> : vector<104xf32>
    %reduce_sum3A_1322 = vector.multi_reduction <add>, %mul3A_1320, %reduce_sum3A_1321 [1] : vector<104x64xf32> to vector<104xf32>
    %broadcast_in_dim3A_1323 = vector.shape_cast %reduce_sum3A_1322 : vector<104xf32> to vector<104x1xf32>
    %mul3A_1324 = vector.broadcast %dot_general3A_1295 : vector<1x64xf32> to vector<104x64xf32>
    %mul3A_1325 = arith.mulf %convert_element_type3A_1306, %mul3A_1324 : vector<104x64xf32>
    %reduce_sum3A_1326 = arith.constant dense<0.000000e+00> : vector<104xf32>
    %reduce_sum3A_1327 = vector.multi_reduction <add>, %mul3A_1325, %reduce_sum3A_1326 [1] : vector<104x64xf32> to vector<104xf32>
    %broadcast_in_dim3A_1328 = vector.shape_cast %reduce_sum3A_1327 : vector<104xf32> to vector<104x1xf32>
    %mul3A_1329 = vector.broadcast %convert_element_type3A_1308 : vector<1x64xf32> to vector<104x64xf32>
    %mul3A_1330 = arith.mulf %convert_element_type3A_1306, %mul3A_1329 : vector<104x64xf32>
    %reduce_sum3A_1331 = arith.constant dense<0.000000e+00> : vector<104xf32>
    %reduce_sum3A_1332 = vector.multi_reduction <add>, %mul3A_1330, %reduce_sum3A_1331 [1] : vector<104x64xf32> to vector<104xf32>
    %broadcast_in_dim3A_1333 = vector.shape_cast %reduce_sum3A_1332 : vector<104xf32> to vector<104x1xf32>
    %sub3A_1334 = arith.subf %convert_element_type3A_1297, %broadcast_in_dim3A_1328 : vector<104x1xf32>
    %mul3A_1335 = arith.constant 1.280000e+02 : f32
    %mul3A_1336 = vector.broadcast %mul3A_1335 : f32 to vector<104x1xf32>
    %mul3A_1337 = arith.mulf %mul3A_1336, %sub3A_1334 : vector<104x1xf32>
    %add3A_1338 = arith.addf %broadcast_in_dim3A_1323, %mul3A_1337 : vector<104x1xf32>
    %min3A = arith.constant 3.968000e+03 : f32
    %min3A_1339 = vector.broadcast %min3A : f32 to vector<104x1xf32>
    %min3A_1340 = arith.minimumf %add3A_1338, %min3A_1339 : vector<104x1xf32>
    %max3A = arith.maximumf %broadcast_in_dim3A_1318, %add3A_1338 : vector<104x1xf32>
    %sub3A_1341 = arith.subf %max3A, %min3A_1340 : vector<104x1xf32>
    %add3A_1342 = arith.addf %broadcast_in_dim3A_1318, %broadcast_in_dim3A_1313 : vector<104x1xf32>
    %add3A_1343 = arith.constant 1.280000e+02 : f32
    %add3A_1344 = vector.broadcast %add3A_1343 : f32 to vector<104x1xf32>
    %add3A_1345 = arith.addf %add3A_1338, %add3A_1344 : vector<104x1xf32>
    %min3A_1346 = arith.minimumf %add3A_1342, %add3A_1345 : vector<104x1xf32>
    %sub3A_1347 = arith.subf %min3A_1346, %min3A_1340 : vector<104x1xf32>
    %max3A_1348 = arith.maximumf %sub3A_1347, %sub3A_1341 : vector<104x1xf32>
    %convert_element_type3A_1349 = arith.fptosi %broadcast_in_dim3A_1333 : vector<104x1xf32> to vector<104x1xi32>
    %swap3A_1350 = arith.constant 0 : index
    %swap3A_1351 = arith.constant 0 : index
    %swap3A_1352 = vector.load %arg2[%swap3A_1350, %swap3A_1351] : memref<104x1xi32, #tpu.memory_space<vmem>>, vector<104x1xi32>
    tpu.vector_store %arg2[%swap3A_1350, %swap3A_1351], %convert_element_type3A_1349 {strides = array<i32>} : memref<104x1xi32, #tpu.memory_space<vmem>>, vector<104x1xi32>,
    %convert_element_type3A_1353 = arith.fptosi %min3A_1340 : vector<104x1xf32> to vector<104x1xi32>
    %swap3A_1354 = arith.constant 0 : index
    %swap3A_1355 = arith.constant 0 : index
    %swap3A_1356 = vector.load %arg3[%swap3A_1354, %swap3A_1355] : memref<104x1xi32, #tpu.memory_space<vmem>>, vector<104x1xi32>
    tpu.vector_store %arg3[%swap3A_1354, %swap3A_1355], %convert_element_type3A_1353 {strides = array<i32>} : memref<104x1xi32, #tpu.memory_space<vmem>>, vector<104x1xi32>,
    %convert_element_type3A_1357 = arith.fptosi %sub3A_1341 : vector<104x1xf32> to vector<104x1xi32>
    %swap3A_1358 = arith.constant 0 : index
    %swap3A_1359 = arith.constant 0 : index
    %swap3A_1360 = vector.load %arg4[%swap3A_1358, %swap3A_1359] : memref<104x1xi32, #tpu.memory_space<vmem>>, vector<104x1xi32>
    tpu.vector_store %arg4[%swap3A_1358, %swap3A_1359], %convert_element_type3A_1357 {strides = array<i32>} : memref<104x1xi32, #tpu.memory_space<vmem>>, vector<104x1xi32>,
    %convert_element_type3A_1361 = arith.fptosi %max3A_1348 : vector<104x1xf32> to vector<104x1xi32>
    %swap3A_1362 = arith.constant 0 : index
    %swap3A_1363 = arith.constant 0 : index
    %swap3A_1364 = vector.load %arg5[%swap3A_1362, %swap3A_1363] : memref<104x1xi32, #tpu.memory_space<vmem>>, vector<104x1xi32>
    tpu.vector_store %arg5[%swap3A_1362, %swap3A_1363], %convert_element_type3A_1361 {strides = array<i32>} : memref<104x1xi32, #tpu.memory_space<vmem>>, vector<104x1xi32>,
    return
  }
}

module attributes {stable_mosaic.version = 14 : i64} {
  func.func @_ffn_kernel(%arg0: i32, %arg1: memref<104xi32, #tpu.memory_space<smem>>, %arg2: memref<104xi32, #tpu.memory_space<smem>>, %arg3: memref<104xi32, #tpu.memory_space<smem>>, %arg4: memref<104xi32, #tpu.memory_space<smem>>, %arg5: memref<4096x768xf32, #tpu.memory_space<vmem>>, %arg6: memref<1x768x3072xf32, #tpu.memory_space<vmem>>, %arg7: memref<1x1x3072xf32, #tpu.memory_space<vmem>>, %arg8: memref<1x3072x768xf32, #tpu.memory_space<vmem>>, %arg9: memref<1x1x768xf32, #tpu.memory_space<vmem>>, %arg10: memref<4096x768xf32, #tpu.memory_space<vmem>>) attributes {dimension_semantics = [#tpu.dimension_semantics<arbitrary>], iteration_bounds = array<i64: 104>, scalar_prefetch = 4 : i64, scratch_operands = 0 : i64, tpu.core_type = #tpu.core_type<tc>, window_params = [{pipeline_mode = #tpu.pipeline_mode<synchronous>, transform_indices = @transform_0, window_bounds = array<i64: 4096, 768>}, {transform_indices = @transform_1, window_bounds = array<i64: 1, 768, 3072>}, {transform_indices = @transform_2, window_bounds = array<i64: 1, 1, 3072>}, {transform_indices = @transform_3, window_bounds = array<i64: 1, 3072, 768>}, {transform_indices = @transform_4, window_bounds = array<i64: 1, 1, 768>}, {pipeline_mode = #tpu.pipeline_mode<synchronous>, transform_indices = @transform_5, window_bounds = array<i64: 4096, 768>}]} {
    %eq3A = arith.constant 0 : i32
    %eq3A_0 = arith.cmpi eq, %arg0, %eq3A : i32
    %convert_element_type3A = arith.extui %eq3A_0 : i1 to i32
    %cond3A = arith.constant 0 : i32
    %cond3A_1 = arith.cmpi ne, %convert_element_type3A, %cond3A : i32
    scf.if %cond3A_1 {
      %broadcast_in_dim3A = arith.constant 0.000000e+00 : f32
      %broadcast_in_dim3A_8 = vector.broadcast %broadcast_in_dim3A : f32 to vector<4096x768xf32>
      %swap3A = arith.constant 0 : index
      %swap3A_9 = arith.constant 0 : index
      %swap3A_10 = vector.load %arg10[%swap3A, %swap3A_9] : memref<4096x768xf32, #tpu.memory_space<vmem>>, vector<4096x768xf32>
      tpu.vector_store %arg10[%swap3A, %swap3A_9], %broadcast_in_dim3A_8 {strides = array<i32>} : memref<4096x768xf32, #tpu.memory_space<vmem>>, vector<4096x768xf32>,
    } else {
    }
    %get3A = arith.index_cast %arg0 : i32 to index
    %get3A_2 = memref.load %arg4[%get3A] : memref<104xi32, #tpu.memory_space<smem>>
    %get3A_3 = arith.index_cast %arg0 : i32 to index
    %get3A_4 = memref.load %arg3[%get3A_3] : memref<104xi32, #tpu.memory_space<smem>>
    %gt3A = arith.cmpi sgt, %get3A_2, %get3A_4 : i32
    %convert_element_type3A_5 = arith.extui %gt3A : i1 to i32
    %cond3A_6 = arith.constant 0 : i32
    %cond3A_7 = arith.cmpi ne, %convert_element_type3A_5, %cond3A_6 : i32
    scf.if %cond3A_7 {
      %get3A_8 = arith.index_cast %arg0 : i32 to index
      %get3A_9 = memref.load %arg2[%get3A_8] : memref<104xi32, #tpu.memory_space<smem>>
      %multiple_of3A = tpu.assume_multiple %get3A_9, 8 : i32
      %get3A_10 = arith.index_cast %multiple_of3A : i32 to index
      %get3A_11 = arith.constant 0 : index
      %get3A_12 = vector.load %arg5[%get3A_10, %get3A_11] : memref<4096x768xf32, #tpu.memory_space<vmem>>, vector<128x768xf32>
      %convert_element_type3A_13 = arith.truncf %get3A_12 : vector<128x768xf32> to vector<128x768xbf16>
      %get3A_14 = arith.constant 0 : index
      %get3A_15 = arith.constant 0 : index
      %get3A_16 = arith.constant 0 : index
      %get3A_17 = vector.load %arg6[%get3A_14, %get3A_15, %get3A_16] : memref<1x768x3072xf32, #tpu.memory_space<vmem>>, vector<1x768x3072xf32>
      %get3A_18 = vector.shape_cast %get3A_17 : vector<1x768x3072xf32> to vector<768x3072xf32>
      %convert_element_type3A_19 = arith.truncf %get3A_18 : vector<768x3072xf32> to vector<768x3072xbf16>
      %dot_general3A = arith.constant dense<0.000000e+00> : vector<128x3072xf32>
      %dot_general3A_20 = tpu.matmul %convert_element_type3A_13, %convert_element_type3A_19, %dot_general3A {dimension_numbers = #tpu.dot_dimension_numbers<[1], [0], [0], [1], [0, 0, 1, 1], [], []>, transpose_lhs_hint = false} : vector<128x768xbf16>, vector<768x3072xbf16>, vector<128x3072xf32> -> vector<128x3072xf32>
      %get3A_21 = arith.constant 0 : index
      %get3A_22 = arith.constant 0 : index
      %get3A_23 = arith.constant 0 : index
      %get3A_24 = vector.load %arg7[%get3A_21, %get3A_22, %get3A_23] : memref<1x1x3072xf32, #tpu.memory_space<vmem>>, vector<1x1x3072xf32>
      %get3A_25 = vector.shape_cast %get3A_24 : vector<1x1x3072xf32> to vector<1x3072xf32>
      %add3A = vector.broadcast %get3A_25 : vector<1x3072xf32> to vector<128x3072xf32>
      %add3A_26 = arith.addf %dot_general3A_20, %add3A : vector<128x3072xf32>
      %integer_pow3A = arith.mulf %add3A_26, %add3A_26 : vector<128x3072xf32>
      %integer_pow3A_27 = arith.mulf %add3A_26, %integer_pow3A : vector<128x3072xf32>
      %mul3A = arith.constant 4.471500e-02 : f32
      %mul3A_28 = vector.broadcast %mul3A : f32 to vector<128x3072xf32>
      %mul3A_29 = arith.mulf %mul3A_28, %integer_pow3A_27 : vector<128x3072xf32>
      %add3A_30 = arith.addf %add3A_26, %mul3A_29 : vector<128x3072xf32>
      %mul3A_31 = arith.constant 0.797884583 : f32
      %mul3A_32 = vector.broadcast %mul3A_31 : f32 to vector<128x3072xf32>
      %mul3A_33 = arith.mulf %mul3A_32, %add3A_30 : vector<128x3072xf32>
      %tanh3A = math.tanh %mul3A_33 : vector<128x3072xf32>
      %add3A_34 = arith.constant 1.000000e+00 : f32
      %add3A_35 = vector.broadcast %add3A_34 : f32 to vector<128x3072xf32>
      %add3A_36 = arith.addf %add3A_35, %tanh3A : vector<128x3072xf32>
      %mul3A_37 = arith.constant 5.000000e-01 : f32
      %mul3A_38 = vector.broadcast %mul3A_37 : f32 to vector<128x3072xf32>
      %mul3A_39 = arith.mulf %mul3A_38, %add3A_36 : vector<128x3072xf32>
      %mul3A_40 = arith.mulf %add3A_26, %mul3A_39 : vector<128x3072xf32>
      %convert_element_type3A_41 = arith.truncf %mul3A_40 : vector<128x3072xf32> to vector<128x3072xbf16>
      %get3A_42 = arith.constant 0 : index
      %get3A_43 = arith.constant 0 : index
      %get3A_44 = arith.constant 0 : index
      %get3A_45 = vector.load %arg8[%get3A_42, %get3A_43, %get3A_44] : memref<1x3072x768xf32, #tpu.memory_space<vmem>>, vector<1x3072x768xf32>
      %get3A_46 = vector.shape_cast %get3A_45 : vector<1x3072x768xf32> to vector<3072x768xf32>
      %convert_element_type3A_47 = arith.truncf %get3A_46 : vector<3072x768xf32> to vector<3072x768xbf16>
      %dot_general3A_48 = arith.constant dense<0.000000e+00> : vector<128x768xf32>
      %dot_general3A_49 = tpu.matmul %convert_element_type3A_41, %convert_element_type3A_47, %dot_general3A_48 {dimension_numbers = #tpu.dot_dimension_numbers<[1], [0], [0], [1], [0, 0, 1, 1], [], []>, transpose_lhs_hint = false} : vector<128x3072xbf16>, vector<3072x768xbf16>, vector<128x768xf32> -> vector<128x768xf32>
      %get3A_50 = arith.constant 0 : index
      %get3A_51 = arith.constant 0 : index
      %get3A_52 = arith.constant 0 : index
      %get3A_53 = vector.load %arg9[%get3A_50, %get3A_51, %get3A_52] : memref<1x1x768xf32, #tpu.memory_space<vmem>>, vector<1x1x768xf32>
      %get3A_54 = vector.shape_cast %get3A_53 : vector<1x1x768xf32> to vector<1x768xf32>
      %add3A_55 = vector.broadcast %get3A_54 : vector<1x768xf32> to vector<128x768xf32>
      %add3A_56 = arith.addf %dot_general3A_49, %add3A_55 : vector<128x768xf32>
      %iota3A = tpu.iota {dimensions = array<i32: 0>} : vector<128x1xi32>
      %get3A_57 = arith.index_cast %arg0 : i32 to index
      %get3A_58 = memref.load %arg3[%get3A_57] : memref<104xi32, #tpu.memory_space<smem>>
      %ge3A = vector.broadcast %get3A_58 : i32 to vector<128x1xi32>
      %ge3A_59 = arith.cmpi sge, %iota3A, %ge3A : vector<128x1xi32>
      %get3A_60 = arith.index_cast %arg0 : i32 to index
      %get3A_61 = memref.load %arg4[%get3A_60] : memref<104xi32, #tpu.memory_space<smem>>
      %lt3A = vector.broadcast %get3A_61 : i32 to vector<128x1xi32>
      %lt3A_62 = arith.cmpi slt, %iota3A, %lt3A : vector<128x1xi32>
      %and3A = arith.andi %ge3A_59, %lt3A_62 : vector<128x1xi1>
      %jit3A = arith.constant 0.000000e+00 : f32
      %broadcast_in_dim3A = vector.shape_cast %and3A : vector<128x1xi1> to vector<128x1xi1>
      %broadcast_in_dim3A_63 = vector.broadcast %broadcast_in_dim3A : vector<128x1xi1> to vector<128x768xi1>
      %broadcast_in_dim3A_64 = vector.broadcast %jit3A : f32 to vector<128x768xf32>
      %select_n3A = arith.select %broadcast_in_dim3A_63, %add3A_56, %broadcast_in_dim3A_64 : vector<128x768xi1>, vector<128x768xf32>
      %get3A_65 = arith.index_cast %multiple_of3A : i32 to index
      %get3A_66 = arith.constant 0 : index
      %get3A_67 = vector.load %arg10[%get3A_65, %get3A_66] : memref<4096x768xf32, #tpu.memory_space<vmem>>, vector<128x768xf32>
      %add3A_68 = arith.addf %get3A_67, %select_n3A : vector<128x768xf32>
      %swap3A = arith.index_cast %multiple_of3A : i32 to index
      %swap3A_69 = arith.constant 0 : index
      %swap3A_70 = vector.load %arg10[%swap3A, %swap3A_69] : memref<4096x768xf32, #tpu.memory_space<vmem>>, vector<128x768xf32>
      tpu.vector_store %arg10[%swap3A, %swap3A_69], %add3A_68 {strides = array<i32>} : memref<4096x768xf32, #tpu.memory_space<vmem>>, vector<128x768xf32>,
    } else {
    }
    return
  }
  func.func @transform_0(%arg0: i32, %arg1: memref<104xi32, #tpu.memory_space<smem>>, %arg2: memref<104xi32, #tpu.memory_space<smem>>, %arg3: memref<104xi32, #tpu.memory_space<smem>>, %arg4: memref<104xi32, #tpu.memory_space<smem>>) -> (i32, i32) {
    %c0_i32 = arith.constant 0 : i32
    %c0_i32_0 = arith.constant 0 : i32
    %c0_i32_1 = arith.constant 0 : i32
    return %c0_i32, %c0_i32_0 : i32, i32
  }
  func.func @transform_1(%arg0: i32, %arg1: memref<104xi32, #tpu.memory_space<smem>>, %arg2: memref<104xi32, #tpu.memory_space<smem>>, %arg3: memref<104xi32, #tpu.memory_space<smem>>, %arg4: memref<104xi32, #tpu.memory_space<smem>>) -> (i32, i32, i32) {
    %get3A = arith.index_cast %arg0 : i32 to index
    %get3A_0 = memref.load %arg1[%get3A] : memref<104xi32, #tpu.memory_space<smem>>
    %c0_i32 = arith.constant 0 : i32
    %c0_i32_1 = arith.constant 0 : i32
    %c0_i32_2 = arith.constant 0 : i32
    return %get3A_0, %c0_i32, %c0_i32_1 : i32, i32, i32
  }
  func.func @transform_2(%arg0: i32, %arg1: memref<104xi32, #tpu.memory_space<smem>>, %arg2: memref<104xi32, #tpu.memory_space<smem>>, %arg3: memref<104xi32, #tpu.memory_space<smem>>, %arg4: memref<104xi32, #tpu.memory_space<smem>>) -> (i32, i32, i32) {
    %get3A = arith.index_cast %arg0 : i32 to index
    %get3A_0 = memref.load %arg1[%get3A] : memref<104xi32, #tpu.memory_space<smem>>
    %c0_i32 = arith.constant 0 : i32
    %c0_i32_1 = arith.constant 0 : i32
    %c0_i32_2 = arith.constant 0 : i32
    return %get3A_0, %c0_i32, %c0_i32_1 : i32, i32, i32
  }
  func.func @transform_3(%arg0: i32, %arg1: memref<104xi32, #tpu.memory_space<smem>>, %arg2: memref<104xi32, #tpu.memory_space<smem>>, %arg3: memref<104xi32, #tpu.memory_space<smem>>, %arg4: memref<104xi32, #tpu.memory_space<smem>>) -> (i32, i32, i32) {
    %get3A = arith.index_cast %arg0 : i32 to index
    %get3A_0 = memref.load %arg1[%get3A] : memref<104xi32, #tpu.memory_space<smem>>
    %c0_i32 = arith.constant 0 : i32
    %c0_i32_1 = arith.constant 0 : i32
    %c0_i32_2 = arith.constant 0 : i32
    return %get3A_0, %c0_i32, %c0_i32_1 : i32, i32, i32
  }
  func.func @transform_4(%arg0: i32, %arg1: memref<104xi32, #tpu.memory_space<smem>>, %arg2: memref<104xi32, #tpu.memory_space<smem>>, %arg3: memref<104xi32, #tpu.memory_space<smem>>, %arg4: memref<104xi32, #tpu.memory_space<smem>>) -> (i32, i32, i32) {
    %get3A = arith.index_cast %arg0 : i32 to index
    %get3A_0 = memref.load %arg1[%get3A] : memref<104xi32, #tpu.memory_space<smem>>
    %c0_i32 = arith.constant 0 : i32
    %c0_i32_1 = arith.constant 0 : i32
    %c0_i32_2 = arith.constant 0 : i32
    return %get3A_0, %c0_i32, %c0_i32_1 : i32, i32, i32
  }
  func.func @transform_5(%arg0: i32, %arg1: memref<104xi32, #tpu.memory_space<smem>>, %arg2: memref<104xi32, #tpu.memory_space<smem>>, %arg3: memref<104xi32, #tpu.memory_space<smem>>, %arg4: memref<104xi32, #tpu.memory_space<smem>>) -> (i32, i32) {
    %c0_i32 = arith.constant 0 : i32
    %c0_i32_0 = arith.constant 0 : i32
    %c0_i32_1 = arith.constant 0 : i32
    return %c0_i32, %c0_i32_0 : i32, i32
  }
}

module attributes {stable_mosaic.version = 14 : i64} {
  func.func @_final_kernel(%arg0: i32, %arg1: memref<256x768xf32, #tpu.memory_space<vmem>>, %arg2: memref<256x768xf32, #tpu.memory_space<vmem>>, %arg3: memref<256x64xf32, #tpu.memory_space<vmem>>, %arg4: memref<256x768xf32, #tpu.memory_space<vmem>>) attributes {dimension_semantics = [#tpu.dimension_semantics<arbitrary>], iteration_bounds = array<i64: 16>, scalar_prefetch = 0 : i64, scratch_operands = 0 : i64, tpu.core_type = #tpu.core_type<tc>, window_params = [{transform_indices = @transform_0, window_bounds = array<i64: 256, 768>}, {transform_indices = @transform_1, window_bounds = array<i64: 256, 768>}, {transform_indices = @transform_2, window_bounds = array<i64: 256, 64>}, {transform_indices = @transform_3, window_bounds = array<i64: 256, 768>}]} {
    %get3A = arith.constant 0 : index
    %get3A_0 = arith.constant 0 : index
    %get3A_1 = vector.load %arg3[%get3A, %get3A_0] : memref<256x64xf32, #tpu.memory_space<vmem>>, vector<256x64xf32>
    %reduce_max3A = arith.constant dense<0xFF800000> : vector<256xf32>
    %reduce_max3A_2 = vector.multi_reduction <maximumf>, %get3A_1, %reduce_max3A [1] : vector<256x64xf32> to vector<256xf32>
    %broadcast_in_dim3A = vector.shape_cast %reduce_max3A_2 : vector<256xf32> to vector<256x1xf32>
    %sub3A = vector.broadcast %broadcast_in_dim3A : vector<256x1xf32> to vector<256x64xf32>
    %sub3A_3 = arith.subf %get3A_1, %sub3A : vector<256x64xf32>
    %exp3A = math.exp %sub3A_3 : vector<256x64xf32>
    %reduce_sum3A = arith.constant dense<0.000000e+00> : vector<256xf32>
    %reduce_sum3A_4 = vector.multi_reduction <add>, %exp3A, %reduce_sum3A [1] : vector<256x64xf32> to vector<256xf32>
    %broadcast_in_dim3A_5 = vector.shape_cast %reduce_sum3A_4 : vector<256xf32> to vector<256x1xf32>
    %div3A = arith.constant 1.000000e+00 : f32
    %div3A_6 = vector.broadcast %div3A : f32 to vector<256x1xf32>
    %div3A_7 = arith.divf %div3A_6, %broadcast_in_dim3A_5 : vector<256x1xf32>
    %get3A_8 = arith.constant 0 : index
    %get3A_9 = arith.constant 0 : index
    %get3A_10 = vector.load %arg1[%get3A_8, %get3A_9] : memref<256x768xf32, #tpu.memory_space<vmem>>, vector<256x768xf32>
    %get3A_11 = arith.constant 0 : index
    %get3A_12 = arith.constant 0 : index
    %get3A_13 = vector.load %arg2[%get3A_11, %get3A_12] : memref<256x768xf32, #tpu.memory_space<vmem>>, vector<256x768xf32>
    %mul3A = vector.broadcast %div3A_7 : vector<256x1xf32> to vector<256x768xf32>
    %mul3A_14 = arith.mulf %mul3A, %get3A_13 : vector<256x768xf32>
    %add3A = arith.addf %get3A_10, %mul3A_14 : vector<256x768xf32>
    %swap3A = arith.constant 0 : index
    %swap3A_15 = arith.constant 0 : index
    %swap3A_16 = vector.load %arg4[%swap3A, %swap3A_15] : memref<256x768xf32, #tpu.memory_space<vmem>>, vector<256x768xf32>
    tpu.vector_store %arg4[%swap3A, %swap3A_15], %add3A {strides = array<i32>} : memref<256x768xf32, #tpu.memory_space<vmem>>, vector<256x768xf32>,
    return
  }
  func.func @transform_0(%arg0: i32) -> (i32, i32) {
    %c0_i32 = arith.constant 0 : i32
    %c0_i32_0 = arith.constant 0 : i32
    return %arg0, %c0_i32 : i32, i32
  }
  func.func @transform_1(%arg0: i32) -> (i32, i32) {
    %c0_i32 = arith.constant 0 : i32
    %c0_i32_0 = arith.constant 0 : i32
    return %arg0, %c0_i32 : i32, i32
  }
  func.func @transform_2(%arg0: i32) -> (i32, i32) {
    %c0_i32 = arith.constant 0 : i32
    %c0_i32_0 = arith.constant 0 : i32
    return %arg0, %c0_i32 : i32, i32
  }
  func.func @transform_3(%arg0: i32) -> (i32, i32) {
    %c0_i32 = arith.constant 0 : i32
    %c0_i32_0 = arith.constant 0 : i32
    return %arg0, %c0_i32 : i32, i32
  }
}

</mosaic_0001>

<sc_bundles>
// kernel: kernel.10.cloned.1.call-start
scs
__scs_entry_jumppad:
0x0: {  	(pc) =	sbr.rel $0x88, $3  }
0x1: {  	(tag) =	ssettag $0x0;
	lr =	simm.s32 $0x1  }
0x2: {  	[smem:$0x3F93] =	sst lr;
	_ =	strace $0xD0000000  }
0x3: {  	_ = 	snop  }
0x4: {  	_ = 	snop  }
0x5: {  	_ = 	snop  }
0x6: {  	_ = 	snop  }
0x7: {  	_ = 	snop  }
__scs_overlays_trampoline_lowered:
0x8: {  	[smem:$0x3FA2] =	sst s0  }
0x9: {  	[smem:$0x3FA3] =	sst s1  }
0xa: {  	[smem:$0x3FA4] =	sst s2  }
0xb: {  	[smem:$0x3FA5] =	sst s3  }
0xc: {  	[smem:$0x3FA6] =	sst s4  }
0xd: {  	[smem:$0x3FA7] =	sst s5  }
0xe: {  	[smem:$0x3FA8] =	sst s6  }
0xf: {  	[smem:$0x3FA9] =	sst s7  }
0x10: {  	[smem:$0x3FAA] =	sst s8  }
0x11: {  	[smem:$0x3FAB] =	sst s9;
	s0 =	simm.s32 @!p0 $0x0  }
0x12: {  	s1 =	sld [smem:$0x3F91];
	s0 =	simm.s32 @p0 $0x1  }
0x13: {  	[smem:$0x3FAC] =	sst s0;
	s0 =	simm.s32 @!p1 $0x0  }
0x14: {  	s2 =	sld [smem:$0x3F90];
	s0 =	simm.s32 @p1 $0x1  }
0x15: {  	[smem:$0x3FAD] =	sst s0;
	s0 =	simm.s32 @!p2 $0x0  }
0x16: {  	s3 =	sld [smem:$0x3FDB];
	s0 =	simm.s32 @p2 $0x1  }
0x17: {  	s4 =	simm.s32 $0x1BF5;
	[smem:$0x3FAF] =	sst s0  }
0x18: {  	s0 =	sld [smem:$0x3F92];
	_ =	swait.ge [sflag:s4], $0x0  }
0x19: {  	s7 =	sld [smem:$0x3F93]  }
0x1a: {  	s8 =	sadd.s32 $0xFFFFE003, lr  }
0x1b: {  	s9 =	sadd.s32 $0xFFFFFEF7, lr;
	s5 =	simm.s32 $0xFFFFFFFF;
	p2 =	slt.u32 s8, $0xFFFFF086  }
0x1c: {  	p1 =	slt.u32 s9, $0xF7A;
	s5 =	simm.s32 @!p2 $0x0  }
0x1d: {  	s5 =	simm.s32 @p1 $0x1;
	p0 =	seq.s32 s7, s2  }
0x1e: {  	s7 =	smul.u32 @!p0 $0xF7A, s2;
	p2 =	seq.s32 @!p0 s5, $0x0  }
0x1f: {  	s9 =	smul.u32 $0xF7A, s1;
	s8 =	simm.s32 @!p0 $0x1BF5;
	p2 =	por !p2, p0  }
0x20: {  	[sflag:s8] =	ssyncset.s32 @!p0 $0xFFFFF086;
	s6 =	sadd.s32 @!p0 s3, s7;
	s7 =	simm.s32 @!p0 $0x108  }
0x21: {  	s3 =	sadd.s32 s3, s9;
	s6 =	sadd.s32 @!p0 $0x88, s6;
	s7 =	simm.s32 @p2 $0x1082  }
0x22: {  	[simem:s7], [sflag:s8] =	dma.local @!p0 [hbm:s6], $0xF7A  }
0x23: {  	s9 =	sor.u32 $0xD0000000, s2;
	s6 =	simm.s32 $0x108;
	_ =	swait.ge @!p0 [sflag:s8], $0x0  }
0x24: {  	s3 =	sadd.s32 $0x88, s3;
	s6 =	simm.s32 @!p1 $0x1082;
	[sflag:s4] =	ssyncset.s32 $0xFFFFF086  }
0x25: {  	[simem:s6], [sflag:s4] =	dma.local [hbm:s3], $0xF7A  }
0x26: {  	[smem:$0x3F93] =	sst s1;
	(tag) =	ssettag s2;
	_ =	strace s9  }
0x27: {  	s1 =	sld [smem:$0x3FA3]  }
0x28: {  	s2 =	sld [smem:$0x3FA4]  }
0x29: {  	s4 =	sld [smem:$0x3FA6]  }
0x2a: {  	p0 =	seq.s32 s5, $0x0;
	s5 =	sld [smem:$0x3FA7]  }
0x2b: {  	s6 =	sld [smem:$0x3FA8]  }
0x2c: {  	s7 =	sld [smem:$0x3FA9]  }
0x2d: {  	s3 =	simm.s32 $0x108;
	s8 =	sld [smem:$0x3FAA]  }
0x2e: {  	s3 =	simm.s32 @!p0 $0x1082;
	s9 =	sld [smem:$0x3FAB]  }
0x2f: {  	lr =	sadd.s32 s0, s3;
	s0 =	sld [smem:$0x3FA2]  }
0x30: {  	s3 =	sld [smem:$0x3FA5]  }
0x31: {  	[smem:$0x3FAE] =	sst s10  }
0x32: {  	s10 =	sld [smem:$0x3FAC];
	_ =	sdelay $0x3  }
0x33: {  	p0 =	seq.s32 s10, $0x1;
	s10 =	sld [smem:$0x3FAE];
	_ =	sdelay $0x3  }
0x34: {  	[smem:$0x3FAE] =	sst s10  }
0x35: {  	s10 =	sld [smem:$0x3FAD];
	_ =	sdelay $0x3  }
0x36: {  	p1 =	seq.s32 s10, $0x1;
	s10 =	sld [smem:$0x3FAE];
	_ =	sdelay $0x3  }
0x37: {  	[smem:$0x3FAE] =	sst s10  }
0x38: {  	s10 =	sld [smem:$0x3FAF]  }
0x39: {  	_ = 	snop;
	(pc) =	sbr.ind lr, $3  }
0x3a: {  	_ = 	snop  }
0x3b: {  	_ = 	snop  }
0x3c: {  	p2 =	seq.s32 s10, $0x1;
	s10 =	sld [smem:$0x3FAE]  }
0x3d: {  	_ =	shalt  }
0x3e: {  	_ =	shalt  }
0x3f: {  	_ =	shalt  }
0x40: {  	_ =	shalt  }
0x41: {  	_ =	shalt  }
0x42: {  	_ =	shalt  }
0x43: {  	_ =	shalt  }
0x44: {  	_ =	shalt  }
0x45: {  	_ =	shalt  }
0x46: {  	_ =	shalt  }
0x47: {  	_ =	shalt  }
0x48: {  	_ =	shalt  }
0x49: {  	_ =	shalt  }
0x4a: {  	_ =	shalt  }
0x4b: {  	_ =	shalt  }
0x4c: {  	_ =	shalt  }
0x4d: {  	_ =	shalt  }
0x4e: {  	_ =	shalt  }
0x4f: {  	_ =	shalt  }
0x50: {  	_ =	shalt  }
0x51: {  	_ =	shalt  }
0x52: {  	_ =	shalt  }
0x53: {  	_ =	shalt  }
0x54: {  	_ =	shalt  }
0x55: {  	_ =	shalt  }
0x56: {  	_ =	shalt  }
0x57: {  	_ =	shalt  }
0x58: {  	_ =	shalt  }
0x59: {  	_ =	shalt  }
0x5a: {  	_ =	shalt  }
0x5b: {  	_ =	shalt  }
0x5c: {  	_ =	shalt  }
0x5d: {  	_ =	shalt  }
0x5e: {  	_ =	shalt  }
0x5f: {  	_ =	shalt  }
0x60: {  	_ =	shalt  }
0x61: {  	_ =	shalt  }
0x62: {  	_ =	shalt  }
0x63: {  	_ =	shalt  }
0x64: {  	_ =	shalt  }
0x65: {  	_ =	shalt  }
0x66: {  	_ =	shalt  }
0x67: {  	_ =	shalt  }
0x68: {  	_ =	shalt  }
0x69: {  	_ =	shalt  }
0x6a: {  	_ =	shalt  }
0x6b: {  	_ =	shalt  }
0x6c: {  	_ =	shalt  }
0x6d: {  	_ =	shalt  }
0x6e: {  	_ =	shalt  }
0x6f: {  	_ =	shalt  }
0x70: {  	_ =	shalt  }
0x71: {  	_ =	shalt  }
0x72: {  	_ =	shalt  }
0x73: {  	_ =	shalt  }
0x74: {  	_ =	shalt  }
0x75: {  	_ =	shalt  }
0x76: {  	_ =	shalt  }
0x77: {  	_ =	shalt  }
0x78: {  	_ =	shalt  }
0x79: {  	_ =	shalt  }
0x7a: {  	_ =	shalt  }
0x7b: {  	_ =	shalt  }
0x7c: {  	_ =	shalt  }
0x7d: {  	_ =	shalt  }
0x7e: {  	_ =	shalt  }
0x7f: {  	_ =	shalt  }
0x80: {  	_ =	shalt  }
0x81: {  	_ =	shalt  }
0x82: {  	_ =	shalt  }
0x83: {  	_ =	shalt  }
0x84: {  	_ =	shalt  }
0x85: {  	_ =	shalt  }
0x86: {  	_ =	shalt  }
0x87: {  	_ =	shalt  }
.Lfunc_end0:
.L_simem_size_0:
called_computation_lowered:
.L_overlay_start_0:
0x88: {  	s2 =	sld [smem:$0x3FD9]  }
0x89: {  	s3 =	sld [smem:$0x3FFE];
	_ =	sdelay $0x1  }
0x8a: {  	s1 =	srdreg.scid  }
0x8b: {  	s0 =	sand.u32 $0x1, s1  }
0x8c: {  	s16 =	sshll.u32 s0, $0xA;
	s2 =	sadd.s32 s3, s2  }
0x8d: {  	s2 =	sadd.s32 s2, s16  }
0x8e: {  	[smem:$0x3FBA] =	sst s2  }
0x8f: {  	_ = 	snop  }
0x90: {  	(tm) =	ssettm $0x1  }
0x91: {  	s17 =	sld [smem:$0x3FFB];
	_ =	sdelay $0x3  }
0x92: {  	_ =	strace s17  }
0x93: {  	s2 =	sld [smem:$0x3FFC];
	_ =	sdelay $0x3  }
0x94: {  	_ =	strace s2  }
0x95: {  	s2 =	sld [smem:$0x3FFD];
	_ =	sdelay $0x3  }
0x96: {  	_ =	strace s2  }
0x97: {  	_ =	strace $0x8FFFFFFF  }
0x98: {  	s18 =	sld [smem:$0x3FDB];
	_ =	sdelay $0x1  }
0x99: {  	s19 =	simm.s32 $_scs_section_size  }
0x9a: {  	s4 =	simm.s32 $_size__tile_overlayer_lowered;
	s5 =	simm.s32 $_tile_overlayer_lowered  }
0x9b: {  	s22 =	simm.s32 $0x1BFF;
	s21 =	sshll.u32 s5, $0x1;
	s2 =	sadd.s32 s19, s18  }
0x9c: {  	s6 =	simm.s32 $0x0;
	s20 =	sshll.u32 s4, $0x1;
	s4 =	sadd.s32 s21, s2  }
0x9d: {  	[timem:s6], [sflag:s22] =	dma.local [hbm:s4], s20  }
0x9e: {  	_ =	swait.ge [sflag:s22], s20  }
0x9f: {  	s3 =	ssub.s32 $0x0, s20;
	[sflag:s22] =	ssyncset.done $0x0  }
0xa0: {  	[sflag:s22] =	ssyncadd.s32 s3;
	_ =	sdelay $0x1  }
0xa1: {  	s23 =	simm.s32 $0x1B8B  }
0xa2: {  	_ =	swait.ge [sflag:s23], $0x1  }
0xa3: {  	[sflag:s23] =	ssyncset.done $0x0  }
0xa4: {  	s25 =	simm.s32 $0x1B8E;
	s24 =	sld [smem:$0x3FFE];
	[sflag:s23] =	ssyncadd.s32 $0xFFFFFFFF  }
0xa5: {  	s26 =	simm.s32 $execute0_lowered;
	[smem:$0x3FD2] =	sst s25  }
0xa6: {  	s4 =	sshll.u32 s26, $0x1;
	_ =	strace $0x80000046;
	[dreg:$0x1] =	wrdreg $0xFFFFFFFF  }
0xa7: {  	s28 =	simm.s32 $_size_execute0_lowered;
	s2 =	sadd.s32 s2, s4;
	[dreg:$0x0] =	wrdreg $0x0  }
0xa8: {  	s4 =	sshll.u32 s28, $0x1;
	[dreg:$0x2] =	wrdreg s2  }
0xa9: {  	[dreg:$0x3] =	wrdreg s4  }
0xaa: {  	[dreg:$0x4] =	wrdreg $0xC0  }
0xab: {  	_ =	task [dreg:s6], $0x5FFFF  }
0xac: {  	[dreg:$0x1] =	wrdreg $0xFFFFFFFF  }
0xad: {  	[dreg:$0x0] =	wrdreg $0x60  }
0xae: {  	[dreg:$0x2] =	wrdreg s24  }
0xaf: {  	[dreg:$0x3] =	wrdreg $0x9  }
0xb0: {  	_ =	task.clear_ibuf [dreg:s6], $0x4FFFF;
	_ =	strace $0x90000046  }
0xb1: {  	s29 =	simm.s32 $0x9;
	_ =	strace $0x80000048  }
0xb2: {  	_ =	swait.ge [sflag:s29], $0x1  }
0xb3: {  	[sflag:s29] =	ssyncadd.s32 $0xFFFFFFFF  }
0xb4: {  	_ =	strace $0x90000048  }
0xb5: {  	_ =	sfence  }
0xb6: {  	s30 =	sld [smem:$0x0];
	_ =	sdelay $0x2  }
0xb7: {  	s31 =	sshll.u32 s1, $0xD;
	s1 =	sshrl.u32 s1, $0x2  }
0xb8: {  	s3 =	sand.u32 $0x4000, s31;
	s1 =	sadd.s32 s1, s30  }
0xb9: {  	s0 =	sor.u32 s3, s0;
	s1 =	sshll.u32 s1, $0x11  }
0xba: {  	s0 =	sor.u32 s1, s0  }
0xbb: {  	s0 =	sadd.s32 $0x8F2B, s0  }
0xbc: {  	[sflag:s0] =	ssyncadd.remote.s32 $0x1  }
0xbd: {  	_ =	sfence.sel $0xFFFF  }
0xbe: {  	[dreg:$0x0] =	wrdreg $0xFFFFFFFF;
	(pc) =	sbr.abs _section_cstart, $3  }
0xbf: {  	[dreg:$0x1] =	wrdreg $0xFFFFFFFF  }
0xc0: {  	_ =	task.clear_ibuf [dreg:s6], $0x2FFFF;
	_ =	strace $0x9FFFFFFF  }
0xc1: {  	(tm) =	ssettm $0x7FFFFFFF  }
tec
execute0_lowered:
.L_overlay_start_1:
0x0: {  	(tag) =	ssettag $0x1  }
0x1: {  	s1 =	srdreg.scid  }
0x2: {  	s0 =	stileid.u32;
	s1 =	sand.u32 $0x1, s1  }
0x3: {  	s2 =	sshll.u32 s0, $0x5;
	s3 =	sshll.u32 s1, $0x4  }
0x4: {  	s5 =	rddreg [dreg:$0x0];
	s3 =	sor.u32 s3, s2;
	s2 =	simm.s32 $0x0  }
0x5: {  	s26 =	simm.s32 $0x880;
	[smem:$0x7FF] =	sst s2  }
0x6: {  	s0 =	simm.s32 $0x1080;
	_ =	strace $0x80000047;
	[dreg:$0x4] =	wrdreg s26  }
0x7: {  	s6 =	simm.s32 $0x2080;
	[dreg:$0x5] =	wrdreg s0  }
0x8: {  	s7 =	simm.s32 $0x2880;
	[dreg:$0x7] =	wrdreg s6  }
0x9: {  	s8 =	simm.s32 $0x3080;
	[dreg:$0x8] =	wrdreg s7  }
0xa: {  	s9 =	simm.s32 $0x3880;
	[dreg:$0x9] =	wrdreg s8  }
0xb: {  	s10 =	simm.s32 $0x4080;
	[dreg:$0xa] =	wrdreg s9  }
0xc: {  	s11 =	simm.s32 $0x4880;
	[dreg:$0xb] =	wrdreg s10  }
0xd: {  	s12 =	simm.s32 $0x5080;
	[dreg:$0xc] =	wrdreg s11  }
0xe: {  	s13 =	simm.s32 $0x5880;
	[dreg:$0xd] =	wrdreg s12  }
0xf: {  	s14 =	simm.s32 $0x6080;
	[dreg:$0xe] =	wrdreg s13  }
0x10: {  	s15 =	simm.s32 $0x6880;
	[dreg:$0xf] =	wrdreg s14  }
0x11: {  	s16 =	simm.s32 $0x7080;
	[dreg:$0x10] =	wrdreg s15  }
0x12: {  	s17 =	simm.s32 $0x7880;
	s18 =	simm.s32 $0x8080;
	[dreg:$0x11] =	wrdreg s16  }
0x13: {  	s19 =	simm.s32 $0x8880;
	s20 =	simm.s32 $0x9080;
	[dreg:$0x12] =	wrdreg s17  }
0x14: {  	s21 =	simm.s32 $0x9880;
	s22 =	simm.s32 $0xA080;
	[dreg:$0x13] =	wrdreg s18  }
0x15: {  	s23 =	simm.s32 $0xA880;
	s24 =	simm.s32 $0xB880;
	[dreg:$0x14] =	wrdreg s19  }
0x16: {  	s28 =	simm.s32 $0x16080;
	s29 =	simm.s32 $0x16880;
	[dreg:$0x15] =	wrdreg s20  }
0x17: {  	s30 =	simm.s32 $0x17080;
	s31 =	simm.s32 $0x17880;
	[dreg:$0x16] =	wrdreg s21  }
0x18: {  	s4 =	smul.u32 $0x300, s3;
	s3 =	sadd.s32 s3, s5;
	[dreg:$0x17] =	wrdreg s22  }
0x19: {  	s1 =	ssub.s32 $0x2, s1;
	s3 =	sadd.s32 $0x70E00, s3;
	[dreg:$0x18] =	wrdreg s23  }
0x1a: {  	s6 =	sshrl.u32 s1, $0x1;
	s7 =	simm.s32 $0xB080;
	[dreg:$0x1a] =	wrdreg s24  }
0x1b: {  	s8 =	simm.s32 $0x80;
	s26 =	simm.s32 $0xC880;
	s10 =	simm.s32 $0xD880  }
0x1c: {  	s11 =	simm.s32 $0xE080;
	s12 =	simm.s32 $0xE880;
	s13 =	simm.s32 $0xF080  }
0x1d: {  	s14 =	simm.s32 $0xF880;
	s15 =	simm.s32 $0x10080;
	s16 =	simm.s32 $0x10880  }
0x1e: {  	s17 =	simm.s32 $0x11080;
	s18 =	simm.s32 $0x11880;
	s19 =	simm.s32 $0x12080  }
0x1f: {  	s20 =	simm.s32 $0x12880;
	s21 =	simm.s32 $0x13080;
	s22 =	simm.s32 $0x13880  }
0x20: {  	s23 =	simm.s32 $0x14080;
	s24 =	simm.s32 $0x14880;
	[dreg:$0x2] =	wrdreg s3  }
0x21: {  	s4 =	sadd.s32 s4, s5;
	s3 =	sadd.s32 $0x71000, s5;
	[dreg:$0x19] =	wrdreg s7  }
0x22: {  	s1 =	ssub.s32 s1, s6;
	s7 =	simm.s32 $0x2;
	[dreg:$0x1c] =	wrdreg s26  }
0x23: {  	s26 =	simm.s32 $0x15880;
	s25 =	sadd.s32 $0xE00, s4;
	s4 =	simm.s32 $0x1880  }
0x24: {  	v2 =	vlaneseq.u32;
	s6 =	smax.u32 s1, $0x1;
	s1 =	simm.s32 $0x1;
	[dreg:$0x3] =	wrdreg s25  }
0x25: {  	vm0 =	vmmov $0xffff;
	v1 =	vshrl.u32 v2, $0x3;
	[dreg:$0x6] =	wrdreg s4;
	s4 =	sadd.s32 $0x71100, s5;
	s25 =	simm.s32 $0xC080  }
0x26: {  	v0 =	vand.u32 $0x7, v2;
	v2 =	vor.u32 $0x8, v2;
	v1 =	vmul.u32 $0x8, v1;
	s5 =	sadd.s32 $0x71200, s5;
	[dreg:$0x1b] =	wrdreg s25;
	s25 =	simm.s32 $0x15080  }
.LBB2_1:
0x27: {  	s0 =	rddreg [dreg:$0x2]  }
0x28: {  	[tilespmem:s2], [sflag:$0x2] =	stream.linear.gather [hbm4b:s0+s2], $0x80, $0x38;
	[tilespmem:$0x18080] =	vst v63  }
0x29: {  	_ =	swait.ge [sflag:s7], $0x80  }
0x2a: {  	[sflag:s7] =	ssyncset.done $0x0  }
0x2b: {  	s9 =	rddreg [dreg:$0x3];
	[sflag:s7] =	ssyncadd.s32 $0xFFFFFF80  }
0x2c: {  	[tilespmem:s8], [sflag:$0x2] =	stream.linear.gather [hbm4b:s9+s2], $0x18000, $0x38;
	[tilespmem:$0x18080] =	vst v63  }
0x2d: {  	_ =	swait.ge [sflag:s7], $0x18000  }
0x2e: {  	[sflag:s7] =	ssyncset.done $0x0  }
0x2f: {  	[sflag:s7] =	ssyncadd.s32 $0xFFFE8000  }
0x30: {  	v3 =	vld [tilespmem:$0x0];
	_ =	sdelay $0x4  }
0x31: {  	v4 =	vshrl.u32 v3, $0x3  }
0x32: {  	v4 =	vmul.u32 $0x30, v4  }
0x33: {  	v3 =	vand.u32 $0x7, v3  }
0x34: {  	v3 =	vor.u32 v3, v4  }
0x35: {  	v4 =	vperm.xlane v3, v0;
	_ =	sdelay $0x1  }
0x36: {  	v4 =	vadd.s32 v1, v4;
	_ =	sdelay $0x3  }
0x37: {  	v3 =	vperm.xlane v3, v2  }
0x38: {  	[hbm4b:s3+s2] =	stream.indirect_vreg.scatter [tilespmem:s8], [sflag:$0x1], $0x80, v4, vm0, $0xb8;
	[tilespmem:$0x18080] =	vst v63  }
0x39: {  	s0 =	rddreg [dreg:$0x4];
	v3 =	vadd.s32 v1, v3  }
0x3a: {  	[hbm4b:s4+s2] =	stream.indirect_vreg.scatter [tilespmem:s0], [sflag:$0x1], $0x80, v4, vm0, $0xb8;
	[tilespmem:$0x18080] =	vst v63  }
0x3b: {  	s9 =	rddreg [dreg:$0x5]  }
0x3c: {  	[hbm4b:s5+s2] =	stream.indirect_vreg.scatter [tilespmem:s9], [sflag:$0x1], $0x80, v4, vm0, $0xb8;
	[tilespmem:$0x18080] =	vst v63  }
0x3d: {  	s0 =	rddreg [dreg:$0x6]  }
0x3e: {  	[hbm4b:s3+s2] =	stream.indirect_vreg.scatter [tilespmem:s0], [sflag:$0x1], $0x80, v3, vm0, $0xb8;
	[tilespmem:$0x18080] =	vst v63  }
0x3f: {  	s9 =	rddreg [dreg:$0x7]  }
0x40: {  	[hbm4b:s4+s2] =	stream.indirect_vreg.scatter [tilespmem:s9], [sflag:$0x1], $0x80, v3, vm0, $0xb8;
	[tilespmem:$0x18080] =	vst v63  }
0x41: {  	s0 =	rddreg [dreg:$0x8]  }
0x42: {  	[hbm4b:s5+s2] =	stream.indirect_vreg.scatter [tilespmem:s0], [sflag:$0x1], $0x80, v3, vm0, $0xb8;
	[tilespmem:$0x18080] =	vst v63  }
0x43: {  	v3 =	vld [tilespmem:$0x10];
	_ =	sdelay $0x4  }
0x44: {  	v57 =	vshrl.u32 v3, $0x3  }
0x45: {  	v4 =	vmul.u32 $0x30, v57  }
0x46: {  	v3 =	vand.u32 $0x7, v3  }
0x47: {  	v3 =	vor.u32 v3, v4  }
0x48: {  	v4 =	vperm.xlane v3, v0;
	_ =	sdelay $0x1  }
0x49: {  	v4 =	vadd.s32 v1, v4;
	_ =	sdelay $0x3  }
0x4a: {  	s0 =	rddreg [dreg:$0x9];
	v3 =	vperm.xlane v3, v2  }
0x4b: {  	[hbm4b:s3+s2] =	stream.indirect_vreg.scatter [tilespmem:s0], [sflag:$0x1], $0x80, v4, vm0, $0xb8;
	[tilespmem:$0x18080] =	vst v63  }
0x4c: {  	s9 =	rddreg [dreg:$0xa];
	v3 =	vadd.s32 v1, v3  }
0x4d: {  	[hbm4b:s4+s2] =	stream.indirect_vreg.scatter [tilespmem:s9], [sflag:$0x1], $0x80, v4, vm0, $0xb8;
	[tilespmem:$0x18080] =	vst v63  }
0x4e: {  	s0 =	rddreg [dreg:$0xb]  }
0x4f: {  	[hbm4b:s5+s2] =	stream.indirect_vreg.scatter [tilespmem:s0], [sflag:$0x1], $0x80, v4, vm0, $0xb8;
	[tilespmem:$0x18080] =	vst v63  }
0x50: {  	s9 =	rddreg [dreg:$0xc]  }
0x51: {  	[hbm4b:s3+s2] =	stream.indirect_vreg.scatter [tilespmem:s9], [sflag:$0x1], $0x80, v3, vm0, $0xb8;
	[tilespmem:$0x18080] =	vst v63  }
0x52: {  	s0 =	rddreg [dreg:$0xd]  }
0x53: {  	[hbm4b:s4+s2] =	stream.indirect_vreg.scatter [tilespmem:s0], [sflag:$0x1], $0x80, v3, vm0, $0xb8;
	[tilespmem:$0x18080] =	vst v63  }
0x54: {  	s9 =	rddreg [dreg:$0xe]  }
0x55: {  	[hbm4b:s5+s2] =	stream.indirect_vreg.scatter [tilespmem:s9], [sflag:$0x1], $0x80, v3, vm0, $0xb8;
	[tilespmem:$0x18080] =	vst v63  }
0x56: {  	v3 =	vld [tilespmem:$0x20];
	_ =	sdelay $0x4  }
0x57: {  	v58 =	vshrl.u32 v3, $0x3  }
0x58: {  	v4 =	vmul.u32 $0x30, v58  }
0x59: {  	v3 =	vand.u32 $0x7, v3  }
0x5a: {  	v3 =	vor.u32 v3, v4  }
0x5b: {  	v4 =	vperm.xlane v3, v0;
	_ =	sdelay $0x1  }
0x5c: {  	v4 =	vadd.s32 v1, v4;
	_ =	sdelay $0x3  }
0x5d: {  	s0 =	rddreg [dreg:$0xf];
	v3 =	vperm.xlane v3, v2  }
0x5e: {  	[hbm4b:s3+s2] =	stream.indirect_vreg.scatter [tilespmem:s0], [sflag:$0x1], $0x80, v4, vm0, $0xb8;
	[tilespmem:$0x18080] =	vst v63  }
0x5f: {  	s9 =	rddreg [dreg:$0x10];
	v3 =	vadd.s32 v1, v3  }
0x60: {  	[hbm4b:s4+s2] =	stream.indirect_vreg.scatter [tilespmem:s9], [sflag:$0x1], $0x80, v4, vm0, $0xb8;
	[tilespmem:$0x18080] =	vst v63  }
0x61: {  	s0 =	rddreg [dreg:$0x11]  }
0x62: {  	[hbm4b:s5+s2] =	stream.indirect_vreg.scatter [tilespmem:s0], [sflag:$0x1], $0x80, v4, vm0, $0xb8;
	[tilespmem:$0x18080] =	vst v63  }
0x63: {  	s9 =	rddreg [dreg:$0x12]  }
0x64: {  	[hbm4b:s3+s2] =	stream.indirect_vreg.scatter [tilespmem:s9], [sflag:$0x1], $0x80, v3, vm0, $0xb8;
	[tilespmem:$0x18080] =	vst v63  }
0x65: {  	s0 =	rddreg [dreg:$0x13]  }
0x66: {  	[hbm4b:s4+s2] =	stream.indirect_vreg.scatter [tilespmem:s0], [sflag:$0x1], $0x80, v3, vm0, $0xb8;
	[tilespmem:$0x18080] =	vst v63  }
0x67: {  	s9 =	rddreg [dreg:$0x14]  }
0x68: {  	[hbm4b:s5+s2] =	stream.indirect_vreg.scatter [tilespmem:s9], [sflag:$0x1], $0x80, v3, vm0, $0xb8;
	[tilespmem:$0x18080] =	vst v63  }
0x69: {  	v3 =	vld [tilespmem:$0x30];
	_ =	sdelay $0x4  }
0x6a: {  	v59 =	vshrl.u32 v3, $0x3  }
0x6b: {  	v4 =	vmul.u32 $0x30, v59  }
0x6c: {  	v3 =	vand.u32 $0x7, v3  }
0x6d: {  	v3 =	vor.u32 v3, v4  }
0x6e: {  	v4 =	vperm.xlane v3, v0;
	_ =	sdelay $0x1  }
0x6f: {  	v4 =	vadd.s32 v1, v4;
	_ =	sdelay $0x3  }
0x70: {  	s0 =	rddreg [dreg:$0x15];
	v3 =	vperm.xlane v3, v2  }
0x71: {  	[hbm4b:s3+s2] =	stream.indirect_vreg.scatter [tilespmem:s0], [sflag:$0x1], $0x80, v4, vm0, $0xb8;
	[tilespmem:$0x18080] =	vst v63  }
0x72: {  	s9 =	rddreg [dreg:$0x16];
	v3 =	vadd.s32 v1, v3  }
0x73: {  	[hbm4b:s4+s2] =	stream.indirect_vreg.scatter [tilespmem:s9], [sflag:$0x1], $0x80, v4, vm0, $0xb8;
	[tilespmem:$0x18080] =	vst v63  }
0x74: {  	s0 =	rddreg [dreg:$0x17]  }
0x75: {  	[hbm4b:s5+s2] =	stream.indirect_vreg.scatter [tilespmem:s0], [sflag:$0x1], $0x80, v4, vm0, $0xb8;
	[tilespmem:$0x18080] =	vst v63  }
0x76: {  	s9 =	rddreg [dreg:$0x18]  }
0x77: {  	[hbm4b:s3+s2] =	stream.indirect_vreg.scatter [tilespmem:s9], [sflag:$0x1], $0x80, v3, vm0, $0xb8;
	[tilespmem:$0x18080] =	vst v63  }
0x78: {  	s0 =	rddreg [dreg:$0x19]  }
0x79: {  	[hbm4b:s4+s2] =	stream.indirect_vreg.scatter [tilespmem:s0], [sflag:$0x1], $0x80, v3, vm0, $0xb8;
	[tilespmem:$0x18080] =	vst v63  }
0x7a: {  	s9 =	rddreg [dreg:$0x1a]  }
0x7b: {  	[hbm4b:s5+s2] =	stream.indirect_vreg.scatter [tilespmem:s9], [sflag:$0x1], $0x80, v3, vm0, $0xb8;
	[tilespmem:$0x18080] =	vst v63  }
0x7c: {  	v3 =	vld [tilespmem:$0x40];
	_ =	sdelay $0x4  }
0x7d: {  	v60 =	vshrl.u32 v3, $0x3  }
0x7e: {  	v4 =	vmul.u32 $0x30, v60  }
0x7f: {  	v3 =	vand.u32 $0x7, v3  }
0x80: {  	v3 =	vor.u32 v3, v4  }
0x81: {  	v4 =	vperm.xlane v3, v0;
	_ =	sdelay $0x1  }
0x82: {  	v4 =	vadd.s32 v1, v4;
	_ =	sdelay $0x3  }
0x83: {  	s0 =	rddreg [dreg:$0x1b];
	v3 =	vperm.xlane v3, v2  }
0x84: {  	[hbm4b:s3+s2] =	stream.indirect_vreg.scatter [tilespmem:s0], [sflag:$0x1], $0x80, v4, vm0, $0xb8;
	[tilespmem:$0x18080] =	vst v63  }
0x85: {  	s9 =	rddreg [dreg:$0x1c];
	v3 =	vadd.s32 v1, v3  }
0x86: {  	[hbm4b:s4+s2] =	stream.indirect_vreg.scatter [tilespmem:s9], [sflag:$0x1], $0x80, v4, vm0, $0xb8;
	[tilespmem:$0x18080] =	vst v63  }
0x87: {  	s9 =	simm.s32 $0xD080  }
0x88: {  	[hbm4b:s5+s2] =	stream.indirect_vreg.scatter [tilespmem:s9], [sflag:$0x1], $0x80, v4, vm0, $0xb8;
	[tilespmem:$0x18080] =	vst v63  }
0x89: {  	_ = 	snop  }
0x8a: {  	[hbm4b:s3+s2] =	stream.indirect_vreg.scatter [tilespmem:s10], [sflag:$0x1], $0x80, v3, vm0, $0xb8;
	[tilespmem:$0x18080] =	vst v63  }
0x8b: {  	_ = 	snop  }
0x8c: {  	[hbm4b:s4+s2] =	stream.indirect_vreg.scatter [tilespmem:s11], [sflag:$0x1], $0x80, v3, vm0, $0xb8;
	[tilespmem:$0x18080] =	vst v63  }
0x8d: {  	_ = 	snop  }
0x8e: {  	[hbm4b:s5+s2] =	stream.indirect_vreg.scatter [tilespmem:s12], [sflag:$0x1], $0x80, v3, vm0, $0xb8;
	[tilespmem:$0x18080] =	vst v63  }
0x8f: {  	v3 =	vld [tilespmem:$0x50];
	_ =	sdelay $0x4  }
0x90: {  	v61 =	vshrl.u32 v3, $0x3  }
0x91: {  	v4 =	vmul.u32 $0x30, v61  }
0x92: {  	v3 =	vand.u32 $0x7, v3  }
0x93: {  	v3 =	vor.u32 v3, v4  }
0x94: {  	v4 =	vperm.xlane v3, v0;
	_ =	sdelay $0x1  }
0x95: {  	v4 =	vadd.s32 v1, v4;
	_ =	sdelay $0x3  }
0x96: {  	v3 =	vperm.xlane v3, v2  }
0x97: {  	[hbm4b:s3+s2] =	stream.indirect_vreg.scatter [tilespmem:s13], [sflag:$0x1], $0x80, v4, vm0, $0xb8;
	[tilespmem:$0x18080] =	vst v63  }
0x98: {  	v3 =	vadd.s32 v1, v3  }
0x99: {  	[hbm4b:s4+s2] =	stream.indirect_vreg.scatter [tilespmem:s14], [sflag:$0x1], $0x80, v4, vm0, $0xb8;
	[tilespmem:$0x18080] =	vst v63  }
0x9a: {  	_ = 	snop  }
0x9b: {  	[hbm4b:s5+s2] =	stream.indirect_vreg.scatter [tilespmem:s15], [sflag:$0x1], $0x80, v4, vm0, $0xb8;
	[tilespmem:$0x18080] =	vst v63  }
0x9c: {  	_ = 	snop  }
0x9d: {  	[hbm4b:s3+s2] =	stream.indirect_vreg.scatter [tilespmem:s16], [sflag:$0x1], $0x80, v3, vm0, $0xb8;
	[tilespmem:$0x18080] =	vst v63  }
0x9e: {  	_ = 	snop  }
0x9f: {  	[hbm4b:s4+s2] =	stream.indirect_vreg.scatter [tilespmem:s17], [sflag:$0x1], $0x80, v3, vm0, $0xb8;
	[tilespmem:$0x18080] =	vst v63  }
0xa0: {  	_ = 	snop  }
0xa1: {  	[hbm4b:s5+s2] =	stream.indirect_vreg.scatter [tilespmem:s18], [sflag:$0x1], $0x80, v3, vm0, $0xb8;
	[tilespmem:$0x18080] =	vst v63  }
0xa2: {  	v3 =	vld [tilespmem:$0x60];
	_ =	sdelay $0x4  }
0xa3: {  	v62 =	vshrl.u32 v3, $0x3  }
0xa4: {  	v4 =	vmul.u32 $0x30, v62  }
0xa5: {  	v3 =	vand.u32 $0x7, v3  }
0xa6: {  	v3 =	vor.u32 v3, v4  }
0xa7: {  	v4 =	vperm.xlane v3, v0;
	_ =	sdelay $0x1  }
0xa8: {  	v4 =	vadd.s32 v1, v4;
	_ =	sdelay $0x3  }
0xa9: {  	v3 =	vperm.xlane v3, v2  }
0xaa: {  	[hbm4b:s3+s2] =	stream.indirect_vreg.scatter [tilespmem:s19], [sflag:$0x1], $0x80, v4, vm0, $0xb8;
	[tilespmem:$0x18080] =	vst v63  }
0xab: {  	v3 =	vadd.s32 v1, v3  }
0xac: {  	[hbm4b:s4+s2] =	stream.indirect_vreg.scatter [tilespmem:s20], [sflag:$0x1], $0x80, v4, vm0, $0xb8;
	[tilespmem:$0x18080] =	vst v63  }
0xad: {  	_ = 	snop  }
0xae: {  	[hbm4b:s5+s2] =	stream.indirect_vreg.scatter [tilespmem:s21], [sflag:$0x1], $0x80, v4, vm0, $0xb8;
	[tilespmem:$0x18080] =	vst v63  }
0xaf: {  	_ = 	snop  }
0xb0: {  	[hbm4b:s3+s2] =	stream.indirect_vreg.scatter [tilespmem:s22], [sflag:$0x1], $0x80, v3, vm0, $0xb8;
	[tilespmem:$0x18080] =	vst v63  }
0xb1: {  	_ = 	snop  }
0xb2: {  	[hbm4b:s4+s2] =	stream.indirect_vreg.scatter [tilespmem:s23], [sflag:$0x1], $0x80, v3, vm0, $0xb8;
	[tilespmem:$0x18080] =	vst v63  }
0xb3: {  	_ = 	snop  }
0xb4: {  	[hbm4b:s5+s2] =	stream.indirect_vreg.scatter [tilespmem:s24], [sflag:$0x1], $0x80, v3, vm0, $0xb8;
	[tilespmem:$0x18080] =	vst v63  }
0xb5: {  	v3 =	vld [tilespmem:$0x70];
	_ =	sdelay $0x4  }
0xb6: {  	v63 =	vshrl.u32 v3, $0x3  }
0xb7: {  	v4 =	vmul.u32 $0x30, v63  }
0xb8: {  	v3 =	vand.u32 $0x7, v3  }
0xb9: {  	v3 =	vor.u32 v3, v4  }
0xba: {  	v4 =	vperm.xlane v3, v0;
	_ =	sdelay $0x1  }
0xbb: {  	v4 =	vadd.s32 v1, v4;
	_ =	sdelay $0x3  }
0xbc: {  	v3 =	vperm.xlane v3, v2  }
0xbd: {  	[hbm4b:s3+s2] =	stream.indirect_vreg.scatter [tilespmem:s25], [sflag:$0x1], $0x80, v4, vm0, $0xb8;
	[tilespmem:$0x18080] =	vst v63  }
0xbe: {  	v3 =	vadd.s32 v1, v3  }
0xbf: {  	[hbm4b:s4+s2] =	stream.indirect_vreg.scatter [tilespmem:s26], [sflag:$0x1], $0x80, v4, vm0, $0xb8;
	[tilespmem:$0x18080] =	vst v63  }
0xc0: {  	_ = 	snop  }
0xc1: {  	[hbm4b:s5+s2] =	stream.indirect_vreg.scatter [tilespmem:s28], [sflag:$0x1], $0x80, v4, vm0, $0xb8;
	[tilespmem:$0x18080] =	vst v63  }
0xc2: {  	_ = 	snop  }
0xc3: {  	[hbm4b:s3+s2] =	stream.indirect_vreg.scatter [tilespmem:s29], [sflag:$0x1], $0x80, v3, vm0, $0xb8;
	[tilespmem:$0x18080] =	vst v63  }
0xc4: {  	p0 =	sne.s32 s6, $0x1  }
0xc5: {  	[hbm4b:s4+s2] =	stream.indirect_vreg.scatter [tilespmem:s30], [sflag:$0x1], $0x80, v3, vm0, $0xb8;
	[tilespmem:$0x18080] =	vst v63  }
.Ltmp0:
0xc6: {  	_ = 	snop;
	(pc) =	sbr.rel @p0 .LBB2_1-.Ltmp0, $4  }
0xc7: {  	[hbm4b:s5+s2] =	stream.indirect_vreg.scatter [tilespmem:s31], [sflag:$0x1], $0x80, v3, vm0, $0xb8;
	[tilespmem:$0x18080] =	vst v63  }
0xc8: {  	_ =	swait.ge [sflag:s1], $0x18000  }
0xc9: {  	[sflag:s1] =	ssyncset.done $0x0  }
0xca: {  	s6 =	sadd.s32 $0xFFFFFFFF, s6;
	[sflag:s1] =	ssyncadd.s32 $0xFFFE8000  }
0xcb: {  	_ =	sfence.sel $0x180000  }
0xcc: {  	[bflag:$0x0] =	sbarrier.arrive $0xFFFF  }
0xcd: {  	_ =	strace $0x90000047  }
0xce: {  	s0 =	stileid.u32;
	[bflag:$0x2] =	sbarrier.arrive $0xFFFF  }
0xcf: {  	p0 =	sne.s32 s0, $0x0;
	s0 =	rddreg [dreg:$0x1]  }
0xd0: {  	s0 =	sadd.s32 @!p0 $0x100000, s0  }
0xd1: {  	[sflag:s0] =	ssyncadd.tile.s32 @!p0 $0x1;
	_ =	shalt  }
.Lfunc_end2:
_tile_overlayer_lowered:
.L_overlay_start_2:
0xd2: {  	(tag) =	ssettag $0x2  }
0xd3: {  	s0 =	rddreg [dreg:$0x0];
	s2 =	stileid.u32  }
0xd4: {  	s1 =	rddreg [dreg:$0x1];
	p0 =	sne.s32 s2, $0x0  }
0xd5: {  	s3 =	rddreg [dreg:$0x2];
	[bflag:$0x3] =	sbarrier.arrive $0xFFFF;
	s2 =	simm.s32 @!p0 $0x1C02  }
0xd6: {  	[timem:s3], [sflag:s2] =	dma.local @!p0 [hbm:s0], s1  }
0xd7: {  	s0 =	simm.s32 @!p0 $0x2  }
0xd8: {  	_ =	swait.ge @!p0 [sflag:s0], s1  }
0xd9: {  	s1 =	ssub.s32 @!p0 $0x0, s1;
	[sflag:s0] =	ssyncset.done @!p0 $0x0  }
0xda: {  	[sflag:s0] =	ssyncadd.s32 @!p0 s1  }
0xdb: {  	[bflag:$0x3] =	sbarrier.arrive $0xFFFF  }
0xdc: {  	_ =	shalt  }

// kernel: kernel.13.cloned.1.call-start
scs
__scs_entry_jumppad:
0x0: {  	(pc) =	sbr.rel $0x88, $3  }
0x1: {  	(tag) =	ssettag $0x0;
	lr =	simm.s32 $0x1  }
0x2: {  	[smem:$0x3F93] =	sst lr;
	_ =	strace $0xD0000000  }
0x3: {  	_ = 	snop  }
0x4: {  	_ = 	snop  }
0x5: {  	_ = 	snop  }
0x6: {  	_ = 	snop  }
0x7: {  	_ = 	snop  }
__scs_overlays_trampoline_lowered:
0x8: {  	[smem:$0x3FA2] =	sst s0  }
0x9: {  	[smem:$0x3FA3] =	sst s1  }
0xa: {  	[smem:$0x3FA4] =	sst s2  }
0xb: {  	[smem:$0x3FA5] =	sst s3  }
0xc: {  	[smem:$0x3FA6] =	sst s4  }
0xd: {  	[smem:$0x3FA7] =	sst s5  }
0xe: {  	[smem:$0x3FA8] =	sst s6  }
0xf: {  	[smem:$0x3FA9] =	sst s7  }
0x10: {  	[smem:$0x3FAA] =	sst s8  }
0x11: {  	[smem:$0x3FAB] =	sst s9;
	s0 =	simm.s32 @!p0 $0x0  }
0x12: {  	s1 =	sld [smem:$0x3F91];
	s0 =	simm.s32 @p0 $0x1  }
0x13: {  	[smem:$0x3FAC] =	sst s0;
	s0 =	simm.s32 @!p1 $0x0  }
0x14: {  	s2 =	sld [smem:$0x3F90];
	s0 =	simm.s32 @p1 $0x1  }
0x15: {  	[smem:$0x3FAD] =	sst s0;
	s0 =	simm.s32 @!p2 $0x0  }
0x16: {  	s3 =	sld [smem:$0x3FDB];
	s0 =	simm.s32 @p2 $0x1  }
0x17: {  	s4 =	simm.s32 $0x1BF5;
	[smem:$0x3FAF] =	sst s0  }
0x18: {  	s0 =	sld [smem:$0x3F92];
	_ =	swait.ge [sflag:s4], $0x0  }
0x19: {  	s7 =	sld [smem:$0x3F93]  }
0x1a: {  	s8 =	sadd.s32 $0xFFFFE003, lr  }
0x1b: {  	s9 =	sadd.s32 $0xFFFFFEF7, lr;
	s5 =	simm.s32 $0xFFFFFFFF;
	p2 =	slt.u32 s8, $0xFFFFF086  }
0x1c: {  	p1 =	slt.u32 s9, $0xF7A;
	s5 =	simm.s32 @!p2 $0x0  }
0x1d: {  	s5 =	simm.s32 @p1 $0x1;
	p0 =	seq.s32 s7, s2  }
0x1e: {  	s7 =	smul.u32 @!p0 $0xF7A, s2;
	p2 =	seq.s32 @!p0 s5, $0x0  }
0x1f: {  	s9 =	smul.u32 $0xF7A, s1;
	s8 =	simm.s32 @!p0 $0x1BF5;
	p2 =	por !p2, p0  }
0x20: {  	[sflag:s8] =	ssyncset.s32 @!p0 $0xFFFFF086;
	s6 =	sadd.s32 @!p0 s3, s7;
	s7 =	simm.s32 @!p0 $0x108  }
0x21: {  	s3 =	sadd.s32 s3, s9;
	s6 =	sadd.s32 @!p0 $0x88, s6;
	s7 =	simm.s32 @p2 $0x1082  }
0x22: {  	[simem:s7], [sflag:s8] =	dma.local @!p0 [hbm:s6], $0xF7A  }
0x23: {  	s9 =	sor.u32 $0xD0000000, s2;
	s6 =	simm.s32 $0x108;
	_ =	swait.ge @!p0 [sflag:s8], $0x0  }
0x24: {  	s3 =	sadd.s32 $0x88, s3;
	s6 =	simm.s32 @!p1 $0x1082;
	[sflag:s4] =	ssyncset.s32 $0xFFFFF086  }
0x25: {  	[simem:s6], [sflag:s4] =	dma.local [hbm:s3], $0xF7A  }
0x26: {  	[smem:$0x3F93] =	sst s1;
	(tag) =	ssettag s2;
	_ =	strace s9  }
0x27: {  	s1 =	sld [smem:$0x3FA3]  }
0x28: {  	s2 =	sld [smem:$0x3FA4]  }
0x29: {  	s4 =	sld [smem:$0x3FA6]  }
0x2a: {  	p0 =	seq.s32 s5, $0x0;
	s5 =	sld [smem:$0x3FA7]  }
0x2b: {  	s6 =	sld [smem:$0x3FA8]  }
0x2c: {  	s7 =	sld [smem:$0x3FA9]  }
0x2d: {  	s3 =	simm.s32 $0x108;
	s8 =	sld [smem:$0x3FAA]  }
0x2e: {  	s3 =	simm.s32 @!p0 $0x1082;
	s9 =	sld [smem:$0x3FAB]  }
0x2f: {  	lr =	sadd.s32 s0, s3;
	s0 =	sld [smem:$0x3FA2]  }
0x30: {  	s3 =	sld [smem:$0x3FA5]  }
0x31: {  	[smem:$0x3FAE] =	sst s10  }
0x32: {  	s10 =	sld [smem:$0x3FAC];
	_ =	sdelay $0x3  }
0x33: {  	p0 =	seq.s32 s10, $0x1;
	s10 =	sld [smem:$0x3FAE];
	_ =	sdelay $0x3  }
0x34: {  	[smem:$0x3FAE] =	sst s10  }
0x35: {  	s10 =	sld [smem:$0x3FAD];
	_ =	sdelay $0x3  }
0x36: {  	p1 =	seq.s32 s10, $0x1;
	s10 =	sld [smem:$0x3FAE];
	_ =	sdelay $0x3  }
0x37: {  	[smem:$0x3FAE] =	sst s10  }
0x38: {  	s10 =	sld [smem:$0x3FAF]  }
0x39: {  	_ = 	snop;
	(pc) =	sbr.ind lr, $3  }
0x3a: {  	_ = 	snop  }
0x3b: {  	_ = 	snop  }
0x3c: {  	p2 =	seq.s32 s10, $0x1;
	s10 =	sld [smem:$0x3FAE]  }
0x3d: {  	_ =	shalt  }
0x3e: {  	_ =	shalt  }
0x3f: {  	_ =	shalt  }
0x40: {  	_ =	shalt  }
0x41: {  	_ =	shalt  }
0x42: {  	_ =	shalt  }
0x43: {  	_ =	shalt  }
0x44: {  	_ =	shalt  }
0x45: {  	_ =	shalt  }
0x46: {  	_ =	shalt  }
0x47: {  	_ =	shalt  }
0x48: {  	_ =	shalt  }
0x49: {  	_ =	shalt  }
0x4a: {  	_ =	shalt  }
0x4b: {  	_ =	shalt  }
0x4c: {  	_ =	shalt  }
0x4d: {  	_ =	shalt  }
0x4e: {  	_ =	shalt  }
0x4f: {  	_ =	shalt  }
0x50: {  	_ =	shalt  }
0x51: {  	_ =	shalt  }
0x52: {  	_ =	shalt  }
0x53: {  	_ =	shalt  }
0x54: {  	_ =	shalt  }
0x55: {  	_ =	shalt  }
0x56: {  	_ =	shalt  }
0x57: {  	_ =	shalt  }
0x58: {  	_ =	shalt  }
0x59: {  	_ =	shalt  }
0x5a: {  	_ =	shalt  }
0x5b: {  	_ =	shalt  }
0x5c: {  	_ =	shalt  }
0x5d: {  	_ =	shalt  }
0x5e: {  	_ =	shalt  }
0x5f: {  	_ =	shalt  }
0x60: {  	_ =	shalt  }
0x61: {  	_ =	shalt  }
0x62: {  	_ =	shalt  }
0x63: {  	_ =	shalt  }
0x64: {  	_ =	shalt  }
0x65: {  	_ =	shalt  }
0x66: {  	_ =	shalt  }
0x67: {  	_ =	shalt  }
0x68: {  	_ =	shalt  }
0x69: {  	_ =	shalt  }
0x6a: {  	_ =	shalt  }
0x6b: {  	_ =	shalt  }
0x6c: {  	_ =	shalt  }
0x6d: {  	_ =	shalt  }
0x6e: {  	_ =	shalt  }
0x6f: {  	_ =	shalt  }
0x70: {  	_ =	shalt  }
0x71: {  	_ =	shalt  }
0x72: {  	_ =	shalt  }
0x73: {  	_ =	shalt  }
0x74: {  	_ =	shalt  }
0x75: {  	_ =	shalt  }
0x76: {  	_ =	shalt  }
0x77: {  	_ =	shalt  }
0x78: {  	_ =	shalt  }
0x79: {  	_ =	shalt  }
0x7a: {  	_ =	shalt  }
0x7b: {  	_ =	shalt  }
0x7c: {  	_ =	shalt  }
0x7d: {  	_ =	shalt  }
0x7e: {  	_ =	shalt  }
0x7f: {  	_ =	shalt  }
0x80: {  	_ =	shalt  }
0x81: {  	_ =	shalt  }
0x82: {  	_ =	shalt  }
0x83: {  	_ =	shalt  }
0x84: {  	_ =	shalt  }
0x85: {  	_ =	shalt  }
0x86: {  	_ =	shalt  }
0x87: {  	_ =	shalt  }
.Lfunc_end0:
.L_simem_size_0:
called_computation.1_lowered:
.L_overlay_start_0:
0x88: {  	s2 =	sld [smem:$0x3FD9]  }
0x89: {  	s3 =	sld [smem:$0x3FFE];
	_ =	sdelay $0x1  }
0x8a: {  	s1 =	srdreg.scid  }
0x8b: {  	s0 =	sand.u32 $0x1, s1  }
0x8c: {  	s16 =	sshll.u32 s0, $0xA;
	s2 =	sadd.s32 s3, s2  }
0x8d: {  	s2 =	sadd.s32 s2, s16  }
0x8e: {  	[smem:$0x3FBA] =	sst s2  }
0x8f: {  	_ = 	snop  }
0x90: {  	(tm) =	ssettm $0x1  }
0x91: {  	s17 =	sld [smem:$0x3FFB];
	_ =	sdelay $0x3  }
0x92: {  	_ =	strace s17  }
0x93: {  	s2 =	sld [smem:$0x3FFC];
	_ =	sdelay $0x3  }
0x94: {  	_ =	strace s2  }
0x95: {  	s2 =	sld [smem:$0x3FFD];
	_ =	sdelay $0x3  }
0x96: {  	_ =	strace s2  }
0x97: {  	_ =	strace $0x8FFFFFFF  }
0x98: {  	s18 =	sld [smem:$0x3FDB];
	_ =	sdelay $0x1  }
0x99: {  	s19 =	simm.s32 $_scs_section_size  }
0x9a: {  	s4 =	simm.s32 $_size__tile_overlayer_lowered;
	s5 =	simm.s32 $_tile_overlayer_lowered  }
0x9b: {  	s22 =	simm.s32 $0x1BFF;
	s21 =	sshll.u32 s5, $0x1;
	s2 =	sadd.s32 s19, s18  }
0x9c: {  	s6 =	simm.s32 $0x0;
	s20 =	sshll.u32 s4, $0x1;
	s4 =	sadd.s32 s21, s2  }
0x9d: {  	[timem:s6], [sflag:s22] =	dma.local [hbm:s4], s20  }
0x9e: {  	_ =	swait.ge [sflag:s22], s20  }
0x9f: {  	s3 =	ssub.s32 $0x0, s20;
	[sflag:s22] =	ssyncset.done $0x0  }
0xa0: {  	[sflag:s22] =	ssyncadd.s32 s3;
	_ =	sdelay $0x1  }
0xa1: {  	s23 =	simm.s32 $0x1B8B  }
0xa2: {  	_ =	swait.ge [sflag:s23], $0x1  }
0xa3: {  	[sflag:s23] =	ssyncset.done $0x0  }
0xa4: {  	s25 =	simm.s32 $0x1B8E;
	s24 =	sld [smem:$0x3FFE];
	[sflag:s23] =	ssyncadd.s32 $0xFFFFFFFF  }
0xa5: {  	s26 =	simm.s32 $execute0_lowered;
	[smem:$0x3FD2] =	sst s25  }
0xa6: {  	s4 =	sshll.u32 s26, $0x1;
	_ =	strace $0x80000049;
	[dreg:$0x1] =	wrdreg $0xFFFFFFFF  }
0xa7: {  	s28 =	simm.s32 $_size_execute0_lowered;
	s2 =	sadd.s32 s2, s4;
	[dreg:$0x0] =	wrdreg $0x0  }
0xa8: {  	s4 =	sshll.u32 s28, $0x1;
	[dreg:$0x2] =	wrdreg s2  }
0xa9: {  	[dreg:$0x3] =	wrdreg s4  }
0xaa: {  	[dreg:$0x4] =	wrdreg $0xC0  }
0xab: {  	_ =	task [dreg:s6], $0x5FFFF  }
0xac: {  	[dreg:$0x1] =	wrdreg $0xFFFFFFFF  }
0xad: {  	[dreg:$0x0] =	wrdreg $0x60  }
0xae: {  	[dreg:$0x2] =	wrdreg s24  }
0xaf: {  	[dreg:$0x3] =	wrdreg $0x9  }
0xb0: {  	_ =	task.clear_ibuf [dreg:s6], $0x4FFFF;
	_ =	strace $0x90000049  }
0xb1: {  	s29 =	simm.s32 $0x9;
	_ =	strace $0x8000004B  }
0xb2: {  	_ =	swait.ge [sflag:s29], $0x1  }
0xb3: {  	[sflag:s29] =	ssyncadd.s32 $0xFFFFFFFF  }
0xb4: {  	_ =	strace $0x9000004B  }
0xb5: {  	_ =	sfence  }
0xb6: {  	s30 =	sld [smem:$0x0];
	_ =	sdelay $0x2  }
0xb7: {  	s31 =	sshll.u32 s1, $0xD;
	s1 =	sshrl.u32 s1, $0x2  }
0xb8: {  	s3 =	sand.u32 $0x4000, s31;
	s1 =	sadd.s32 s1, s30  }
0xb9: {  	s0 =	sor.u32 s3, s0;
	s1 =	sshll.u32 s1, $0x11  }
0xba: {  	s0 =	sor.u32 s1, s0  }
0xbb: {  	s0 =	sadd.s32 $0x8F2B, s0  }
0xbc: {  	[sflag:s0] =	ssyncadd.remote.s32 $0x1  }
0xbd: {  	_ =	sfence.sel $0xFFFF  }
0xbe: {  	[dreg:$0x0] =	wrdreg $0xFFFFFFFF;
	(pc) =	sbr.abs _section_cstart, $3  }
0xbf: {  	[dreg:$0x1] =	wrdreg $0xFFFFFFFF  }
0xc0: {  	_ =	task.clear_ibuf [dreg:s6], $0x2FFFF;
	_ =	strace $0x9FFFFFFF  }
0xc1: {  	(tm) =	ssettm $0x7FFFFFFF  }
tec
execute0_lowered:
.L_overlay_start_1:
0x0: {  	(tag) =	ssettag $0x1  }
0x1: {  	s1 =	srdreg.scid  }
0x2: {  	s0 =	stileid.u32;
	s1 =	sand.u32 $0x1, s1  }
0x3: {  	s2 =	sshll.u32 s0, $0x5;
	s3 =	sshll.u32 s1, $0x4  }
0x4: {  	s5 =	rddreg [dreg:$0x0];
	s3 =	sor.u32 s3, s2;
	s2 =	simm.s32 $0x0  }
0x5: {  	s26 =	simm.s32 $0x880;
	[smem:$0x7FF] =	sst s2  }
0x6: {  	s0 =	simm.s32 $0x1080;
	_ =	strace $0x8000004A;
	[dreg:$0x4] =	wrdreg s26  }
0x7: {  	s6 =	simm.s32 $0x2080;
	[dreg:$0x5] =	wrdreg s0  }
0x8: {  	s7 =	simm.s32 $0x2880;
	[dreg:$0x7] =	wrdreg s6  }
0x9: {  	s8 =	simm.s32 $0x3080;
	[dreg:$0x8] =	wrdreg s7  }
0xa: {  	s9 =	simm.s32 $0x3880;
	[dreg:$0x9] =	wrdreg s8  }
0xb: {  	s10 =	simm.s32 $0x4080;
	[dreg:$0xa] =	wrdreg s9  }
0xc: {  	s11 =	simm.s32 $0x4880;
	[dreg:$0xb] =	wrdreg s10  }
0xd: {  	s12 =	simm.s32 $0x5080;
	[dreg:$0xc] =	wrdreg s11  }
0xe: {  	s13 =	simm.s32 $0x5880;
	[dreg:$0xd] =	wrdreg s12  }
0xf: {  	s14 =	simm.s32 $0x6080;
	[dreg:$0xe] =	wrdreg s13  }
0x10: {  	s15 =	simm.s32 $0x6880;
	[dreg:$0xf] =	wrdreg s14  }
0x11: {  	s16 =	simm.s32 $0x7080;
	[dreg:$0x10] =	wrdreg s15  }
0x12: {  	s17 =	simm.s32 $0x7880;
	s18 =	simm.s32 $0x8080;
	[dreg:$0x11] =	wrdreg s16  }
0x13: {  	s19 =	simm.s32 $0x8880;
	s20 =	simm.s32 $0x9080;
	[dreg:$0x12] =	wrdreg s17  }
0x14: {  	s21 =	simm.s32 $0x9880;
	s22 =	simm.s32 $0xA080;
	[dreg:$0x13] =	wrdreg s18  }
0x15: {  	s23 =	simm.s32 $0xA880;
	s24 =	simm.s32 $0xB880;
	[dreg:$0x14] =	wrdreg s19  }
0x16: {  	s28 =	simm.s32 $0x16080;
	s29 =	simm.s32 $0x16880;
	[dreg:$0x15] =	wrdreg s20  }
0x17: {  	s30 =	simm.s32 $0x17080;
	s31 =	simm.s32 $0x17880;
	[dreg:$0x16] =	wrdreg s21  }
0x18: {  	s4 =	smul.u32 $0x300, s3;
	s3 =	sadd.s32 s3, s5;
	[dreg:$0x17] =	wrdreg s22  }
0x19: {  	s1 =	ssub.s32 $0x2, s1;
	s3 =	sadd.s32 $0x70E00, s3;
	[dreg:$0x18] =	wrdreg s23  }
0x1a: {  	s6 =	sshrl.u32 s1, $0x1;
	s7 =	simm.s32 $0xB080;
	[dreg:$0x1a] =	wrdreg s24  }
0x1b: {  	s8 =	simm.s32 $0x80;
	s26 =	simm.s32 $0xC880;
	s10 =	simm.s32 $0xD880  }
0x1c: {  	s11 =	simm.s32 $0xE080;
	s12 =	simm.s32 $0xE880;
	s13 =	simm.s32 $0xF080  }
0x1d: {  	s14 =	simm.s32 $0xF880;
	s15 =	simm.s32 $0x10080;
	s16 =	simm.s32 $0x10880  }
0x1e: {  	s17 =	simm.s32 $0x11080;
	s18 =	simm.s32 $0x11880;
	s19 =	simm.s32 $0x12080  }
0x1f: {  	s20 =	simm.s32 $0x12880;
	s21 =	simm.s32 $0x13080;
	s22 =	simm.s32 $0x13880  }
0x20: {  	s23 =	simm.s32 $0x14080;
	s24 =	simm.s32 $0x14880;
	[dreg:$0x2] =	wrdreg s3  }
0x21: {  	s4 =	sadd.s32 s4, s5;
	s3 =	sadd.s32 $0xE00, s5;
	[dreg:$0x19] =	wrdreg s7  }
0x22: {  	s1 =	ssub.s32 s1, s6;
	s7 =	simm.s32 $0x2;
	[dreg:$0x1c] =	wrdreg s26  }
0x23: {  	s26 =	simm.s32 $0x15880;
	s25 =	sadd.s32 $0x71000, s4;
	s4 =	simm.s32 $0x1880  }
0x24: {  	v2 =	vlaneseq.u32;
	s6 =	smax.u32 s1, $0x1;
	s1 =	simm.s32 $0x1;
	[dreg:$0x3] =	wrdreg s25  }
0x25: {  	vm0 =	vmmov $0xffff;
	v1 =	vshrl.u32 v2, $0x3;
	[dreg:$0x6] =	wrdreg s4;
	s4 =	sadd.s32 $0xF00, s5;
	s25 =	simm.s32 $0xC080  }
0x26: {  	v0 =	vand.u32 $0x7, v2;
	v2 =	vor.u32 $0x8, v2;
	v1 =	vmul.u32 $0x8, v1;
	s5 =	sadd.s32 $0x1000, s5;
	[dreg:$0x1b] =	wrdreg s25;
	s25 =	simm.s32 $0x15080  }
.LBB2_1:
0x27: {  	s0 =	rddreg [dreg:$0x2]  }
0x28: {  	[tilespmem:s2], [sflag:$0x2] =	stream.linear.gather [hbm4b:s0+s2], $0x80, $0x38;
	[tilespmem:$0x18080] =	vst v63  }
0x29: {  	_ =	swait.ge [sflag:s7], $0x80  }
0x2a: {  	[sflag:s7] =	ssyncset.done $0x0  }
0x2b: {  	[sflag:s7] =	ssyncadd.s32 $0xFFFFFF80  }
0x2c: {  	v3 =	vld [tilespmem:$0x0];
	_ =	sdelay $0x4  }
0x2d: {  	v4 =	vshrl.u32 v3, $0x3  }
0x2e: {  	v4 =	vmul.u32 $0x30, v4  }
0x2f: {  	v3 =	vand.u32 $0x7, v3  }
0x30: {  	v3 =	vor.u32 v3, v4  }
0x31: {  	v4 =	vperm.xlane v3, v0;
	_ =	sdelay $0x1  }
0x32: {  	v4 =	vadd.s32 v1, v4;
	_ =	sdelay $0x3  }
0x33: {  	v3 =	vperm.xlane v3, v2  }
0x34: {  	[tilespmem:s8], [sflag:$0x1] =	stream.indirect_vreg.gather [hbm4b:s3+s2], $0x80, v4, vm0, $0xb8;
	[tilespmem:$0x18080] =	vst v63  }
0x35: {  	s0 =	rddreg [dreg:$0x4];
	v3 =	vadd.s32 v1, v3  }
0x36: {  	[tilespmem:s0], [sflag:$0x1] =	stream.indirect_vreg.gather [hbm4b:s4+s2], $0x80, v4, vm0, $0xb8;
	[tilespmem:$0x18080] =	vst v63  }
0x37: {  	s9 =	rddreg [dreg:$0x5]  }
0x38: {  	[tilespmem:s9], [sflag:$0x1] =	stream.indirect_vreg.gather [hbm4b:s5+s2], $0x80, v4, vm0, $0xb8;
	[tilespmem:$0x18080] =	vst v63  }
0x39: {  	s0 =	rddreg [dreg:$0x6]  }
0x3a: {  	[tilespmem:s0], [sflag:$0x1] =	stream.indirect_vreg.gather [hbm4b:s3+s2], $0x80, v3, vm0, $0xb8;
	[tilespmem:$0x18080] =	vst v63  }
0x3b: {  	s9 =	rddreg [dreg:$0x7]  }
0x3c: {  	[tilespmem:s9], [sflag:$0x1] =	stream.indirect_vreg.gather [hbm4b:s4+s2], $0x80, v3, vm0, $0xb8;
	[tilespmem:$0x18080] =	vst v63  }
0x3d: {  	s0 =	rddreg [dreg:$0x8]  }
0x3e: {  	[tilespmem:s0], [sflag:$0x1] =	stream.indirect_vreg.gather [hbm4b:s5+s2], $0x80, v3, vm0, $0xb8;
	[tilespmem:$0x18080] =	vst v63  }
0x3f: {  	v3 =	vld [tilespmem:$0x10];
	_ =	sdelay $0x4  }
0x40: {  	v57 =	vshrl.u32 v3, $0x3  }
0x41: {  	v4 =	vmul.u32 $0x30, v57  }
0x42: {  	v3 =	vand.u32 $0x7, v3  }
0x43: {  	v3 =	vor.u32 v3, v4  }
0x44: {  	v4 =	vperm.xlane v3, v0;
	_ =	sdelay $0x1  }
0x45: {  	v4 =	vadd.s32 v1, v4;
	_ =	sdelay $0x3  }
0x46: {  	s0 =	rddreg [dreg:$0x9];
	v3 =	vperm.xlane v3, v2  }
0x47: {  	[tilespmem:s0], [sflag:$0x1] =	stream.indirect_vreg.gather [hbm4b:s3+s2], $0x80, v4, vm0, $0xb8;
	[tilespmem:$0x18080] =	vst v63  }
0x48: {  	s9 =	rddreg [dreg:$0xa];
	v3 =	vadd.s32 v1, v3  }
0x49: {  	[tilespmem:s9], [sflag:$0x1] =	stream.indirect_vreg.gather [hbm4b:s4+s2], $0x80, v4, vm0, $0xb8;
	[tilespmem:$0x18080] =	vst v63  }
0x4a: {  	s0 =	rddreg [dreg:$0xb]  }
0x4b: {  	[tilespmem:s0], [sflag:$0x1] =	stream.indirect_vreg.gather [hbm4b:s5+s2], $0x80, v4, vm0, $0xb8;
	[tilespmem:$0x18080] =	vst v63  }
0x4c: {  	s9 =	rddreg [dreg:$0xc]  }
0x4d: {  	[tilespmem:s9], [sflag:$0x1] =	stream.indirect_vreg.gather [hbm4b:s3+s2], $0x80, v3, vm0, $0xb8;
	[tilespmem:$0x18080] =	vst v63  }
0x4e: {  	s0 =	rddreg [dreg:$0xd]  }
0x4f: {  	[tilespmem:s0], [sflag:$0x1] =	stream.indirect_vreg.gather [hbm4b:s4+s2], $0x80, v3, vm0, $0xb8;
	[tilespmem:$0x18080] =	vst v63  }
0x50: {  	s9 =	rddreg [dreg:$0xe]  }
0x51: {  	[tilespmem:s9], [sflag:$0x1] =	stream.indirect_vreg.gather [hbm4b:s5+s2], $0x80, v3, vm0, $0xb8;
	[tilespmem:$0x18080] =	vst v63  }
0x52: {  	v3 =	vld [tilespmem:$0x20];
	_ =	sdelay $0x4  }
0x53: {  	v58 =	vshrl.u32 v3, $0x3  }
0x54: {  	v4 =	vmul.u32 $0x30, v58  }
0x55: {  	v3 =	vand.u32 $0x7, v3  }
0x56: {  	v3 =	vor.u32 v3, v4  }
0x57: {  	v4 =	vperm.xlane v3, v0;
	_ =	sdelay $0x1  }
0x58: {  	v4 =	vadd.s32 v1, v4;
	_ =	sdelay $0x3  }
0x59: {  	s0 =	rddreg [dreg:$0xf];
	v3 =	vperm.xlane v3, v2  }
0x5a: {  	[tilespmem:s0], [sflag:$0x1] =	stream.indirect_vreg.gather [hbm4b:s3+s2], $0x80, v4, vm0, $0xb8;
	[tilespmem:$0x18080] =	vst v63  }
0x5b: {  	s9 =	rddreg [dreg:$0x10];
	v3 =	vadd.s32 v1, v3  }
0x5c: {  	[tilespmem:s9], [sflag:$0x1] =	stream.indirect_vreg.gather [hbm4b:s4+s2], $0x80, v4, vm0, $0xb8;
	[tilespmem:$0x18080] =	vst v63  }
0x5d: {  	s0 =	rddreg [dreg:$0x11]  }
0x5e: {  	[tilespmem:s0], [sflag:$0x1] =	stream.indirect_vreg.gather [hbm4b:s5+s2], $0x80, v4, vm0, $0xb8;
	[tilespmem:$0x18080] =	vst v63  }
0x5f: {  	s9 =	rddreg [dreg:$0x12]  }
0x60: {  	[tilespmem:s9], [sflag:$0x1] =	stream.indirect_vreg.gather [hbm4b:s3+s2], $0x80, v3, vm0, $0xb8;
	[tilespmem:$0x18080] =	vst v63  }
0x61: {  	s0 =	rddreg [dreg:$0x13]  }
0x62: {  	[tilespmem:s0], [sflag:$0x1] =	stream.indirect_vreg.gather [hbm4b:s4+s2], $0x80, v3, vm0, $0xb8;
	[tilespmem:$0x18080] =	vst v63  }
0x63: {  	s9 =	rddreg [dreg:$0x14]  }
0x64: {  	[tilespmem:s9], [sflag:$0x1] =	stream.indirect_vreg.gather [hbm4b:s5+s2], $0x80, v3, vm0, $0xb8;
	[tilespmem:$0x18080] =	vst v63  }
0x65: {  	v3 =	vld [tilespmem:$0x30];
	_ =	sdelay $0x4  }
0x66: {  	v59 =	vshrl.u32 v3, $0x3  }
0x67: {  	v4 =	vmul.u32 $0x30, v59  }
0x68: {  	v3 =	vand.u32 $0x7, v3  }
0x69: {  	v3 =	vor.u32 v3, v4  }
0x6a: {  	v4 =	vperm.xlane v3, v0;
	_ =	sdelay $0x1  }
0x6b: {  	v4 =	vadd.s32 v1, v4;
	_ =	sdelay $0x3  }
0x6c: {  	s0 =	rddreg [dreg:$0x15];
	v3 =	vperm.xlane v3, v2  }
0x6d: {  	[tilespmem:s0], [sflag:$0x1] =	stream.indirect_vreg.gather [hbm4b:s3+s2], $0x80, v4, vm0, $0xb8;
	[tilespmem:$0x18080] =	vst v63  }
0x6e: {  	s9 =	rddreg [dreg:$0x16];
	v3 =	vadd.s32 v1, v3  }
0x6f: {  	[tilespmem:s9], [sflag:$0x1] =	stream.indirect_vreg.gather [hbm4b:s4+s2], $0x80, v4, vm0, $0xb8;
	[tilespmem:$0x18080] =	vst v63  }
0x70: {  	s0 =	rddreg [dreg:$0x17]  }
0x71: {  	[tilespmem:s0], [sflag:$0x1] =	stream.indirect_vreg.gather [hbm4b:s5+s2], $0x80, v4, vm0, $0xb8;
	[tilespmem:$0x18080] =	vst v63  }
0x72: {  	s9 =	rddreg [dreg:$0x18]  }
0x73: {  	[tilespmem:s9], [sflag:$0x1] =	stream.indirect_vreg.gather [hbm4b:s3+s2], $0x80, v3, vm0, $0xb8;
	[tilespmem:$0x18080] =	vst v63  }
0x74: {  	s0 =	rddreg [dreg:$0x19]  }
0x75: {  	[tilespmem:s0], [sflag:$0x1] =	stream.indirect_vreg.gather [hbm4b:s4+s2], $0x80, v3, vm0, $0xb8;
	[tilespmem:$0x18080] =	vst v63  }
0x76: {  	s9 =	rddreg [dreg:$0x1a]  }
0x77: {  	[tilespmem:s9], [sflag:$0x1] =	stream.indirect_vreg.gather [hbm4b:s5+s2], $0x80, v3, vm0, $0xb8;
	[tilespmem:$0x18080] =	vst v63  }
0x78: {  	v3 =	vld [tilespmem:$0x40];
	_ =	sdelay $0x4  }
0x79: {  	v60 =	vshrl.u32 v3, $0x3  }
0x7a: {  	v4 =	vmul.u32 $0x30, v60  }
0x7b: {  	v3 =	vand.u32 $0x7, v3  }
0x7c: {  	v3 =	vor.u32 v3, v4  }
0x7d: {  	v4 =	vperm.xlane v3, v0;
	_ =	sdelay $0x1  }
0x7e: {  	v4 =	vadd.s32 v1, v4;
	_ =	sdelay $0x3  }
0x7f: {  	s0 =	rddreg [dreg:$0x1b];
	v3 =	vperm.xlane v3, v2  }
0x80: {  	[tilespmem:s0], [sflag:$0x1] =	stream.indirect_vreg.gather [hbm4b:s3+s2], $0x80, v4, vm0, $0xb8;
	[tilespmem:$0x18080] =	vst v63  }
0x81: {  	s9 =	rddreg [dreg:$0x1c];
	v3 =	vadd.s32 v1, v3  }
0x82: {  	[tilespmem:s9], [sflag:$0x1] =	stream.indirect_vreg.gather [hbm4b:s4+s2], $0x80, v4, vm0, $0xb8;
	[tilespmem:$0x18080] =	vst v63  }
0x83: {  	s9 =	simm.s32 $0xD080  }
0x84: {  	[tilespmem:s9], [sflag:$0x1] =	stream.indirect_vreg.gather [hbm4b:s5+s2], $0x80, v4, vm0, $0xb8;
	[tilespmem:$0x18080] =	vst v63  }
0x85: {  	_ = 	snop  }
0x86: {  	[tilespmem:s10], [sflag:$0x1] =	stream.indirect_vreg.gather [hbm4b:s3+s2], $0x80, v3, vm0, $0xb8;
	[tilespmem:$0x18080] =	vst v63  }
0x87: {  	_ = 	snop  }
0x88: {  	[tilespmem:s11], [sflag:$0x1] =	stream.indirect_vreg.gather [hbm4b:s4+s2], $0x80, v3, vm0, $0xb8;
	[tilespmem:$0x18080] =	vst v63  }
0x89: {  	_ = 	snop  }
0x8a: {  	[tilespmem:s12], [sflag:$0x1] =	stream.indirect_vreg.gather [hbm4b:s5+s2], $0x80, v3, vm0, $0xb8;
	[tilespmem:$0x18080] =	vst v63  }
0x8b: {  	v3 =	vld [tilespmem:$0x50];
	_ =	sdelay $0x4  }
0x8c: {  	v61 =	vshrl.u32 v3, $0x3  }
0x8d: {  	v4 =	vmul.u32 $0x30, v61  }
0x8e: {  	v3 =	vand.u32 $0x7, v3  }
0x8f: {  	v3 =	vor.u32 v3, v4  }
0x90: {  	v4 =	vperm.xlane v3, v0;
	_ =	sdelay $0x1  }
0x91: {  	v4 =	vadd.s32 v1, v4;
	_ =	sdelay $0x3  }
0x92: {  	v3 =	vperm.xlane v3, v2  }
0x93: {  	[tilespmem:s13], [sflag:$0x1] =	stream.indirect_vreg.gather [hbm4b:s3+s2], $0x80, v4, vm0, $0xb8;
	[tilespmem:$0x18080] =	vst v63  }
0x94: {  	v3 =	vadd.s32 v1, v3  }
0x95: {  	[tilespmem:s14], [sflag:$0x1] =	stream.indirect_vreg.gather [hbm4b:s4+s2], $0x80, v4, vm0, $0xb8;
	[tilespmem:$0x18080] =	vst v63  }
0x96: {  	_ = 	snop  }
0x97: {  	[tilespmem:s15], [sflag:$0x1] =	stream.indirect_vreg.gather [hbm4b:s5+s2], $0x80, v4, vm0, $0xb8;
	[tilespmem:$0x18080] =	vst v63  }
0x98: {  	_ = 	snop  }
0x99: {  	[tilespmem:s16], [sflag:$0x1] =	stream.indirect_vreg.gather [hbm4b:s3+s2], $0x80, v3, vm0, $0xb8;
	[tilespmem:$0x18080] =	vst v63  }
0x9a: {  	_ = 	snop  }
0x9b: {  	[tilespmem:s17], [sflag:$0x1] =	stream.indirect_vreg.gather [hbm4b:s4+s2], $0x80, v3, vm0, $0xb8;
	[tilespmem:$0x18080] =	vst v63  }
0x9c: {  	_ = 	snop  }
0x9d: {  	[tilespmem:s18], [sflag:$0x1] =	stream.indirect_vreg.gather [hbm4b:s5+s2], $0x80, v3, vm0, $0xb8;
	[tilespmem:$0x18080] =	vst v63  }
0x9e: {  	v3 =	vld [tilespmem:$0x60];
	_ =	sdelay $0x4  }
0x9f: {  	v62 =	vshrl.u32 v3, $0x3  }
0xa0: {  	v4 =	vmul.u32 $0x30, v62  }
0xa1: {  	v3 =	vand.u32 $0x7, v3  }
0xa2: {  	v3 =	vor.u32 v3, v4  }
0xa3: {  	v4 =	vperm.xlane v3, v0;
	_ =	sdelay $0x1  }
0xa4: {  	v4 =	vadd.s32 v1, v4;
	_ =	sdelay $0x3  }
0xa5: {  	v3 =	vperm.xlane v3, v2  }
0xa6: {  	[tilespmem:s19], [sflag:$0x1] =	stream.indirect_vreg.gather [hbm4b:s3+s2], $0x80, v4, vm0, $0xb8;
	[tilespmem:$0x18080] =	vst v63  }
0xa7: {  	v3 =	vadd.s32 v1, v3  }
0xa8: {  	[tilespmem:s20], [sflag:$0x1] =	stream.indirect_vreg.gather [hbm4b:s4+s2], $0x80, v4, vm0, $0xb8;
	[tilespmem:$0x18080] =	vst v63  }
0xa9: {  	_ = 	snop  }
0xaa: {  	[tilespmem:s21], [sflag:$0x1] =	stream.indirect_vreg.gather [hbm4b:s5+s2], $0x80, v4, vm0, $0xb8;
	[tilespmem:$0x18080] =	vst v63  }
0xab: {  	_ = 	snop  }
0xac: {  	[tilespmem:s22], [sflag:$0x1] =	stream.indirect_vreg.gather [hbm4b:s3+s2], $0x80, v3, vm0, $0xb8;
	[tilespmem:$0x18080] =	vst v63  }
0xad: {  	_ = 	snop  }
0xae: {  	[tilespmem:s23], [sflag:$0x1] =	stream.indirect_vreg.gather [hbm4b:s4+s2], $0x80, v3, vm0, $0xb8;
	[tilespmem:$0x18080] =	vst v63  }
0xaf: {  	_ = 	snop  }
0xb0: {  	[tilespmem:s24], [sflag:$0x1] =	stream.indirect_vreg.gather [hbm4b:s5+s2], $0x80, v3, vm0, $0xb8;
	[tilespmem:$0x18080] =	vst v63  }
0xb1: {  	v3 =	vld [tilespmem:$0x70];
	_ =	sdelay $0x4  }
0xb2: {  	v63 =	vshrl.u32 v3, $0x3  }
0xb3: {  	v4 =	vmul.u32 $0x30, v63  }
0xb4: {  	v3 =	vand.u32 $0x7, v3  }
0xb5: {  	v3 =	vor.u32 v3, v4  }
0xb6: {  	v4 =	vperm.xlane v3, v0;
	_ =	sdelay $0x1  }
0xb7: {  	v4 =	vadd.s32 v1, v4;
	_ =	sdelay $0x3  }
0xb8: {  	v3 =	vperm.xlane v3, v2  }
0xb9: {  	[tilespmem:s25], [sflag:$0x1] =	stream.indirect_vreg.gather [hbm4b:s3+s2], $0x80, v4, vm0, $0xb8;
	[tilespmem:$0x18080] =	vst v63  }
0xba: {  	v3 =	vadd.s32 v1, v3  }
0xbb: {  	[tilespmem:s26], [sflag:$0x1] =	stream.indirect_vreg.gather [hbm4b:s4+s2], $0x80, v4, vm0, $0xb8;
	[tilespmem:$0x18080] =	vst v63  }
0xbc: {  	_ = 	snop  }
0xbd: {  	[tilespmem:s28], [sflag:$0x1] =	stream.indirect_vreg.gather [hbm4b:s5+s2], $0x80, v4, vm0, $0xb8;
	[tilespmem:$0x18080] =	vst v63  }
0xbe: {  	_ = 	snop  }
0xbf: {  	[tilespmem:s29], [sflag:$0x1] =	stream.indirect_vreg.gather [hbm4b:s3+s2], $0x80, v3, vm0, $0xb8;
	[tilespmem:$0x18080] =	vst v63  }
0xc0: {  	_ = 	snop  }
0xc1: {  	[tilespmem:s30], [sflag:$0x1] =	stream.indirect_vreg.gather [hbm4b:s4+s2], $0x80, v3, vm0, $0xb8;
	[tilespmem:$0x18080] =	vst v63  }
0xc2: {  	_ = 	snop  }
0xc3: {  	[tilespmem:s31], [sflag:$0x1] =	stream.indirect_vreg.gather [hbm4b:s5+s2], $0x80, v3, vm0, $0xb8;
	[tilespmem:$0x18080] =	vst v63  }
0xc4: {  	_ =	swait.ge [sflag:s1], $0x18000  }
0xc5: {  	p0 =	sne.s32 s6, $0x1;
	[sflag:s1] =	ssyncset.done $0x0  }
.Ltmp0:
0xc6: {  	s9 =	rddreg [dreg:$0x3];
	[sflag:s1] =	ssyncadd.s32 $0xFFFE8000;
	(pc) =	sbr.rel @p0 .LBB2_1-.Ltmp0, $4  }
0xc7: {  	[hbm4b:s9+s2] =	stream.linear.scatter [tilespmem:s8], [sflag:$0x2], $0x18000, $0x38;
	[tilespmem:$0x18080] =	vst v63  }
0xc8: {  	_ =	swait.ge [sflag:s7], $0x18000  }
0xc9: {  	[sflag:s7] =	ssyncset.done $0x0  }
0xca: {  	s6 =	sadd.s32 $0xFFFFFFFF, s6;
	[sflag:s7] =	ssyncadd.s32 $0xFFFE8000  }
0xcb: {  	_ =	sfence.sel $0x180000  }
0xcc: {  	[bflag:$0x0] =	sbarrier.arrive $0xFFFF  }
0xcd: {  	_ =	strace $0x9000004A  }
0xce: {  	s0 =	stileid.u32;
	[bflag:$0x2] =	sbarrier.arrive $0xFFFF  }
0xcf: {  	p0 =	sne.s32 s0, $0x0;
	s0 =	rddreg [dreg:$0x1]  }
0xd0: {  	s0 =	sadd.s32 @!p0 $0x100000, s0  }
0xd1: {  	[sflag:s0] =	ssyncadd.tile.s32 @!p0 $0x1;
	_ =	shalt  }
.Lfunc_end2:
_tile_overlayer_lowered:
.L_overlay_start_2:
0xd2: {  	(tag) =	ssettag $0x2  }
0xd3: {  	s0 =	rddreg [dreg:$0x0];
	s2 =	stileid.u32  }
0xd4: {  	s1 =	rddreg [dreg:$0x1];
	p0 =	sne.s32 s2, $0x0  }
0xd5: {  	s3 =	rddreg [dreg:$0x2];
	[bflag:$0x3] =	sbarrier.arrive $0xFFFF;
	s2 =	simm.s32 @!p0 $0x1C02  }
0xd6: {  	[timem:s3], [sflag:s2] =	dma.local @!p0 [hbm:s0], s1  }
0xd7: {  	s0 =	simm.s32 @!p0 $0x2  }
0xd8: {  	_ =	swait.ge @!p0 [sflag:s0], s1  }
0xd9: {  	s1 =	ssub.s32 @!p0 $0x0, s1;
	[sflag:s0] =	ssyncset.done @!p0 $0x0  }
0xda: {  	[sflag:s0] =	ssyncadd.s32 @!p0 s1  }
0xdb: {  	[bflag:$0x3] =	sbarrier.arrive $0xFFFF  }
0xdc: {  	_ =	shalt  }

</sc_bundles>
